<compile_context>
chip_gen: v7x
topology: tpu7x:2x2x1
jax: 0.10.2.dev20260603
libtpu: 0.0.44.dev20260713+nightly
codegen_flags: <defaults>
</compile_context>

<pallas_src>
import functools

import jax
import jax.numpy as jnp
from jax import lax
from jax.experimental import pallas as pl
from jax.experimental.pallas import tpu as pltpu
from jax.experimental.pallas import tpu_sc as plsc

N_ROWS = 2097152
NUM_GROUPS = 8192
NUM_CORES = 2
NUM_SUBCORES = 16
LANES = 16
NW = NUM_CORES * NUM_SUBCORES
ROWS_PER_W = N_ROWS // NW
CHUNK = 8192
NCHUNK = ROWS_PER_W // CHUNK

_mesh = plsc.VectorSubcoreMesh(
    core_axis_name="c", subcore_axis_name="s",
    num_cores=NUM_CORES, num_subcores=NUM_SUBCORES)


@functools.partial(
    pl.kernel,
    out_type=(
        jax.ShapeDtypeStruct((NW, NUM_GROUPS), jnp.float32),
        jax.ShapeDtypeStruct((NW, NUM_GROUPS), jnp.float32),
        jax.ShapeDtypeStruct((NW, LANES), jnp.float32),
    ),
    mesh=_mesh,
    compiler_params=pltpu.CompilerParams(needs_layout_passes=False),
    scratch_types=[
        pltpu.VMEM((CHUNK,), jnp.float32),
        pltpu.VMEM((CHUNK,), jnp.float32),
        pltpu.VMEM((CHUNK,), jnp.float32),
        pltpu.VMEM((CHUNK,), jnp.float32),
        pltpu.VMEM((CHUNK,), jnp.int32),
        pltpu.VMEM((CHUNK,), jnp.int32),
        pltpu.VMEM((NUM_GROUPS,), jnp.float32),
        pltpu.VMEM((NUM_GROUPS,), jnp.float32),
        pltpu.VMEM((LANES,), jnp.float32),
        pltpu.SemaphoreType.DMA,
        pltpu.SemaphoreType.DMA,
    ],
)
def _sc_pass(pred_hbm, count_hbm, groups_hbm, out_s, out_c, out_p,
             pred_v0, pred_v1, count_v0, count_v1, g_v0, g_v1,
             acc_s, acc_c, pc_v, sem0, sem1):
    wid = lax.axis_index("c") * NUM_SUBCORES + lax.axis_index("s")
    lane = lax.iota(jnp.int32, LANES)
    is15 = lane == (LANES - 1)
    shift_idx = jnp.minimum(lane + 1, LANES - 1)
    zero16 = jnp.zeros((LANES,), jnp.float32)
    sems = (sem0, sem1)
    pred_bufs = (pred_v0, pred_v1)
    count_bufs = (count_v0, count_v1)
    g_bufs = (g_v0, g_v1)

    @plsc.parallel_loop(0, NUM_GROUPS // LANES, unroll=8)
    def _(i):
        acc_s[pl.ds(i * LANES, LANES)] = zero16
        acc_c[pl.ds(i * LANES, LANES)] = zero16

    def start_copies(ci, slot):
        base = wid * ROWS_PER_W + ci * CHUNK
        sem = sems[slot]
        return (
            pltpu.async_copy(pred_hbm.at[pl.ds(base, CHUNK)], pred_bufs[slot], sem),
            pltpu.async_copy(count_hbm.at[pl.ds(base, CHUNK)], count_bufs[slot], sem),
            pltpu.async_copy(groups_hbm.at[pl.ds(base, CHUNK)], g_bufs[slot], sem),
        )

    pc = zero16
    handles = start_copies(0, 0)
    for ci in range(NCHUNK):
        slot = ci % 2
        nxt = None
        if ci + 1 < NCHUNK:
            nxt = start_copies(ci + 1, 1 - slot)
        for h in handles:
            h.wait()
        gs = g_bufs[slot]
        prs = pred_bufs[slot]
        cts = count_bufs[slot]

        @plsc.parallel_loop(0, CHUNK // LANES, unroll=4, carry=pc)
        def pc(i, pc, gs=gs, prs=prs, cts=cts):
            off = i * LANES
            g = gs[pl.ds(off, LANES)]
            gn = lax.gather(
                g, shift_idx[:, None],
                lax.GatherDimensionNumbers(
                    offset_dims=(), collapsed_slice_dims=(0,),
                    start_index_map=(0,)),
                (1,), mode=lax.GatherScatterMode.PROMISE_IN_BOUNDS)
            pr = prs[pl.ds(off, LANES)]
            ct = cts[pl.ds(off, LANES)]
            e = jnp.exp(pr)
            pc = pc + pr * ct
            ps = plsc.cumsum(e)
            pcnt = plsc.cumsum(ct)
            isend = g != gn
            m_add = isend | is15
            m_sub = isend & jnp.logical_not(is15)
            plsc.addupdate_scatter(acc_s, [g], ps, mask=m_add)
            plsc.addupdate_scatter(acc_s, [gn], -ps, mask=m_sub)
            plsc.addupdate_scatter(acc_c, [g], pcnt, mask=m_add)
            plsc.addupdate_scatter(acc_c, [gn], -pcnt, mask=m_sub)
            return pc

        handles = nxt
    pc_v[...] = pc
    pltpu.sync_copy(acc_s, out_s.at[wid])
    pltpu.sync_copy(acc_c, out_c.at[wid])
    pltpu.sync_copy(pc_v, out_p.at[wid])


def _tc_body(s_ref, c_ref, p_ref, o_ref):
    s = jnp.sum(s_ref[...], axis=0)
    c = jnp.sum(c_ref[...], axis=0)
    nonempty = s > 0.0
    contrib = jnp.where(nonempty, jnp.log(jnp.where(nonempty, s, 1.0)) * c, 0.0)
    o_ref[0, 0] = (jnp.sum(contrib) - jnp.sum(p_ref[...])) * (1.0 / N_ROWS)


_tc_finish = pl.pallas_call(
    _tc_body,
    out_shape=jax.ShapeDtypeStruct((1, 1), jnp.float32),
    out_specs=pl.BlockSpec(memory_space=pltpu.SMEM),
)


def kernel(pred, count, groups):
    pred1 = pred.reshape(N_ROWS)
    count1 = count.reshape(N_ROWS)
    out_s, out_c, out_p = _sc_pass(pred1, count1, groups)
    return _tc_finish(out_s, out_c, out_p)[0, 0]

# --- scband reference (transcript-rebuilt; emitter-appended) ---
"""Pipeline reference for scband-strank-loss-24429773979782 (READ-ONLY COPY).

The authoritative reference and input builder live on the scoring server;
editing this copy changes nothing except your own understanding.
"""

import jax, jax.numpy as jnp
import numpy as np

N = 2097152
G = 8192

def setup_inputs(seed: int = 0):
    key = jax.random.key(seed)
    k1, k2, k3 = jax.random.split(key, 3)
    pred = jax.random.normal(k1, (N, 1), dtype=jnp.float32)
    count = jax.random.uniform(k2, (N, 1), dtype=jnp.float32)
    groups = jnp.sort(jax.random.randint(k3, (N,), 0, G, dtype=jnp.int32))
    return {"pred": pred, "count": count, "groups": groups}

def reference(pred, count, groups):
    # Per-group log-softmax over dim=-2 (the within-group row dim), implemented
    # with segment reductions. Equivalent to the torch loop over unique group
    # ids followed by cat+mean, since mean over the concatenation equals mean
    # over all elements.
    m = jax.ops.segment_max(pred, groups, num_segments=G)
    m = jax.lax.stop_gradient(m)
    shifted = pred - m[groups]
    s = jax.ops.segment_sum(jnp.exp(shifted), groups, num_segments=G)
    lse = m + jnp.log(s)
    logsm = pred - lse[groups]
    loss = -logsm * count
    return jnp.mean(loss)

if __name__ == "__main__":
    import jax
    _d = setup_inputs()
    print(jax.jit(kernel)(*tuple(_d.values())))

</pallas_src>

<mosaic_0001>
#map = affine_map<(d0, d1) -> (0)>
#map1 = affine_map<(d0, d1) -> (0, 0)>
module attributes {stable_mosaic.version = 14 : i64} {
  func.func @_sc_pass(%arg0: i32, %arg1: i32, %arg2: memref<2097152xf32, #tpu.memory_space<hbm>>, %arg3: memref<2097152xf32, #tpu.memory_space<hbm>>, %arg4: memref<2097152xi32, #tpu.memory_space<hbm>>, %arg5: memref<32x8192xf32, #tpu.memory_space<hbm>>, %arg6: memref<32x8192xf32, #tpu.memory_space<hbm>>, %arg7: memref<32x16xf32, #tpu.memory_space<hbm>>, %arg8: memref<8192xf32, #tpu.memory_space<vmem>>, %arg9: memref<8192xf32, #tpu.memory_space<vmem>>, %arg10: memref<8192xf32, #tpu.memory_space<vmem>>, %arg11: memref<8192xf32, #tpu.memory_space<vmem>>, %arg12: memref<8192xi32, #tpu.memory_space<vmem>>, %arg13: memref<8192xi32, #tpu.memory_space<vmem>>, %arg14: memref<8192xf32, #tpu.memory_space<vmem>>, %arg15: memref<8192xf32, #tpu.memory_space<vmem>>, %arg16: memref<16xf32, #tpu.memory_space<vmem>>, %arg17: memref<!tpu.dma_semaphore, #tpu.memory_space<semaphore_mem>>, %arg18: memref<!tpu.dma_semaphore, #tpu.memory_space<semaphore_mem>>) attributes {dimension_semantics = [#tpu.dimension_semantics<core_parallel>, #tpu.dimension_semantics<subcore_parallel>], iteration_bounds = array<i64: 2, 16>, scalar_prefetch = 0 : i64, scratch_operands = 11 : i64, tpu.core_type = #tpu.core_type<sc_vector_subcore>, window_params = [{transform_indices = #map}, {transform_indices = #map}, {transform_indices = #map}, {transform_indices = #map1}, {transform_indices = #map1}, {transform_indices = #map1}]} {
    %mul3A = arith.constant 16 : i32
    %mul3A_0 = arith.muli %arg0, %mul3A : i32
    %add3A = arith.addi %mul3A_0, %arg1 : i32
    %iota3A = tpu.iota {dimensions = array<i32: 0>} : vector<16xi32>
    %eq3A = arith.constant 15 : i32
    %eq3A_1 = vector.broadcast %eq3A : i32 to vector<16xi32>
    %eq3A_2 = arith.cmpi eq, %iota3A, %eq3A_1 : vector<16xi32>
    %add3A_3 = arith.constant 1 : i32
    %add3A_4 = vector.broadcast %add3A_3 : i32 to vector<16xi32>
    %add3A_5 = arith.addi %iota3A, %add3A_4 : vector<16xi32>
    %min3A = arith.constant 15 : i32
    %min3A_6 = vector.broadcast %min3A : i32 to vector<16xi32>
    %min3A_7 = arith.minsi %add3A_5, %min3A_6 : vector<16xi32>
    %broadcast_in_dim3A = arith.constant 0.000000e+00 : f32
    %broadcast_in_dim3A_8 = vector.broadcast %broadcast_in_dim3A : f32 to vector<16xf32>
    %parallel_loop3A = arith.constant 0 : i32
    %parallel_loop3A_9 = arith.constant 512 : i32
    %parallel_loop3A_10 = arith.constant 1 : i32
    scf.for %parallel_loop3A_170 = %parallel_loop3A to %parallel_loop3A_9 step %parallel_loop3A_10  : i32 {
      %parallel_loop3A_171 = arith.constant 16 : i32
      %parallel_loop3A_172 = arith.muli %parallel_loop3A_170, %parallel_loop3A_171 : i32
      %parallel_loop3A_173 = arith.index_cast %parallel_loop3A_172 : i32 to index
      %parallel_loop3A_174 = tpu.vector_load %arg14[%parallel_loop3A_173] {strides = array<i32>} : memref<8192xf32, #tpu.memory_space<vmem>>, vector<16xf32>,
      tpu.vector_store %arg14[%parallel_loop3A_173], %broadcast_in_dim3A_8 {strides = array<i32>} : memref<8192xf32, #tpu.memory_space<vmem>>, vector<16xf32>,
      %parallel_loop3A_175 = arith.constant 16 : i32
      %parallel_loop3A_176 = arith.muli %parallel_loop3A_170, %parallel_loop3A_175 : i32
      %parallel_loop3A_177 = arith.index_cast %parallel_loop3A_176 : i32 to index
      %parallel_loop3A_178 = tpu.vector_load %arg15[%parallel_loop3A_177] {strides = array<i32>} : memref<8192xf32, #tpu.memory_space<vmem>>, vector<16xf32>,
      tpu.vector_store %arg15[%parallel_loop3A_177], %broadcast_in_dim3A_8 {strides = array<i32>} : memref<8192xf32, #tpu.memory_space<vmem>>, vector<16xf32>,
    } {sc.loop_unroll_factor = 8 : i64, sc.parallel_access}
    %mul3A_11 = arith.constant 65536 : i32
    %mul3A_12 = arith.muli %add3A, %mul3A_11 : i32
    %add3A_13 = arith.constant 0 : i32
    %add3A_14 = arith.addi %mul3A_12, %add3A_13 : i32
    %dma_start3A = tpu.memref_slice %arg2[%add3A_14] : memref<2097152xf32, #tpu.memory_space<hbm>> -> memref<8192xf32, #tpu.memory_space<hbm>>
    %dma_start3A_15 = tpu.memref_slice %arg2[%add3A_14] : memref<2097152xf32, #tpu.memory_space<hbm>> -> memref<8192xf32, #tpu.memory_space<hbm>>
    tpu.enqueue_dma source(%dma_start3A_15 : memref<8192xf32, #tpu.memory_space<hbm>>) target(%arg8 : memref<8192xf32, #tpu.memory_space<vmem>>) target_semaphore(%arg17 : memref<!tpu.dma_semaphore, #tpu.memory_space<semaphore_mem>>)
    %dma_start3A_16 = tpu.memref_slice %arg3[%add3A_14] : memref<2097152xf32, #tpu.memory_space<hbm>> -> memref<8192xf32, #tpu.memory_space<hbm>>
    %dma_start3A_17 = tpu.memref_slice %arg3[%add3A_14] : memref<2097152xf32, #tpu.memory_space<hbm>> -> memref<8192xf32, #tpu.memory_space<hbm>>
    tpu.enqueue_dma source(%dma_start3A_17 : memref<8192xf32, #tpu.memory_space<hbm>>) target(%arg10 : memref<8192xf32, #tpu.memory_space<vmem>>) target_semaphore(%arg17 : memref<!tpu.dma_semaphore, #tpu.memory_space<semaphore_mem>>)
    %dma_start3A_18 = tpu.memref_slice %arg4[%add3A_14] : memref<2097152xi32, #tpu.memory_space<hbm>> -> memref<8192xi32, #tpu.memory_space<hbm>>
    %dma_start3A_19 = tpu.memref_slice %arg4[%add3A_14] : memref<2097152xi32, #tpu.memory_space<hbm>> -> memref<8192xi32, #tpu.memory_space<hbm>>
    tpu.enqueue_dma source(%dma_start3A_19 : memref<8192xi32, #tpu.memory_space<hbm>>) target(%arg12 : memref<8192xi32, #tpu.memory_space<vmem>>) target_semaphore(%arg17 : memref<!tpu.dma_semaphore, #tpu.memory_space<semaphore_mem>>)
    %mul3A_20 = arith.constant 65536 : i32
    %mul3A_21 = arith.muli %add3A, %mul3A_20 : i32
    %add3A_22 = arith.constant 8192 : i32
    %add3A_23 = arith.addi %mul3A_21, %add3A_22 : i32
    %dma_start3A_24 = tpu.memref_slice %arg2[%add3A_23] : memref<2097152xf32, #tpu.memory_space<hbm>> -> memref<8192xf32, #tpu.memory_space<hbm>>
    %dma_start3A_25 = tpu.memref_slice %arg2[%add3A_23] : memref<2097152xf32, #tpu.memory_space<hbm>> -> memref<8192xf32, #tpu.memory_space<hbm>>
    tpu.enqueue_dma source(%dma_start3A_25 : memref<8192xf32, #tpu.memory_space<hbm>>) target(%arg9 : memref<8192xf32, #tpu.memory_space<vmem>>) target_semaphore(%arg18 : memref<!tpu.dma_semaphore, #tpu.memory_space<semaphore_mem>>)
    %dma_start3A_26 = tpu.memref_slice %arg3[%add3A_23] : memref<2097152xf32, #tpu.memory_space<hbm>> -> memref<8192xf32, #tpu.memory_space<hbm>>
    %dma_start3A_27 = tpu.memref_slice %arg3[%add3A_23] : memref<2097152xf32, #tpu.memory_space<hbm>> -> memref<8192xf32, #tpu.memory_space<hbm>>
    tpu.enqueue_dma source(%dma_start3A_27 : memref<8192xf32, #tpu.memory_space<hbm>>) target(%arg11 : memref<8192xf32, #tpu.memory_space<vmem>>) target_semaphore(%arg18 : memref<!tpu.dma_semaphore, #tpu.memory_space<semaphore_mem>>)
    %dma_start3A_28 = tpu.memref_slice %arg4[%add3A_23] : memref<2097152xi32, #tpu.memory_space<hbm>> -> memref<8192xi32, #tpu.memory_space<hbm>>
    %dma_start3A_29 = tpu.memref_slice %arg4[%add3A_23] : memref<2097152xi32, #tpu.memory_space<hbm>> -> memref<8192xi32, #tpu.memory_space<hbm>>
    tpu.enqueue_dma source(%dma_start3A_29 : memref<8192xi32, #tpu.memory_space<hbm>>) target(%arg13 : memref<8192xi32, #tpu.memory_space<vmem>>) target_semaphore(%arg18 : memref<!tpu.dma_semaphore, #tpu.memory_space<semaphore_mem>>)
    %dma_wait3A = tpu.memref_slice %arg2[%add3A_14] : memref<2097152xf32, #tpu.memory_space<hbm>> -> memref<8192xf32, #tpu.memory_space<hbm>>
    %dma_wait3A_30 = tpu.memref_slice %arg2[%add3A_14] : memref<2097152xf32, #tpu.memory_space<hbm>> -> memref<8192xf32, #tpu.memory_space<hbm>>
    tpu.wait_dma2 semaphore(%arg17 : memref<!tpu.dma_semaphore, #tpu.memory_space<semaphore_mem>>) src(%dma_wait3A_30 : memref<8192xf32, #tpu.memory_space<hbm>>) dst(%arg8 : memref<8192xf32, #tpu.memory_space<vmem>>)
    %dma_wait3A_31 = tpu.memref_slice %arg3[%add3A_14] : memref<2097152xf32, #tpu.memory_space<hbm>> -> memref<8192xf32, #tpu.memory_space<hbm>>
    %dma_wait3A_32 = tpu.memref_slice %arg3[%add3A_14] : memref<2097152xf32, #tpu.memory_space<hbm>> -> memref<8192xf32, #tpu.memory_space<hbm>>
    tpu.wait_dma2 semaphore(%arg17 : memref<!tpu.dma_semaphore, #tpu.memory_space<semaphore_mem>>) src(%dma_wait3A_32 : memref<8192xf32, #tpu.memory_space<hbm>>) dst(%arg10 : memref<8192xf32, #tpu.memory_space<vmem>>)
    %dma_wait3A_33 = tpu.memref_slice %arg4[%add3A_14] : memref<2097152xi32, #tpu.memory_space<hbm>> -> memref<8192xi32, #tpu.memory_space<hbm>>
    %dma_wait3A_34 = tpu.memref_slice %arg4[%add3A_14] : memref<2097152xi32, #tpu.memory_space<hbm>> -> memref<8192xi32, #tpu.memory_space<hbm>>
    tpu.wait_dma2 semaphore(%arg17 : memref<!tpu.dma_semaphore, #tpu.memory_space<semaphore_mem>>) src(%dma_wait3A_34 : memref<8192xi32, #tpu.memory_space<hbm>>) dst(%arg12 : memref<8192xi32, #tpu.memory_space<vmem>>)
    %parallel_loop3A_35 = arith.constant 0 : i32
    %parallel_loop3A_36 = arith.constant 512 : i32
    %parallel_loop3A_37 = arith.constant 1 : i32
    %parallel_loop3A_38 = scf.for %parallel_loop3A_170 = %parallel_loop3A_35 to %parallel_loop3A_36 step %parallel_loop3A_37 iter_args(%parallel_loop3A_171 = %broadcast_in_dim3A_8) -> (vector<16xf32>)  : i32 {
      %parallel_loop3A_172 = arith.constant 16 : i32
      %parallel_loop3A_173 = arith.muli %parallel_loop3A_170, %parallel_loop3A_172 : i32
      %parallel_loop3A_174 = arith.index_cast %parallel_loop3A_173 : i32 to index
      %parallel_loop3A_175 = tpu.vector_load %arg12[%parallel_loop3A_174] {strides = array<i32>} : memref<8192xi32, #tpu.memory_space<vmem>>, vector<16xi32>,
      %parallel_loop3A_176 = vector.shape_cast %min3A_7 : vector<16xi32> to vector<16x1xi32>
      %parallel_loop3A_177 = vector.shape_cast %parallel_loop3A_176 : vector<16x1xi32> to vector<16xi32>
      %parallel_loop3A_178 = tpu.dynamic_gather %parallel_loop3A_175[%parallel_loop3A_177] in [0] : vector<16xi32>, vector<16xi32> -> vector<16xi32>
      %parallel_loop3A_179 = arith.index_cast %parallel_loop3A_173 : i32 to index
      %parallel_loop3A_180 = tpu.vector_load %arg8[%parallel_loop3A_179] {strides = array<i32>} : memref<8192xf32, #tpu.memory_space<vmem>>, vector<16xf32>,
      %parallel_loop3A_181 = arith.index_cast %parallel_loop3A_173 : i32 to index
      %parallel_loop3A_182 = tpu.vector_load %arg10[%parallel_loop3A_181] {strides = array<i32>} : memref<8192xf32, #tpu.memory_space<vmem>>, vector<16xf32>,
      %parallel_loop3A_183 = math.exp %parallel_loop3A_180 : vector<16xf32>
      %parallel_loop3A_184 = arith.mulf %parallel_loop3A_180, %parallel_loop3A_182 : vector<16xf32>
      %parallel_loop3A_185 = arith.addf %parallel_loop3A_171, %parallel_loop3A_184 : vector<16xf32>
      %parallel_loop3A_186 = arith.constant true
      %parallel_loop3A_187 = vector.broadcast %parallel_loop3A_186 : i1 to vector<16xi1>
      %parallel_loop3A_188 = tpu.scan <sum>, %parallel_loop3A_183 masked %parallel_loop3A_187 : vector<16xf32>, vector<16xi1> -> vector<16xf32>
      %parallel_loop3A_189 = arith.constant true
      %parallel_loop3A_190 = vector.broadcast %parallel_loop3A_189 : i1 to vector<16xi1>
      %parallel_loop3A_191 = tpu.scan <sum>, %parallel_loop3A_182 masked %parallel_loop3A_190 : vector<16xf32>, vector<16xi1> -> vector<16xf32>
      %parallel_loop3A_192 = arith.cmpi ne, %parallel_loop3A_175, %parallel_loop3A_178 : vector<16xi32>
      %parallel_loop3A_193 = arith.ori %parallel_loop3A_192, %eq3A_2 : vector<16xi1>
      %parallel_loop3A_194 = arith.constant dense<true> : vector<16xi1>
      %parallel_loop3A_195 = arith.xori %eq3A_2, %parallel_loop3A_194 : vector<16xi1>
      %parallel_loop3A_196 = arith.andi %parallel_loop3A_192, %parallel_loop3A_195 : vector<16xi1>
      tpu.vector_store_idx %arg14[%parallel_loop3A_175], %parallel_loop3A_188 masked %parallel_loop3A_193 {add = true} : memref<8192xf32, #tpu.memory_space<vmem>>[vector<16xi32>], vector<16xf32>, vector<16xi1>
      %parallel_loop3A_197 = arith.constant 0.000000e+00 : f32
      %parallel_loop3A_198 = vector.broadcast %parallel_loop3A_197 : f32 to vector<16xf32>
      %parallel_loop3A_199 = arith.subf %parallel_loop3A_198, %parallel_loop3A_188 : vector<16xf32>
      tpu.vector_store_idx %arg14[%parallel_loop3A_178], %parallel_loop3A_199 masked %parallel_loop3A_196 {add = true} : memref<8192xf32, #tpu.memory_space<vmem>>[vector<16xi32>], vector<16xf32>, vector<16xi1>
      tpu.vector_store_idx %arg15[%parallel_loop3A_175], %parallel_loop3A_191 masked %parallel_loop3A_193 {add = true} : memref<8192xf32, #tpu.memory_space<vmem>>[vector<16xi32>], vector<16xf32>, vector<16xi1>
      %parallel_loop3A_200 = arith.constant 0.000000e+00 : f32
      %parallel_loop3A_201 = vector.broadcast %parallel_loop3A_200 : f32 to vector<16xf32>
      %parallel_loop3A_202 = arith.subf %parallel_loop3A_201, %parallel_loop3A_191 : vector<16xf32>
      tpu.vector_store_idx %arg15[%parallel_loop3A_178], %parallel_loop3A_202 masked %parallel_loop3A_196 {add = true} : memref<8192xf32, #tpu.memory_space<vmem>>[vector<16xi32>], vector<16xf32>, vector<16xi1>
      scf.yield %parallel_loop3A_185 : vector<16xf32>
    } {sc.loop_unroll_factor = 4 : i64, sc.parallel_access}
    %mul3A_39 = arith.constant 65536 : i32
    %mul3A_40 = arith.muli %add3A, %mul3A_39 : i32
    %add3A_41 = arith.constant 16384 : i32
    %add3A_42 = arith.addi %mul3A_40, %add3A_41 : i32
    %dma_start3A_43 = tpu.memref_slice %arg2[%add3A_42] : memref<2097152xf32, #tpu.memory_space<hbm>> -> memref<8192xf32, #tpu.memory_space<hbm>>
    %dma_start3A_44 = tpu.memref_slice %arg2[%add3A_42] : memref<2097152xf32, #tpu.memory_space<hbm>> -> memref<8192xf32, #tpu.memory_space<hbm>>
    tpu.enqueue_dma source(%dma_start3A_44 : memref<8192xf32, #tpu.memory_space<hbm>>) target(%arg8 : memref<8192xf32, #tpu.memory_space<vmem>>) target_semaphore(%arg17 : memref<!tpu.dma_semaphore, #tpu.memory_space<semaphore_mem>>)
    %dma_start3A_45 = tpu.memref_slice %arg3[%add3A_42] : memref<2097152xf32, #tpu.memory_space<hbm>> -> memref<8192xf32, #tpu.memory_space<hbm>>
    %dma_start3A_46 = tpu.memref_slice %arg3[%add3A_42] : memref<2097152xf32, #tpu.memory_space<hbm>> -> memref<8192xf32, #tpu.memory_space<hbm>>
    tpu.enqueue_dma source(%dma_start3A_46 : memref<8192xf32, #tpu.memory_space<hbm>>) target(%arg10 : memref<8192xf32, #tpu.memory_space<vmem>>) target_semaphore(%arg17 : memref<!tpu.dma_semaphore, #tpu.memory_space<semaphore_mem>>)
    %dma_start3A_47 = tpu.memref_slice %arg4[%add3A_42] : memref<2097152xi32, #tpu.memory_space<hbm>> -> memref<8192xi32, #tpu.memory_space<hbm>>
    %dma_start3A_48 = tpu.memref_slice %arg4[%add3A_42] : memref<2097152xi32, #tpu.memory_space<hbm>> -> memref<8192xi32, #tpu.memory_space<hbm>>
    tpu.enqueue_dma source(%dma_start3A_48 : memref<8192xi32, #tpu.memory_space<hbm>>) target(%arg12 : memref<8192xi32, #tpu.memory_space<vmem>>) target_semaphore(%arg17 : memref<!tpu.dma_semaphore, #tpu.memory_space<semaphore_mem>>)
    %dma_wait3A_49 = tpu.memref_slice %arg2[%add3A_23] : memref<2097152xf32, #tpu.memory_space<hbm>> -> memref<8192xf32, #tpu.memory_space<hbm>>
    %dma_wait3A_50 = tpu.memref_slice %arg2[%add3A_23] : memref<2097152xf32, #tpu.memory_space<hbm>> -> memref<8192xf32, #tpu.memory_space<hbm>>
    tpu.wait_dma2 semaphore(%arg18 : memref<!tpu.dma_semaphore, #tpu.memory_space<semaphore_mem>>) src(%dma_wait3A_50 : memref<8192xf32, #tpu.memory_space<hbm>>) dst(%arg9 : memref<8192xf32, #tpu.memory_space<vmem>>)
    %dma_wait3A_51 = tpu.memref_slice %arg3[%add3A_23] : memref<2097152xf32, #tpu.memory_space<hbm>> -> memref<8192xf32, #tpu.memory_space<hbm>>
    %dma_wait3A_52 = tpu.memref_slice %arg3[%add3A_23] : memref<2097152xf32, #tpu.memory_space<hbm>> -> memref<8192xf32, #tpu.memory_space<hbm>>
    tpu.wait_dma2 semaphore(%arg18 : memref<!tpu.dma_semaphore, #tpu.memory_space<semaphore_mem>>) src(%dma_wait3A_52 : memref<8192xf32, #tpu.memory_space<hbm>>) dst(%arg11 : memref<8192xf32, #tpu.memory_space<vmem>>)
    %dma_wait3A_53 = tpu.memref_slice %arg4[%add3A_23] : memref<2097152xi32, #tpu.memory_space<hbm>> -> memref<8192xi32, #tpu.memory_space<hbm>>
    %dma_wait3A_54 = tpu.memref_slice %arg4[%add3A_23] : memref<2097152xi32, #tpu.memory_space<hbm>> -> memref<8192xi32, #tpu.memory_space<hbm>>
    tpu.wait_dma2 semaphore(%arg18 : memref<!tpu.dma_semaphore, #tpu.memory_space<semaphore_mem>>) src(%dma_wait3A_54 : memref<8192xi32, #tpu.memory_space<hbm>>) dst(%arg13 : memref<8192xi32, #tpu.memory_space<vmem>>)
    %parallel_loop3A_55 = arith.constant 0 : i32
    %parallel_loop3A_56 = arith.constant 512 : i32
    %parallel_loop3A_57 = arith.constant 1 : i32
    %parallel_loop3A_58 = scf.for %parallel_loop3A_170 = %parallel_loop3A_55 to %parallel_loop3A_56 step %parallel_loop3A_57 iter_args(%parallel_loop3A_171 = %parallel_loop3A_38) -> (vector<16xf32>)  : i32 {
      %parallel_loop3A_172 = arith.constant 16 : i32
      %parallel_loop3A_173 = arith.muli %parallel_loop3A_170, %parallel_loop3A_172 : i32
      %parallel_loop3A_174 = arith.index_cast %parallel_loop3A_173 : i32 to index
      %parallel_loop3A_175 = tpu.vector_load %arg13[%parallel_loop3A_174] {strides = array<i32>} : memref<8192xi32, #tpu.memory_space<vmem>>, vector<16xi32>,
      %parallel_loop3A_176 = vector.shape_cast %min3A_7 : vector<16xi32> to vector<16x1xi32>
      %parallel_loop3A_177 = vector.shape_cast %parallel_loop3A_176 : vector<16x1xi32> to vector<16xi32>
      %parallel_loop3A_178 = tpu.dynamic_gather %parallel_loop3A_175[%parallel_loop3A_177] in [0] : vector<16xi32>, vector<16xi32> -> vector<16xi32>
      %parallel_loop3A_179 = arith.index_cast %parallel_loop3A_173 : i32 to index
      %parallel_loop3A_180 = tpu.vector_load %arg9[%parallel_loop3A_179] {strides = array<i32>} : memref<8192xf32, #tpu.memory_space<vmem>>, vector<16xf32>,
      %parallel_loop3A_181 = arith.index_cast %parallel_loop3A_173 : i32 to index
      %parallel_loop3A_182 = tpu.vector_load %arg11[%parallel_loop3A_181] {strides = array<i32>} : memref<8192xf32, #tpu.memory_space<vmem>>, vector<16xf32>,
      %parallel_loop3A_183 = math.exp %parallel_loop3A_180 : vector<16xf32>
      %parallel_loop3A_184 = arith.mulf %parallel_loop3A_180, %parallel_loop3A_182 : vector<16xf32>
      %parallel_loop3A_185 = arith.addf %parallel_loop3A_171, %parallel_loop3A_184 : vector<16xf32>
      %parallel_loop3A_186 = arith.constant true
      %parallel_loop3A_187 = vector.broadcast %parallel_loop3A_186 : i1 to vector<16xi1>
      %parallel_loop3A_188 = tpu.scan <sum>, %parallel_loop3A_183 masked %parallel_loop3A_187 : vector<16xf32>, vector<16xi1> -> vector<16xf32>
      %parallel_loop3A_189 = arith.constant true
      %parallel_loop3A_190 = vector.broadcast %parallel_loop3A_189 : i1 to vector<16xi1>
      %parallel_loop3A_191 = tpu.scan <sum>, %parallel_loop3A_182 masked %parallel_loop3A_190 : vector<16xf32>, vector<16xi1> -> vector<16xf32>
      %parallel_loop3A_192 = arith.cmpi ne, %parallel_loop3A_175, %parallel_loop3A_178 : vector<16xi32>
      %parallel_loop3A_193 = arith.ori %parallel_loop3A_192, %eq3A_2 : vector<16xi1>
      %parallel_loop3A_194 = arith.constant dense<true> : vector<16xi1>
      %parallel_loop3A_195 = arith.xori %eq3A_2, %parallel_loop3A_194 : vector<16xi1>
      %parallel_loop3A_196 = arith.andi %parallel_loop3A_192, %parallel_loop3A_195 : vector<16xi1>
      tpu.vector_store_idx %arg14[%parallel_loop3A_175], %parallel_loop3A_188 masked %parallel_loop3A_193 {add = true} : memref<8192xf32, #tpu.memory_space<vmem>>[vector<16xi32>], vector<16xf32>, vector<16xi1>
      %parallel_loop3A_197 = arith.constant 0.000000e+00 : f32
      %parallel_loop3A_198 = vector.broadcast %parallel_loop3A_197 : f32 to vector<16xf32>
      %parallel_loop3A_199 = arith.subf %parallel_loop3A_198, %parallel_loop3A_188 : vector<16xf32>
      tpu.vector_store_idx %arg14[%parallel_loop3A_178], %parallel_loop3A_199 masked %parallel_loop3A_196 {add = true} : memref<8192xf32, #tpu.memory_space<vmem>>[vector<16xi32>], vector<16xf32>, vector<16xi1>
      tpu.vector_store_idx %arg15[%parallel_loop3A_175], %parallel_loop3A_191 masked %parallel_loop3A_193 {add = true} : memref<8192xf32, #tpu.memory_space<vmem>>[vector<16xi32>], vector<16xf32>, vector<16xi1>
      %parallel_loop3A_200 = arith.constant 0.000000e+00 : f32
      %parallel_loop3A_201 = vector.broadcast %parallel_loop3A_200 : f32 to vector<16xf32>
      %parallel_loop3A_202 = arith.subf %parallel_loop3A_201, %parallel_loop3A_191 : vector<16xf32>
      tpu.vector_store_idx %arg15[%parallel_loop3A_178], %parallel_loop3A_202 masked %parallel_loop3A_196 {add = true} : memref<8192xf32, #tpu.memory_space<vmem>>[vector<16xi32>], vector<16xf32>, vector<16xi1>
      scf.yield %parallel_loop3A_185 : vector<16xf32>
    } {sc.loop_unroll_factor = 4 : i64, sc.parallel_access}
    %mul3A_59 = arith.constant 65536 : i32
    %mul3A_60 = arith.muli %add3A, %mul3A_59 : i32
    %add3A_61 = arith.constant 24576 : i32
    %add3A_62 = arith.addi %mul3A_60, %add3A_61 : i32
    %dma_start3A_63 = tpu.memref_slice %arg2[%add3A_62] : memref<2097152xf32, #tpu.memory_space<hbm>> -> memref<8192xf32, #tpu.memory_space<hbm>>
    %dma_start3A_64 = tpu.memref_slice %arg2[%add3A_62] : memref<2097152xf32, #tpu.memory_space<hbm>> -> memref<8192xf32, #tpu.memory_space<hbm>>
    tpu.enqueue_dma source(%dma_start3A_64 : memref<8192xf32, #tpu.memory_space<hbm>>) target(%arg9 : memref<8192xf32, #tpu.memory_space<vmem>>) target_semaphore(%arg18 : memref<!tpu.dma_semaphore, #tpu.memory_space<semaphore_mem>>)
    %dma_start3A_65 = tpu.memref_slice %arg3[%add3A_62] : memref<2097152xf32, #tpu.memory_space<hbm>> -> memref<8192xf32, #tpu.memory_space<hbm>>
    %dma_start3A_66 = tpu.memref_slice %arg3[%add3A_62] : memref<2097152xf32, #tpu.memory_space<hbm>> -> memref<8192xf32, #tpu.memory_space<hbm>>
    tpu.enqueue_dma source(%dma_start3A_66 : memref<8192xf32, #tpu.memory_space<hbm>>) target(%arg11 : memref<8192xf32, #tpu.memory_space<vmem>>) target_semaphore(%arg18 : memref<!tpu.dma_semaphore, #tpu.memory_space<semaphore_mem>>)
    %dma_start3A_67 = tpu.memref_slice %arg4[%add3A_62] : memref<2097152xi32, #tpu.memory_space<hbm>> -> memref<8192xi32, #tpu.memory_space<hbm>>
    %dma_start3A_68 = tpu.memref_slice %arg4[%add3A_62] : memref<2097152xi32, #tpu.memory_space<hbm>> -> memref<8192xi32, #tpu.memory_space<hbm>>
    tpu.enqueue_dma source(%dma_start3A_68 : memref<8192xi32, #tpu.memory_space<hbm>>) target(%arg13 : memref<8192xi32, #tpu.memory_space<vmem>>) target_semaphore(%arg18 : memref<!tpu.dma_semaphore, #tpu.memory_space<semaphore_mem>>)
    %dma_wait3A_69 = tpu.memref_slice %arg2[%add3A_42] : memref<2097152xf32, #tpu.memory_space<hbm>> -> memref<8192xf32, #tpu.memory_space<hbm>>
    %dma_wait3A_70 = tpu.memref_slice %arg2[%add3A_42] : memref<2097152xf32, #tpu.memory_space<hbm>> -> memref<8192xf32, #tpu.memory_space<hbm>>
    tpu.wait_dma2 semaphore(%arg17 : memref<!tpu.dma_semaphore, #tpu.memory_space<semaphore_mem>>) src(%dma_wait3A_70 : memref<8192xf32, #tpu.memory_space<hbm>>) dst(%arg8 : memref<8192xf32, #tpu.memory_space<vmem>>)
    %dma_wait3A_71 = tpu.memref_slice %arg3[%add3A_42] : memref<2097152xf32, #tpu.memory_space<hbm>> -> memref<8192xf32, #tpu.memory_space<hbm>>
    %dma_wait3A_72 = tpu.memref_slice %arg3[%add3A_42] : memref<2097152xf32, #tpu.memory_space<hbm>> -> memref<8192xf32, #tpu.memory_space<hbm>>
    tpu.wait_dma2 semaphore(%arg17 : memref<!tpu.dma_semaphore, #tpu.memory_space<semaphore_mem>>) src(%dma_wait3A_72 : memref<8192xf32, #tpu.memory_space<hbm>>) dst(%arg10 : memref<8192xf32, #tpu.memory_space<vmem>>)
    %dma_wait3A_73 = tpu.memref_slice %arg4[%add3A_42] : memref<2097152xi32, #tpu.memory_space<hbm>> -> memref<8192xi32, #tpu.memory_space<hbm>>
    %dma_wait3A_74 = tpu.memref_slice %arg4[%add3A_42] : memref<2097152xi32, #tpu.memory_space<hbm>> -> memref<8192xi32, #tpu.memory_space<hbm>>
    tpu.wait_dma2 semaphore(%arg17 : memref<!tpu.dma_semaphore, #tpu.memory_space<semaphore_mem>>) src(%dma_wait3A_74 : memref<8192xi32, #tpu.memory_space<hbm>>) dst(%arg12 : memref<8192xi32, #tpu.memory_space<vmem>>)
    %parallel_loop3A_75 = arith.constant 0 : i32
    %parallel_loop3A_76 = arith.constant 512 : i32
    %parallel_loop3A_77 = arith.constant 1 : i32
    %parallel_loop3A_78 = scf.for %parallel_loop3A_170 = %parallel_loop3A_75 to %parallel_loop3A_76 step %parallel_loop3A_77 iter_args(%parallel_loop3A_171 = %parallel_loop3A_58) -> (vector<16xf32>)  : i32 {
      %parallel_loop3A_172 = arith.constant 16 : i32
      %parallel_loop3A_173 = arith.muli %parallel_loop3A_170, %parallel_loop3A_172 : i32
      %parallel_loop3A_174 = arith.index_cast %parallel_loop3A_173 : i32 to index
      %parallel_loop3A_175 = tpu.vector_load %arg12[%parallel_loop3A_174] {strides = array<i32>} : memref<8192xi32, #tpu.memory_space<vmem>>, vector<16xi32>,
      %parallel_loop3A_176 = vector.shape_cast %min3A_7 : vector<16xi32> to vector<16x1xi32>
      %parallel_loop3A_177 = vector.shape_cast %parallel_loop3A_176 : vector<16x1xi32> to vector<16xi32>
      %parallel_loop3A_178 = tpu.dynamic_gather %parallel_loop3A_175[%parallel_loop3A_177] in [0] : vector<16xi32>, vector<16xi32> -> vector<16xi32>
      %parallel_loop3A_179 = arith.index_cast %parallel_loop3A_173 : i32 to index
      %parallel_loop3A_180 = tpu.vector_load %arg8[%parallel_loop3A_179] {strides = array<i32>} : memref<8192xf32, #tpu.memory_space<vmem>>, vector<16xf32>,
      %parallel_loop3A_181 = arith.index_cast %parallel_loop3A_173 : i32 to index
      %parallel_loop3A_182 = tpu.vector_load %arg10[%parallel_loop3A_181] {strides = array<i32>} : memref<8192xf32, #tpu.memory_space<vmem>>, vector<16xf32>,
      %parallel_loop3A_183 = math.exp %parallel_loop3A_180 : vector<16xf32>
      %parallel_loop3A_184 = arith.mulf %parallel_loop3A_180, %parallel_loop3A_182 : vector<16xf32>
      %parallel_loop3A_185 = arith.addf %parallel_loop3A_171, %parallel_loop3A_184 : vector<16xf32>
      %parallel_loop3A_186 = arith.constant true
      %parallel_loop3A_187 = vector.broadcast %parallel_loop3A_186 : i1 to vector<16xi1>
      %parallel_loop3A_188 = tpu.scan <sum>, %parallel_loop3A_183 masked %parallel_loop3A_187 : vector<16xf32>, vector<16xi1> -> vector<16xf32>
      %parallel_loop3A_189 = arith.constant true
      %parallel_loop3A_190 = vector.broadcast %parallel_loop3A_189 : i1 to vector<16xi1>
      %parallel_loop3A_191 = tpu.scan <sum>, %parallel_loop3A_182 masked %parallel_loop3A_190 : vector<16xf32>, vector<16xi1> -> vector<16xf32>
      %parallel_loop3A_192 = arith.cmpi ne, %parallel_loop3A_175, %parallel_loop3A_178 : vector<16xi32>
      %parallel_loop3A_193 = arith.ori %parallel_loop3A_192, %eq3A_2 : vector<16xi1>
      %parallel_loop3A_194 = arith.constant dense<true> : vector<16xi1>
      %parallel_loop3A_195 = arith.xori %eq3A_2, %parallel_loop3A_194 : vector<16xi1>
      %parallel_loop3A_196 = arith.andi %parallel_loop3A_192, %parallel_loop3A_195 : vector<16xi1>
      tpu.vector_store_idx %arg14[%parallel_loop3A_175], %parallel_loop3A_188 masked %parallel_loop3A_193 {add = true} : memref<8192xf32, #tpu.memory_space<vmem>>[vector<16xi32>], vector<16xf32>, vector<16xi1>
      %parallel_loop3A_197 = arith.constant 0.000000e+00 : f32
      %parallel_loop3A_198 = vector.broadcast %parallel_loop3A_197 : f32 to vector<16xf32>
      %parallel_loop3A_199 = arith.subf %parallel_loop3A_198, %parallel_loop3A_188 : vector<16xf32>
      tpu.vector_store_idx %arg14[%parallel_loop3A_178], %parallel_loop3A_199 masked %parallel_loop3A_196 {add = true} : memref<8192xf32, #tpu.memory_space<vmem>>[vector<16xi32>], vector<16xf32>, vector<16xi1>
      tpu.vector_store_idx %arg15[%parallel_loop3A_175], %parallel_loop3A_191 masked %parallel_loop3A_193 {add = true} : memref<8192xf32, #tpu.memory_space<vmem>>[vector<16xi32>], vector<16xf32>, vector<16xi1>
      %parallel_loop3A_200 = arith.constant 0.000000e+00 : f32
      %parallel_loop3A_201 = vector.broadcast %parallel_loop3A_200 : f32 to vector<16xf32>
      %parallel_loop3A_202 = arith.subf %parallel_loop3A_201, %parallel_loop3A_191 : vector<16xf32>
      tpu.vector_store_idx %arg15[%parallel_loop3A_178], %parallel_loop3A_202 masked %parallel_loop3A_196 {add = true} : memref<8192xf32, #tpu.memory_space<vmem>>[vector<16xi32>], vector<16xf32>, vector<16xi1>
      scf.yield %parallel_loop3A_185 : vector<16xf32>
    } {sc.loop_unroll_factor = 4 : i64, sc.parallel_access}
    %mul3A_79 = arith.constant 65536 : i32
    %mul3A_80 = arith.muli %add3A, %mul3A_79 : i32
    %add3A_81 = arith.constant 32768 : i32
    %add3A_82 = arith.addi %mul3A_80, %add3A_81 : i32
    %dma_start3A_83 = tpu.memref_slice %arg2[%add3A_82] : memref<2097152xf32, #tpu.memory_space<hbm>> -> memref<8192xf32, #tpu.memory_space<hbm>>
    %dma_start3A_84 = tpu.memref_slice %arg2[%add3A_82] : memref<2097152xf32, #tpu.memory_space<hbm>> -> memref<8192xf32, #tpu.memory_space<hbm>>
    tpu.enqueue_dma source(%dma_start3A_84 : memref<8192xf32, #tpu.memory_space<hbm>>) target(%arg8 : memref<8192xf32, #tpu.memory_space<vmem>>) target_semaphore(%arg17 : memref<!tpu.dma_semaphore, #tpu.memory_space<semaphore_mem>>)
    %dma_start3A_85 = tpu.memref_slice %arg3[%add3A_82] : memref<2097152xf32, #tpu.memory_space<hbm>> -> memref<8192xf32, #tpu.memory_space<hbm>>
    %dma_start3A_86 = tpu.memref_slice %arg3[%add3A_82] : memref<2097152xf32, #tpu.memory_space<hbm>> -> memref<8192xf32, #tpu.memory_space<hbm>>
    tpu.enqueue_dma source(%dma_start3A_86 : memref<8192xf32, #tpu.memory_space<hbm>>) target(%arg10 : memref<8192xf32, #tpu.memory_space<vmem>>) target_semaphore(%arg17 : memref<!tpu.dma_semaphore, #tpu.memory_space<semaphore_mem>>)
    %dma_start3A_87 = tpu.memref_slice %arg4[%add3A_82] : memref<2097152xi32, #tpu.memory_space<hbm>> -> memref<8192xi32, #tpu.memory_space<hbm>>
    %dma_start3A_88 = tpu.memref_slice %arg4[%add3A_82] : memref<2097152xi32, #tpu.memory_space<hbm>> -> memref<8192xi32, #tpu.memory_space<hbm>>
    tpu.enqueue_dma source(%dma_start3A_88 : memref<8192xi32, #tpu.memory_space<hbm>>) target(%arg12 : memref<8192xi32, #tpu.memory_space<vmem>>) target_semaphore(%arg17 : memref<!tpu.dma_semaphore, #tpu.memory_space<semaphore_mem>>)
    %dma_wait3A_89 = tpu.memref_slice %arg2[%add3A_62] : memref<2097152xf32, #tpu.memory_space<hbm>> -> memref<8192xf32, #tpu.memory_space<hbm>>
    %dma_wait3A_90 = tpu.memref_slice %arg2[%add3A_62] : memref<2097152xf32, #tpu.memory_space<hbm>> -> memref<8192xf32, #tpu.memory_space<hbm>>
    tpu.wait_dma2 semaphore(%arg18 : memref<!tpu.dma_semaphore, #tpu.memory_space<semaphore_mem>>) src(%dma_wait3A_90 : memref<8192xf32, #tpu.memory_space<hbm>>) dst(%arg9 : memref<8192xf32, #tpu.memory_space<vmem>>)
    %dma_wait3A_91 = tpu.memref_slice %arg3[%add3A_62] : memref<2097152xf32, #tpu.memory_space<hbm>> -> memref<8192xf32, #tpu.memory_space<hbm>>
    %dma_wait3A_92 = tpu.memref_slice %arg3[%add3A_62] : memref<2097152xf32, #tpu.memory_space<hbm>> -> memref<8192xf32, #tpu.memory_space<hbm>>
    tpu.wait_dma2 semaphore(%arg18 : memref<!tpu.dma_semaphore, #tpu.memory_space<semaphore_mem>>) src(%dma_wait3A_92 : memref<8192xf32, #tpu.memory_space<hbm>>) dst(%arg11 : memref<8192xf32, #tpu.memory_space<vmem>>)
    %dma_wait3A_93 = tpu.memref_slice %arg4[%add3A_62] : memref<2097152xi32, #tpu.memory_space<hbm>> -> memref<8192xi32, #tpu.memory_space<hbm>>
    %dma_wait3A_94 = tpu.memref_slice %arg4[%add3A_62] : memref<2097152xi32, #tpu.memory_space<hbm>> -> memref<8192xi32, #tpu.memory_space<hbm>>
    tpu.wait_dma2 semaphore(%arg18 : memref<!tpu.dma_semaphore, #tpu.memory_space<semaphore_mem>>) src(%dma_wait3A_94 : memref<8192xi32, #tpu.memory_space<hbm>>) dst(%arg13 : memref<8192xi32, #tpu.memory_space<vmem>>)
    %parallel_loop3A_95 = arith.constant 0 : i32
    %parallel_loop3A_96 = arith.constant 512 : i32
    %parallel_loop3A_97 = arith.constant 1 : i32
    %parallel_loop3A_98 = scf.for %parallel_loop3A_170 = %parallel_loop3A_95 to %parallel_loop3A_96 step %parallel_loop3A_97 iter_args(%parallel_loop3A_171 = %parallel_loop3A_78) -> (vector<16xf32>)  : i32 {
      %parallel_loop3A_172 = arith.constant 16 : i32
      %parallel_loop3A_173 = arith.muli %parallel_loop3A_170, %parallel_loop3A_172 : i32
      %parallel_loop3A_174 = arith.index_cast %parallel_loop3A_173 : i32 to index
      %parallel_loop3A_175 = tpu.vector_load %arg13[%parallel_loop3A_174] {strides = array<i32>} : memref<8192xi32, #tpu.memory_space<vmem>>, vector<16xi32>,
      %parallel_loop3A_176 = vector.shape_cast %min3A_7 : vector<16xi32> to vector<16x1xi32>
      %parallel_loop3A_177 = vector.shape_cast %parallel_loop3A_176 : vector<16x1xi32> to vector<16xi32>
      %parallel_loop3A_178 = tpu.dynamic_gather %parallel_loop3A_175[%parallel_loop3A_177] in [0] : vector<16xi32>, vector<16xi32> -> vector<16xi32>
      %parallel_loop3A_179 = arith.index_cast %parallel_loop3A_173 : i32 to index
      %parallel_loop3A_180 = tpu.vector_load %arg9[%parallel_loop3A_179] {strides = array<i32>} : memref<8192xf32, #tpu.memory_space<vmem>>, vector<16xf32>,
      %parallel_loop3A_181 = arith.index_cast %parallel_loop3A_173 : i32 to index
      %parallel_loop3A_182 = tpu.vector_load %arg11[%parallel_loop3A_181] {strides = array<i32>} : memref<8192xf32, #tpu.memory_space<vmem>>, vector<16xf32>,
      %parallel_loop3A_183 = math.exp %parallel_loop3A_180 : vector<16xf32>
      %parallel_loop3A_184 = arith.mulf %parallel_loop3A_180, %parallel_loop3A_182 : vector<16xf32>
      %parallel_loop3A_185 = arith.addf %parallel_loop3A_171, %parallel_loop3A_184 : vector<16xf32>
      %parallel_loop3A_186 = arith.constant true
      %parallel_loop3A_187 = vector.broadcast %parallel_loop3A_186 : i1 to vector<16xi1>
      %parallel_loop3A_188 = tpu.scan <sum>, %parallel_loop3A_183 masked %parallel_loop3A_187 : vector<16xf32>, vector<16xi1> -> vector<16xf32>
      %parallel_loop3A_189 = arith.constant true
      %parallel_loop3A_190 = vector.broadcast %parallel_loop3A_189 : i1 to vector<16xi1>
      %parallel_loop3A_191 = tpu.scan <sum>, %parallel_loop3A_182 masked %parallel_loop3A_190 : vector<16xf32>, vector<16xi1> -> vector<16xf32>
      %parallel_loop3A_192 = arith.cmpi ne, %parallel_loop3A_175, %parallel_loop3A_178 : vector<16xi32>
      %parallel_loop3A_193 = arith.ori %parallel_loop3A_192, %eq3A_2 : vector<16xi1>
      %parallel_loop3A_194 = arith.constant dense<true> : vector<16xi1>
      %parallel_loop3A_195 = arith.xori %eq3A_2, %parallel_loop3A_194 : vector<16xi1>
      %parallel_loop3A_196 = arith.andi %parallel_loop3A_192, %parallel_loop3A_195 : vector<16xi1>
      tpu.vector_store_idx %arg14[%parallel_loop3A_175], %parallel_loop3A_188 masked %parallel_loop3A_193 {add = true} : memref<8192xf32, #tpu.memory_space<vmem>>[vector<16xi32>], vector<16xf32>, vector<16xi1>
      %parallel_loop3A_197 = arith.constant 0.000000e+00 : f32
      %parallel_loop3A_198 = vector.broadcast %parallel_loop3A_197 : f32 to vector<16xf32>
      %parallel_loop3A_199 = arith.subf %parallel_loop3A_198, %parallel_loop3A_188 : vector<16xf32>
      tpu.vector_store_idx %arg14[%parallel_loop3A_178], %parallel_loop3A_199 masked %parallel_loop3A_196 {add = true} : memref<8192xf32, #tpu.memory_space<vmem>>[vector<16xi32>], vector<16xf32>, vector<16xi1>
      tpu.vector_store_idx %arg15[%parallel_loop3A_175], %parallel_loop3A_191 masked %parallel_loop3A_193 {add = true} : memref<8192xf32, #tpu.memory_space<vmem>>[vector<16xi32>], vector<16xf32>, vector<16xi1>
      %parallel_loop3A_200 = arith.constant 0.000000e+00 : f32
      %parallel_loop3A_201 = vector.broadcast %parallel_loop3A_200 : f32 to vector<16xf32>
      %parallel_loop3A_202 = arith.subf %parallel_loop3A_201, %parallel_loop3A_191 : vector<16xf32>
      tpu.vector_store_idx %arg15[%parallel_loop3A_178], %parallel_loop3A_202 masked %parallel_loop3A_196 {add = true} : memref<8192xf32, #tpu.memory_space<vmem>>[vector<16xi32>], vector<16xf32>, vector<16xi1>
      scf.yield %parallel_loop3A_185 : vector<16xf32>
    } {sc.loop_unroll_factor = 4 : i64, sc.parallel_access}
    %mul3A_99 = arith.constant 65536 : i32
    %mul3A_100 = arith.muli %add3A, %mul3A_99 : i32
    %add3A_101 = arith.constant 40960 : i32
    %add3A_102 = arith.addi %mul3A_100, %add3A_101 : i32
    %dma_start3A_103 = tpu.memref_slice %arg2[%add3A_102] : memref<2097152xf32, #tpu.memory_space<hbm>> -> memref<8192xf32, #tpu.memory_space<hbm>>
    %dma_start3A_104 = tpu.memref_slice %arg2[%add3A_102] : memref<2097152xf32, #tpu.memory_space<hbm>> -> memref<8192xf32, #tpu.memory_space<hbm>>
    tpu.enqueue_dma source(%dma_start3A_104 : memref<8192xf32, #tpu.memory_space<hbm>>) target(%arg9 : memref<8192xf32, #tpu.memory_space<vmem>>) target_semaphore(%arg18 : memref<!tpu.dma_semaphore, #tpu.memory_space<semaphore_mem>>)
    %dma_start3A_105 = tpu.memref_slice %arg3[%add3A_102] : memref<2097152xf32, #tpu.memory_space<hbm>> -> memref<8192xf32, #tpu.memory_space<hbm>>
    %dma_start3A_106 = tpu.memref_slice %arg3[%add3A_102] : memref<2097152xf32, #tpu.memory_space<hbm>> -> memref<8192xf32, #tpu.memory_space<hbm>>
    tpu.enqueue_dma source(%dma_start3A_106 : memref<8192xf32, #tpu.memory_space<hbm>>) target(%arg11 : memref<8192xf32, #tpu.memory_space<vmem>>) target_semaphore(%arg18 : memref<!tpu.dma_semaphore, #tpu.memory_space<semaphore_mem>>)
    %dma_start3A_107 = tpu.memref_slice %arg4[%add3A_102] : memref<2097152xi32, #tpu.memory_space<hbm>> -> memref<8192xi32, #tpu.memory_space<hbm>>
    %dma_start3A_108 = tpu.memref_slice %arg4[%add3A_102] : memref<2097152xi32, #tpu.memory_space<hbm>> -> memref<8192xi32, #tpu.memory_space<hbm>>
    tpu.enqueue_dma source(%dma_start3A_108 : memref<8192xi32, #tpu.memory_space<hbm>>) target(%arg13 : memref<8192xi32, #tpu.memory_space<vmem>>) target_semaphore(%arg18 : memref<!tpu.dma_semaphore, #tpu.memory_space<semaphore_mem>>)
    %dma_wait3A_109 = tpu.memref_slice %arg2[%add3A_82] : memref<2097152xf32, #tpu.memory_space<hbm>> -> memref<8192xf32, #tpu.memory_space<hbm>>
    %dma_wait3A_110 = tpu.memref_slice %arg2[%add3A_82] : memref<2097152xf32, #tpu.memory_space<hbm>> -> memref<8192xf32, #tpu.memory_space<hbm>>
    tpu.wait_dma2 semaphore(%arg17 : memref<!tpu.dma_semaphore, #tpu.memory_space<semaphore_mem>>) src(%dma_wait3A_110 : memref<8192xf32, #tpu.memory_space<hbm>>) dst(%arg8 : memref<8192xf32, #tpu.memory_space<vmem>>)
    %dma_wait3A_111 = tpu.memref_slice %arg3[%add3A_82] : memref<2097152xf32, #tpu.memory_space<hbm>> -> memref<8192xf32, #tpu.memory_space<hbm>>
    %dma_wait3A_112 = tpu.memref_slice %arg3[%add3A_82] : memref<2097152xf32, #tpu.memory_space<hbm>> -> memref<8192xf32, #tpu.memory_space<hbm>>
    tpu.wait_dma2 semaphore(%arg17 : memref<!tpu.dma_semaphore, #tpu.memory_space<semaphore_mem>>) src(%dma_wait3A_112 : memref<8192xf32, #tpu.memory_space<hbm>>) dst(%arg10 : memref<8192xf32, #tpu.memory_space<vmem>>)
    %dma_wait3A_113 = tpu.memref_slice %arg4[%add3A_82] : memref<2097152xi32, #tpu.memory_space<hbm>> -> memref<8192xi32, #tpu.memory_space<hbm>>
    %dma_wait3A_114 = tpu.memref_slice %arg4[%add3A_82] : memref<2097152xi32, #tpu.memory_space<hbm>> -> memref<8192xi32, #tpu.memory_space<hbm>>
    tpu.wait_dma2 semaphore(%arg17 : memref<!tpu.dma_semaphore, #tpu.memory_space<semaphore_mem>>) src(%dma_wait3A_114 : memref<8192xi32, #tpu.memory_space<hbm>>) dst(%arg12 : memref<8192xi32, #tpu.memory_space<vmem>>)
    %parallel_loop3A_115 = arith.constant 0 : i32
    %parallel_loop3A_116 = arith.constant 512 : i32
    %parallel_loop3A_117 = arith.constant 1 : i32
    %parallel_loop3A_118 = scf.for %parallel_loop3A_170 = %parallel_loop3A_115 to %parallel_loop3A_116 step %parallel_loop3A_117 iter_args(%parallel_loop3A_171 = %parallel_loop3A_98) -> (vector<16xf32>)  : i32 {
      %parallel_loop3A_172 = arith.constant 16 : i32
      %parallel_loop3A_173 = arith.muli %parallel_loop3A_170, %parallel_loop3A_172 : i32
      %parallel_loop3A_174 = arith.index_cast %parallel_loop3A_173 : i32 to index
      %parallel_loop3A_175 = tpu.vector_load %arg12[%parallel_loop3A_174] {strides = array<i32>} : memref<8192xi32, #tpu.memory_space<vmem>>, vector<16xi32>,
      %parallel_loop3A_176 = vector.shape_cast %min3A_7 : vector<16xi32> to vector<16x1xi32>
      %parallel_loop3A_177 = vector.shape_cast %parallel_loop3A_176 : vector<16x1xi32> to vector<16xi32>
      %parallel_loop3A_178 = tpu.dynamic_gather %parallel_loop3A_175[%parallel_loop3A_177] in [0] : vector<16xi32>, vector<16xi32> -> vector<16xi32>
      %parallel_loop3A_179 = arith.index_cast %parallel_loop3A_173 : i32 to index
      %parallel_loop3A_180 = tpu.vector_load %arg8[%parallel_loop3A_179] {strides = array<i32>} : memref<8192xf32, #tpu.memory_space<vmem>>, vector<16xf32>,
      %parallel_loop3A_181 = arith.index_cast %parallel_loop3A_173 : i32 to index
      %parallel_loop3A_182 = tpu.vector_load %arg10[%parallel_loop3A_181] {strides = array<i32>} : memref<8192xf32, #tpu.memory_space<vmem>>, vector<16xf32>,
      %parallel_loop3A_183 = math.exp %parallel_loop3A_180 : vector<16xf32>
      %parallel_loop3A_184 = arith.mulf %parallel_loop3A_180, %parallel_loop3A_182 : vector<16xf32>
      %parallel_loop3A_185 = arith.addf %parallel_loop3A_171, %parallel_loop3A_184 : vector<16xf32>
      %parallel_loop3A_186 = arith.constant true
      %parallel_loop3A_187 = vector.broadcast %parallel_loop3A_186 : i1 to vector<16xi1>
      %parallel_loop3A_188 = tpu.scan <sum>, %parallel_loop3A_183 masked %parallel_loop3A_187 : vector<16xf32>, vector<16xi1> -> vector<16xf32>
      %parallel_loop3A_189 = arith.constant true
      %parallel_loop3A_190 = vector.broadcast %parallel_loop3A_189 : i1 to vector<16xi1>
      %parallel_loop3A_191 = tpu.scan <sum>, %parallel_loop3A_182 masked %parallel_loop3A_190 : vector<16xf32>, vector<16xi1> -> vector<16xf32>
      %parallel_loop3A_192 = arith.cmpi ne, %parallel_loop3A_175, %parallel_loop3A_178 : vector<16xi32>
      %parallel_loop3A_193 = arith.ori %parallel_loop3A_192, %eq3A_2 : vector<16xi1>
      %parallel_loop3A_194 = arith.constant dense<true> : vector<16xi1>
      %parallel_loop3A_195 = arith.xori %eq3A_2, %parallel_loop3A_194 : vector<16xi1>
      %parallel_loop3A_196 = arith.andi %parallel_loop3A_192, %parallel_loop3A_195 : vector<16xi1>
      tpu.vector_store_idx %arg14[%parallel_loop3A_175], %parallel_loop3A_188 masked %parallel_loop3A_193 {add = true} : memref<8192xf32, #tpu.memory_space<vmem>>[vector<16xi32>], vector<16xf32>, vector<16xi1>
      %parallel_loop3A_197 = arith.constant 0.000000e+00 : f32
      %parallel_loop3A_198 = vector.broadcast %parallel_loop3A_197 : f32 to vector<16xf32>
      %parallel_loop3A_199 = arith.subf %parallel_loop3A_198, %parallel_loop3A_188 : vector<16xf32>
      tpu.vector_store_idx %arg14[%parallel_loop3A_178], %parallel_loop3A_199 masked %parallel_loop3A_196 {add = true} : memref<8192xf32, #tpu.memory_space<vmem>>[vector<16xi32>], vector<16xf32>, vector<16xi1>
      tpu.vector_store_idx %arg15[%parallel_loop3A_175], %parallel_loop3A_191 masked %parallel_loop3A_193 {add = true} : memref<8192xf32, #tpu.memory_space<vmem>>[vector<16xi32>], vector<16xf32>, vector<16xi1>
      %parallel_loop3A_200 = arith.constant 0.000000e+00 : f32
      %parallel_loop3A_201 = vector.broadcast %parallel_loop3A_200 : f32 to vector<16xf32>
      %parallel_loop3A_202 = arith.subf %parallel_loop3A_201, %parallel_loop3A_191 : vector<16xf32>
      tpu.vector_store_idx %arg15[%parallel_loop3A_178], %parallel_loop3A_202 masked %parallel_loop3A_196 {add = true} : memref<8192xf32, #tpu.memory_space<vmem>>[vector<16xi32>], vector<16xf32>, vector<16xi1>
      scf.yield %parallel_loop3A_185 : vector<16xf32>
    } {sc.loop_unroll_factor = 4 : i64, sc.parallel_access}
    %mul3A_119 = arith.constant 65536 : i32
    %mul3A_120 = arith.muli %add3A, %mul3A_119 : i32
    %add3A_121 = arith.constant 49152 : i32
    %add3A_122 = arith.addi %mul3A_120, %add3A_121 : i32
    %dma_start3A_123 = tpu.memref_slice %arg2[%add3A_122] : memref<2097152xf32, #tpu.memory_space<hbm>> -> memref<8192xf32, #tpu.memory_space<hbm>>
    %dma_start3A_124 = tpu.memref_slice %arg2[%add3A_122] : memref<2097152xf32, #tpu.memory_space<hbm>> -> memref<8192xf32, #tpu.memory_space<hbm>>
    tpu.enqueue_dma source(%dma_start3A_124 : memref<8192xf32, #tpu.memory_space<hbm>>) target(%arg8 : memref<8192xf32, #tpu.memory_space<vmem>>) target_semaphore(%arg17 : memref<!tpu.dma_semaphore, #tpu.memory_space<semaphore_mem>>)
    %dma_start3A_125 = tpu.memref_slice %arg3[%add3A_122] : memref<2097152xf32, #tpu.memory_space<hbm>> -> memref<8192xf32, #tpu.memory_space<hbm>>
    %dma_start3A_126 = tpu.memref_slice %arg3[%add3A_122] : memref<2097152xf32, #tpu.memory_space<hbm>> -> memref<8192xf32, #tpu.memory_space<hbm>>
    tpu.enqueue_dma source(%dma_start3A_126 : memref<8192xf32, #tpu.memory_space<hbm>>) target(%arg10 : memref<8192xf32, #tpu.memory_space<vmem>>) target_semaphore(%arg17 : memref<!tpu.dma_semaphore, #tpu.memory_space<semaphore_mem>>)
    %dma_start3A_127 = tpu.memref_slice %arg4[%add3A_122] : memref<2097152xi32, #tpu.memory_space<hbm>> -> memref<8192xi32, #tpu.memory_space<hbm>>
    %dma_start3A_128 = tpu.memref_slice %arg4[%add3A_122] : memref<2097152xi32, #tpu.memory_space<hbm>> -> memref<8192xi32, #tpu.memory_space<hbm>>
    tpu.enqueue_dma source(%dma_start3A_128 : memref<8192xi32, #tpu.memory_space<hbm>>) target(%arg12 : memref<8192xi32, #tpu.memory_space<vmem>>) target_semaphore(%arg17 : memref<!tpu.dma_semaphore, #tpu.memory_space<semaphore_mem>>)
    %dma_wait3A_129 = tpu.memref_slice %arg2[%add3A_102] : memref<2097152xf32, #tpu.memory_space<hbm>> -> memref<8192xf32, #tpu.memory_space<hbm>>
    %dma_wait3A_130 = tpu.memref_slice %arg2[%add3A_102] : memref<2097152xf32, #tpu.memory_space<hbm>> -> memref<8192xf32, #tpu.memory_space<hbm>>
    tpu.wait_dma2 semaphore(%arg18 : memref<!tpu.dma_semaphore, #tpu.memory_space<semaphore_mem>>) src(%dma_wait3A_130 : memref<8192xf32, #tpu.memory_space<hbm>>) dst(%arg9 : memref<8192xf32, #tpu.memory_space<vmem>>)
    %dma_wait3A_131 = tpu.memref_slice %arg3[%add3A_102] : memref<2097152xf32, #tpu.memory_space<hbm>> -> memref<8192xf32, #tpu.memory_space<hbm>>
    %dma_wait3A_132 = tpu.memref_slice %arg3[%add3A_102] : memref<2097152xf32, #tpu.memory_space<hbm>> -> memref<8192xf32, #tpu.memory_space<hbm>>
    tpu.wait_dma2 semaphore(%arg18 : memref<!tpu.dma_semaphore, #tpu.memory_space<semaphore_mem>>) src(%dma_wait3A_132 : memref<8192xf32, #tpu.memory_space<hbm>>) dst(%arg11 : memref<8192xf32, #tpu.memory_space<vmem>>)
    %dma_wait3A_133 = tpu.memref_slice %arg4[%add3A_102] : memref<2097152xi32, #tpu.memory_space<hbm>> -> memref<8192xi32, #tpu.memory_space<hbm>>
    %dma_wait3A_134 = tpu.memref_slice %arg4[%add3A_102] : memref<2097152xi32, #tpu.memory_space<hbm>> -> memref<8192xi32, #tpu.memory_space<hbm>>
    tpu.wait_dma2 semaphore(%arg18 : memref<!tpu.dma_semaphore, #tpu.memory_space<semaphore_mem>>) src(%dma_wait3A_134 : memref<8192xi32, #tpu.memory_space<hbm>>) dst(%arg13 : memref<8192xi32, #tpu.memory_space<vmem>>)
    %parallel_loop3A_135 = arith.constant 0 : i32
    %parallel_loop3A_136 = arith.constant 512 : i32
    %parallel_loop3A_137 = arith.constant 1 : i32
    %parallel_loop3A_138 = scf.for %parallel_loop3A_170 = %parallel_loop3A_135 to %parallel_loop3A_136 step %parallel_loop3A_137 iter_args(%parallel_loop3A_171 = %parallel_loop3A_118) -> (vector<16xf32>)  : i32 {
      %parallel_loop3A_172 = arith.constant 16 : i32
      %parallel_loop3A_173 = arith.muli %parallel_loop3A_170, %parallel_loop3A_172 : i32
      %parallel_loop3A_174 = arith.index_cast %parallel_loop3A_173 : i32 to index
      %parallel_loop3A_175 = tpu.vector_load %arg13[%parallel_loop3A_174] {strides = array<i32>} : memref<8192xi32, #tpu.memory_space<vmem>>, vector<16xi32>,
      %parallel_loop3A_176 = vector.shape_cast %min3A_7 : vector<16xi32> to vector<16x1xi32>
      %parallel_loop3A_177 = vector.shape_cast %parallel_loop3A_176 : vector<16x1xi32> to vector<16xi32>
      %parallel_loop3A_178 = tpu.dynamic_gather %parallel_loop3A_175[%parallel_loop3A_177] in [0] : vector<16xi32>, vector<16xi32> -> vector<16xi32>
      %parallel_loop3A_179 = arith.index_cast %parallel_loop3A_173 : i32 to index
      %parallel_loop3A_180 = tpu.vector_load %arg9[%parallel_loop3A_179] {strides = array<i32>} : memref<8192xf32, #tpu.memory_space<vmem>>, vector<16xf32>,
      %parallel_loop3A_181 = arith.index_cast %parallel_loop3A_173 : i32 to index
      %parallel_loop3A_182 = tpu.vector_load %arg11[%parallel_loop3A_181] {strides = array<i32>} : memref<8192xf32, #tpu.memory_space<vmem>>, vector<16xf32>,
      %parallel_loop3A_183 = math.exp %parallel_loop3A_180 : vector<16xf32>
      %parallel_loop3A_184 = arith.mulf %parallel_loop3A_180, %parallel_loop3A_182 : vector<16xf32>
      %parallel_loop3A_185 = arith.addf %parallel_loop3A_171, %parallel_loop3A_184 : vector<16xf32>
      %parallel_loop3A_186 = arith.constant true
      %parallel_loop3A_187 = vector.broadcast %parallel_loop3A_186 : i1 to vector<16xi1>
      %parallel_loop3A_188 = tpu.scan <sum>, %parallel_loop3A_183 masked %parallel_loop3A_187 : vector<16xf32>, vector<16xi1> -> vector<16xf32>
      %parallel_loop3A_189 = arith.constant true
      %parallel_loop3A_190 = vector.broadcast %parallel_loop3A_189 : i1 to vector<16xi1>
      %parallel_loop3A_191 = tpu.scan <sum>, %parallel_loop3A_182 masked %parallel_loop3A_190 : vector<16xf32>, vector<16xi1> -> vector<16xf32>
      %parallel_loop3A_192 = arith.cmpi ne, %parallel_loop3A_175, %parallel_loop3A_178 : vector<16xi32>
      %parallel_loop3A_193 = arith.ori %parallel_loop3A_192, %eq3A_2 : vector<16xi1>
      %parallel_loop3A_194 = arith.constant dense<true> : vector<16xi1>
      %parallel_loop3A_195 = arith.xori %eq3A_2, %parallel_loop3A_194 : vector<16xi1>
      %parallel_loop3A_196 = arith.andi %parallel_loop3A_192, %parallel_loop3A_195 : vector<16xi1>
      tpu.vector_store_idx %arg14[%parallel_loop3A_175], %parallel_loop3A_188 masked %parallel_loop3A_193 {add = true} : memref<8192xf32, #tpu.memory_space<vmem>>[vector<16xi32>], vector<16xf32>, vector<16xi1>
      %parallel_loop3A_197 = arith.constant 0.000000e+00 : f32
      %parallel_loop3A_198 = vector.broadcast %parallel_loop3A_197 : f32 to vector<16xf32>
      %parallel_loop3A_199 = arith.subf %parallel_loop3A_198, %parallel_loop3A_188 : vector<16xf32>
      tpu.vector_store_idx %arg14[%parallel_loop3A_178], %parallel_loop3A_199 masked %parallel_loop3A_196 {add = true} : memref<8192xf32, #tpu.memory_space<vmem>>[vector<16xi32>], vector<16xf32>, vector<16xi1>
      tpu.vector_store_idx %arg15[%parallel_loop3A_175], %parallel_loop3A_191 masked %parallel_loop3A_193 {add = true} : memref<8192xf32, #tpu.memory_space<vmem>>[vector<16xi32>], vector<16xf32>, vector<16xi1>
      %parallel_loop3A_200 = arith.constant 0.000000e+00 : f32
      %parallel_loop3A_201 = vector.broadcast %parallel_loop3A_200 : f32 to vector<16xf32>
      %parallel_loop3A_202 = arith.subf %parallel_loop3A_201, %parallel_loop3A_191 : vector<16xf32>
      tpu.vector_store_idx %arg15[%parallel_loop3A_178], %parallel_loop3A_202 masked %parallel_loop3A_196 {add = true} : memref<8192xf32, #tpu.memory_space<vmem>>[vector<16xi32>], vector<16xf32>, vector<16xi1>
      scf.yield %parallel_loop3A_185 : vector<16xf32>
    } {sc.loop_unroll_factor = 4 : i64, sc.parallel_access}
    %mul3A_139 = arith.constant 65536 : i32
    %mul3A_140 = arith.muli %add3A, %mul3A_139 : i32
    %add3A_141 = arith.constant 57344 : i32
    %add3A_142 = arith.addi %mul3A_140, %add3A_141 : i32
    %dma_start3A_143 = tpu.memref_slice %arg2[%add3A_142] : memref<2097152xf32, #tpu.memory_space<hbm>> -> memref<8192xf32, #tpu.memory_space<hbm>>
    %dma_start3A_144 = tpu.memref_slice %arg2[%add3A_142] : memref<2097152xf32, #tpu.memory_space<hbm>> -> memref<8192xf32, #tpu.memory_space<hbm>>
    tpu.enqueue_dma source(%dma_start3A_144 : memref<8192xf32, #tpu.memory_space<hbm>>) target(%arg9 : memref<8192xf32, #tpu.memory_space<vmem>>) target_semaphore(%arg18 : memref<!tpu.dma_semaphore, #tpu.memory_space<semaphore_mem>>)
    %dma_start3A_145 = tpu.memref_slice %arg3[%add3A_142] : memref<2097152xf32, #tpu.memory_space<hbm>> -> memref<8192xf32, #tpu.memory_space<hbm>>
    %dma_start3A_146 = tpu.memref_slice %arg3[%add3A_142] : memref<2097152xf32, #tpu.memory_space<hbm>> -> memref<8192xf32, #tpu.memory_space<hbm>>
    tpu.enqueue_dma source(%dma_start3A_146 : memref<8192xf32, #tpu.memory_space<hbm>>) target(%arg11 : memref<8192xf32, #tpu.memory_space<vmem>>) target_semaphore(%arg18 : memref<!tpu.dma_semaphore, #tpu.memory_space<semaphore_mem>>)
    %dma_start3A_147 = tpu.memref_slice %arg4[%add3A_142] : memref<2097152xi32, #tpu.memory_space<hbm>> -> memref<8192xi32, #tpu.memory_space<hbm>>
    %dma_start3A_148 = tpu.memref_slice %arg4[%add3A_142] : memref<2097152xi32, #tpu.memory_space<hbm>> -> memref<8192xi32, #tpu.memory_space<hbm>>
    tpu.enqueue_dma source(%dma_start3A_148 : memref<8192xi32, #tpu.memory_space<hbm>>) target(%arg13 : memref<8192xi32, #tpu.memory_space<vmem>>) target_semaphore(%arg18 : memref<!tpu.dma_semaphore, #tpu.memory_space<semaphore_mem>>)
    %dma_wait3A_149 = tpu.memref_slice %arg2[%add3A_122] : memref<2097152xf32, #tpu.memory_space<hbm>> -> memref<8192xf32, #tpu.memory_space<hbm>>
    %dma_wait3A_150 = tpu.memref_slice %arg2[%add3A_122] : memref<2097152xf32, #tpu.memory_space<hbm>> -> memref<8192xf32, #tpu.memory_space<hbm>>
    tpu.wait_dma2 semaphore(%arg17 : memref<!tpu.dma_semaphore, #tpu.memory_space<semaphore_mem>>) src(%dma_wait3A_150 : memref<8192xf32, #tpu.memory_space<hbm>>) dst(%arg8 : memref<8192xf32, #tpu.memory_space<vmem>>)
    %dma_wait3A_151 = tpu.memref_slice %arg3[%add3A_122] : memref<2097152xf32, #tpu.memory_space<hbm>> -> memref<8192xf32, #tpu.memory_space<hbm>>
    %dma_wait3A_152 = tpu.memref_slice %arg3[%add3A_122] : memref<2097152xf32, #tpu.memory_space<hbm>> -> memref<8192xf32, #tpu.memory_space<hbm>>
    tpu.wait_dma2 semaphore(%arg17 : memref<!tpu.dma_semaphore, #tpu.memory_space<semaphore_mem>>) src(%dma_wait3A_152 : memref<8192xf32, #tpu.memory_space<hbm>>) dst(%arg10 : memref<8192xf32, #tpu.memory_space<vmem>>)
    %dma_wait3A_153 = tpu.memref_slice %arg4[%add3A_122] : memref<2097152xi32, #tpu.memory_space<hbm>> -> memref<8192xi32, #tpu.memory_space<hbm>>
    %dma_wait3A_154 = tpu.memref_slice %arg4[%add3A_122] : memref<2097152xi32, #tpu.memory_space<hbm>> -> memref<8192xi32, #tpu.memory_space<hbm>>
    tpu.wait_dma2 semaphore(%arg17 : memref<!tpu.dma_semaphore, #tpu.memory_space<semaphore_mem>>) src(%dma_wait3A_154 : memref<8192xi32, #tpu.memory_space<hbm>>) dst(%arg12 : memref<8192xi32, #tpu.memory_space<vmem>>)
    %parallel_loop3A_155 = arith.constant 0 : i32
    %parallel_loop3A_156 = arith.constant 512 : i32
    %parallel_loop3A_157 = arith.constant 1 : i32
    %parallel_loop3A_158 = scf.for %parallel_loop3A_170 = %parallel_loop3A_155 to %parallel_loop3A_156 step %parallel_loop3A_157 iter_args(%parallel_loop3A_171 = %parallel_loop3A_138) -> (vector<16xf32>)  : i32 {
      %parallel_loop3A_172 = arith.constant 16 : i32
      %parallel_loop3A_173 = arith.muli %parallel_loop3A_170, %parallel_loop3A_172 : i32
      %parallel_loop3A_174 = arith.index_cast %parallel_loop3A_173 : i32 to index
      %parallel_loop3A_175 = tpu.vector_load %arg12[%parallel_loop3A_174] {strides = array<i32>} : memref<8192xi32, #tpu.memory_space<vmem>>, vector<16xi32>,
      %parallel_loop3A_176 = vector.shape_cast %min3A_7 : vector<16xi32> to vector<16x1xi32>
      %parallel_loop3A_177 = vector.shape_cast %parallel_loop3A_176 : vector<16x1xi32> to vector<16xi32>
      %parallel_loop3A_178 = tpu.dynamic_gather %parallel_loop3A_175[%parallel_loop3A_177] in [0] : vector<16xi32>, vector<16xi32> -> vector<16xi32>
      %parallel_loop3A_179 = arith.index_cast %parallel_loop3A_173 : i32 to index
      %parallel_loop3A_180 = tpu.vector_load %arg8[%parallel_loop3A_179] {strides = array<i32>} : memref<8192xf32, #tpu.memory_space<vmem>>, vector<16xf32>,
      %parallel_loop3A_181 = arith.index_cast %parallel_loop3A_173 : i32 to index
      %parallel_loop3A_182 = tpu.vector_load %arg10[%parallel_loop3A_181] {strides = array<i32>} : memref<8192xf32, #tpu.memory_space<vmem>>, vector<16xf32>,
      %parallel_loop3A_183 = math.exp %parallel_loop3A_180 : vector<16xf32>
      %parallel_loop3A_184 = arith.mulf %parallel_loop3A_180, %parallel_loop3A_182 : vector<16xf32>
      %parallel_loop3A_185 = arith.addf %parallel_loop3A_171, %parallel_loop3A_184 : vector<16xf32>
      %parallel_loop3A_186 = arith.constant true
      %parallel_loop3A_187 = vector.broadcast %parallel_loop3A_186 : i1 to vector<16xi1>
      %parallel_loop3A_188 = tpu.scan <sum>, %parallel_loop3A_183 masked %parallel_loop3A_187 : vector<16xf32>, vector<16xi1> -> vector<16xf32>
      %parallel_loop3A_189 = arith.constant true
      %parallel_loop3A_190 = vector.broadcast %parallel_loop3A_189 : i1 to vector<16xi1>
      %parallel_loop3A_191 = tpu.scan <sum>, %parallel_loop3A_182 masked %parallel_loop3A_190 : vector<16xf32>, vector<16xi1> -> vector<16xf32>
      %parallel_loop3A_192 = arith.cmpi ne, %parallel_loop3A_175, %parallel_loop3A_178 : vector<16xi32>
      %parallel_loop3A_193 = arith.ori %parallel_loop3A_192, %eq3A_2 : vector<16xi1>
      %parallel_loop3A_194 = arith.constant dense<true> : vector<16xi1>
      %parallel_loop3A_195 = arith.xori %eq3A_2, %parallel_loop3A_194 : vector<16xi1>
      %parallel_loop3A_196 = arith.andi %parallel_loop3A_192, %parallel_loop3A_195 : vector<16xi1>
      tpu.vector_store_idx %arg14[%parallel_loop3A_175], %parallel_loop3A_188 masked %parallel_loop3A_193 {add = true} : memref<8192xf32, #tpu.memory_space<vmem>>[vector<16xi32>], vector<16xf32>, vector<16xi1>
      %parallel_loop3A_197 = arith.constant 0.000000e+00 : f32
      %parallel_loop3A_198 = vector.broadcast %parallel_loop3A_197 : f32 to vector<16xf32>
      %parallel_loop3A_199 = arith.subf %parallel_loop3A_198, %parallel_loop3A_188 : vector<16xf32>
      tpu.vector_store_idx %arg14[%parallel_loop3A_178], %parallel_loop3A_199 masked %parallel_loop3A_196 {add = true} : memref<8192xf32, #tpu.memory_space<vmem>>[vector<16xi32>], vector<16xf32>, vector<16xi1>
      tpu.vector_store_idx %arg15[%parallel_loop3A_175], %parallel_loop3A_191 masked %parallel_loop3A_193 {add = true} : memref<8192xf32, #tpu.memory_space<vmem>>[vector<16xi32>], vector<16xf32>, vector<16xi1>
      %parallel_loop3A_200 = arith.constant 0.000000e+00 : f32
      %parallel_loop3A_201 = vector.broadcast %parallel_loop3A_200 : f32 to vector<16xf32>
      %parallel_loop3A_202 = arith.subf %parallel_loop3A_201, %parallel_loop3A_191 : vector<16xf32>
      tpu.vector_store_idx %arg15[%parallel_loop3A_178], %parallel_loop3A_202 masked %parallel_loop3A_196 {add = true} : memref<8192xf32, #tpu.memory_space<vmem>>[vector<16xi32>], vector<16xf32>, vector<16xi1>
      scf.yield %parallel_loop3A_185 : vector<16xf32>
    } {sc.loop_unroll_factor = 4 : i64, sc.parallel_access}
    %dma_wait3A_159 = tpu.memref_slice %arg2[%add3A_142] : memref<2097152xf32, #tpu.memory_space<hbm>> -> memref<8192xf32, #tpu.memory_space<hbm>>
    %dma_wait3A_160 = tpu.memref_slice %arg2[%add3A_142] : memref<2097152xf32, #tpu.memory_space<hbm>> -> memref<8192xf32, #tpu.memory_space<hbm>>
    tpu.wait_dma2 semaphore(%arg18 : memref<!tpu.dma_semaphore, #tpu.memory_space<semaphore_mem>>) src(%dma_wait3A_160 : memref<8192xf32, #tpu.memory_space<hbm>>) dst(%arg9 : memref<8192xf32, #tpu.memory_space<vmem>>)
    %dma_wait3A_161 = tpu.memref_slice %arg3[%add3A_142] : memref<2097152xf32, #tpu.memory_space<hbm>> -> memref<8192xf32, #tpu.memory_space<hbm>>
    %dma_wait3A_162 = tpu.memref_slice %arg3[%add3A_142] : memref<2097152xf32, #tpu.memory_space<hbm>> -> memref<8192xf32, #tpu.memory_space<hbm>>
    tpu.wait_dma2 semaphore(%arg18 : memref<!tpu.dma_semaphore, #tpu.memory_space<semaphore_mem>>) src(%dma_wait3A_162 : memref<8192xf32, #tpu.memory_space<hbm>>) dst(%arg11 : memref<8192xf32, #tpu.memory_space<vmem>>)
    %dma_wait3A_163 = tpu.memref_slice %arg4[%add3A_142] : memref<2097152xi32, #tpu.memory_space<hbm>> -> memref<8192xi32, #tpu.memory_space<hbm>>
    %dma_wait3A_164 = tpu.memref_slice %arg4[%add3A_142] : memref<2097152xi32, #tpu.memory_space<hbm>> -> memref<8192xi32, #tpu.memory_space<hbm>>
    tpu.wait_dma2 semaphore(%arg18 : memref<!tpu.dma_semaphore, #tpu.memory_space<semaphore_mem>>) src(%dma_wait3A_164 : memref<8192xi32, #tpu.memory_space<hbm>>) dst(%arg13 : memref<8192xi32, #tpu.memory_space<vmem>>)
    %parallel_loop3A_165 = arith.constant 0 : i32
    %parallel_loop3A_166 = arith.constant 512 : i32
    %parallel_loop3A_167 = arith.constant 1 : i32
    %parallel_loop3A_168 = scf.for %parallel_loop3A_170 = %parallel_loop3A_165 to %parallel_loop3A_166 step %parallel_loop3A_167 iter_args(%parallel_loop3A_171 = %parallel_loop3A_158) -> (vector<16xf32>)  : i32 {
      %parallel_loop3A_172 = arith.constant 16 : i32
      %parallel_loop3A_173 = arith.muli %parallel_loop3A_170, %parallel_loop3A_172 : i32
      %parallel_loop3A_174 = arith.index_cast %parallel_loop3A_173 : i32 to index
      %parallel_loop3A_175 = tpu.vector_load %arg13[%parallel_loop3A_174] {strides = array<i32>} : memref<8192xi32, #tpu.memory_space<vmem>>, vector<16xi32>,
      %parallel_loop3A_176 = vector.shape_cast %min3A_7 : vector<16xi32> to vector<16x1xi32>
      %parallel_loop3A_177 = vector.shape_cast %parallel_loop3A_176 : vector<16x1xi32> to vector<16xi32>
      %parallel_loop3A_178 = tpu.dynamic_gather %parallel_loop3A_175[%parallel_loop3A_177] in [0] : vector<16xi32>, vector<16xi32> -> vector<16xi32>
      %parallel_loop3A_179 = arith.index_cast %parallel_loop3A_173 : i32 to index
      %parallel_loop3A_180 = tpu.vector_load %arg9[%parallel_loop3A_179] {strides = array<i32>} : memref<8192xf32, #tpu.memory_space<vmem>>, vector<16xf32>,
      %parallel_loop3A_181 = arith.index_cast %parallel_loop3A_173 : i32 to index
      %parallel_loop3A_182 = tpu.vector_load %arg11[%parallel_loop3A_181] {strides = array<i32>} : memref<8192xf32, #tpu.memory_space<vmem>>, vector<16xf32>,
      %parallel_loop3A_183 = math.exp %parallel_loop3A_180 : vector<16xf32>
      %parallel_loop3A_184 = arith.mulf %parallel_loop3A_180, %parallel_loop3A_182 : vector<16xf32>
      %parallel_loop3A_185 = arith.addf %parallel_loop3A_171, %parallel_loop3A_184 : vector<16xf32>
      %parallel_loop3A_186 = arith.constant true
      %parallel_loop3A_187 = vector.broadcast %parallel_loop3A_186 : i1 to vector<16xi1>
      %parallel_loop3A_188 = tpu.scan <sum>, %parallel_loop3A_183 masked %parallel_loop3A_187 : vector<16xf32>, vector<16xi1> -> vector<16xf32>
      %parallel_loop3A_189 = arith.constant true
      %parallel_loop3A_190 = vector.broadcast %parallel_loop3A_189 : i1 to vector<16xi1>
      %parallel_loop3A_191 = tpu.scan <sum>, %parallel_loop3A_182 masked %parallel_loop3A_190 : vector<16xf32>, vector<16xi1> -> vector<16xf32>
      %parallel_loop3A_192 = arith.cmpi ne, %parallel_loop3A_175, %parallel_loop3A_178 : vector<16xi32>
      %parallel_loop3A_193 = arith.ori %parallel_loop3A_192, %eq3A_2 : vector<16xi1>
      %parallel_loop3A_194 = arith.constant dense<true> : vector<16xi1>
      %parallel_loop3A_195 = arith.xori %eq3A_2, %parallel_loop3A_194 : vector<16xi1>
      %parallel_loop3A_196 = arith.andi %parallel_loop3A_192, %parallel_loop3A_195 : vector<16xi1>
      tpu.vector_store_idx %arg14[%parallel_loop3A_175], %parallel_loop3A_188 masked %parallel_loop3A_193 {add = true} : memref<8192xf32, #tpu.memory_space<vmem>>[vector<16xi32>], vector<16xf32>, vector<16xi1>
      %parallel_loop3A_197 = arith.constant 0.000000e+00 : f32
      %parallel_loop3A_198 = vector.broadcast %parallel_loop3A_197 : f32 to vector<16xf32>
      %parallel_loop3A_199 = arith.subf %parallel_loop3A_198, %parallel_loop3A_188 : vector<16xf32>
      tpu.vector_store_idx %arg14[%parallel_loop3A_178], %parallel_loop3A_199 masked %parallel_loop3A_196 {add = true} : memref<8192xf32, #tpu.memory_space<vmem>>[vector<16xi32>], vector<16xf32>, vector<16xi1>
      tpu.vector_store_idx %arg15[%parallel_loop3A_175], %parallel_loop3A_191 masked %parallel_loop3A_193 {add = true} : memref<8192xf32, #tpu.memory_space<vmem>>[vector<16xi32>], vector<16xf32>, vector<16xi1>
      %parallel_loop3A_200 = arith.constant 0.000000e+00 : f32
      %parallel_loop3A_201 = vector.broadcast %parallel_loop3A_200 : f32 to vector<16xf32>
      %parallel_loop3A_202 = arith.subf %parallel_loop3A_201, %parallel_loop3A_191 : vector<16xf32>
      tpu.vector_store_idx %arg15[%parallel_loop3A_178], %parallel_loop3A_202 masked %parallel_loop3A_196 {add = true} : memref<8192xf32, #tpu.memory_space<vmem>>[vector<16xi32>], vector<16xf32>, vector<16xi1>
      scf.yield %parallel_loop3A_185 : vector<16xf32>
    } {sc.loop_unroll_factor = 4 : i64, sc.parallel_access}
    %swap3A = arith.constant 0 : index
    %swap3A_169 = tpu.vector_load %arg16[%swap3A] {strides = array<i32>} : memref<16xf32, #tpu.memory_space<vmem>>, vector<16xf32>,
    tpu.vector_store %arg16[%swap3A], %parallel_loop3A_168 {strides = array<i32>} : memref<16xf32, #tpu.memory_space<vmem>>, vector<16xf32>,
    "tpu.region"() ({
      %run_scoped3A = tpu.sem_alloc : memref<!tpu.dma_semaphore, #tpu.memory_space<semaphore_mem>>
      %dma_start3A_170 = arith.constant 0 : i32
      %dma_start3A_171 = tpu.memref_slice %arg5[%add3A, %dma_start3A_170] : memref<32x8192xf32, #tpu.memory_space<hbm>> -> memref<1x8192xf32, #tpu.memory_space<hbm>>
      %dma_start3A_172 = tpu.memref_squeeze %dma_start3A_171 : memref<1x8192xf32, #tpu.memory_space<hbm>> -> memref<8192xf32, #tpu.memory_space<hbm>>
      %dma_start3A_173 = arith.constant 0 : i32
      %dma_start3A_174 = tpu.memref_slice %arg5[%add3A, %dma_start3A_173] : memref<32x8192xf32, #tpu.memory_space<hbm>> -> memref<1x8192xf32, #tpu.memory_space<hbm>>
      %dma_start3A_175 = tpu.memref_squeeze %dma_start3A_174 : memref<1x8192xf32, #tpu.memory_space<hbm>> -> memref<8192xf32, #tpu.memory_space<hbm>>
      tpu.enqueue_dma source(%arg14 : memref<8192xf32, #tpu.memory_space<vmem>>) target(%dma_start3A_175 : memref<8192xf32, #tpu.memory_space<hbm>>) target_semaphore(%run_scoped3A : memref<!tpu.dma_semaphore, #tpu.memory_space<semaphore_mem>>)
      %dma_wait3A_176 = arith.constant 0 : i32
      %dma_wait3A_177 = tpu.memref_slice %arg5[%add3A, %dma_wait3A_176] : memref<32x8192xf32, #tpu.memory_space<hbm>> -> memref<1x8192xf32, #tpu.memory_space<hbm>>
      %dma_wait3A_178 = tpu.memref_squeeze %dma_wait3A_177 : memref<1x8192xf32, #tpu.memory_space<hbm>> -> memref<8192xf32, #tpu.memory_space<hbm>>
      %dma_wait3A_179 = arith.constant 0 : i32
      %dma_wait3A_180 = tpu.memref_slice %arg5[%add3A, %dma_wait3A_179] : memref<32x8192xf32, #tpu.memory_space<hbm>> -> memref<1x8192xf32, #tpu.memory_space<hbm>>
      %dma_wait3A_181 = tpu.memref_squeeze %dma_wait3A_180 : memref<1x8192xf32, #tpu.memory_space<hbm>> -> memref<8192xf32, #tpu.memory_space<hbm>>
      tpu.wait_dma2 semaphore(%run_scoped3A : memref<!tpu.dma_semaphore, #tpu.memory_space<semaphore_mem>>) src(%arg14 : memref<8192xf32, #tpu.memory_space<vmem>>) dst(%dma_wait3A_181 : memref<8192xf32, #tpu.memory_space<hbm>>)
      tpu.yield
    }) : () -> ()
    "tpu.region"() ({
      %run_scoped3A = tpu.sem_alloc : memref<!tpu.dma_semaphore, #tpu.memory_space<semaphore_mem>>
      %dma_start3A_170 = arith.constant 0 : i32
      %dma_start3A_171 = tpu.memref_slice %arg6[%add3A, %dma_start3A_170] : memref<32x8192xf32, #tpu.memory_space<hbm>> -> memref<1x8192xf32, #tpu.memory_space<hbm>>
      %dma_start3A_172 = tpu.memref_squeeze %dma_start3A_171 : memref<1x8192xf32, #tpu.memory_space<hbm>> -> memref<8192xf32, #tpu.memory_space<hbm>>
      %dma_start3A_173 = arith.constant 0 : i32
      %dma_start3A_174 = tpu.memref_slice %arg6[%add3A, %dma_start3A_173] : memref<32x8192xf32, #tpu.memory_space<hbm>> -> memref<1x8192xf32, #tpu.memory_space<hbm>>
      %dma_start3A_175 = tpu.memref_squeeze %dma_start3A_174 : memref<1x8192xf32, #tpu.memory_space<hbm>> -> memref<8192xf32, #tpu.memory_space<hbm>>
      tpu.enqueue_dma source(%arg15 : memref<8192xf32, #tpu.memory_space<vmem>>) target(%dma_start3A_175 : memref<8192xf32, #tpu.memory_space<hbm>>) target_semaphore(%run_scoped3A : memref<!tpu.dma_semaphore, #tpu.memory_space<semaphore_mem>>)
      %dma_wait3A_176 = arith.constant 0 : i32
      %dma_wait3A_177 = tpu.memref_slice %arg6[%add3A, %dma_wait3A_176] : memref<32x8192xf32, #tpu.memory_space<hbm>> -> memref<1x8192xf32, #tpu.memory_space<hbm>>
      %dma_wait3A_178 = tpu.memref_squeeze %dma_wait3A_177 : memref<1x8192xf32, #tpu.memory_space<hbm>> -> memref<8192xf32, #tpu.memory_space<hbm>>
      %dma_wait3A_179 = arith.constant 0 : i32
      %dma_wait3A_180 = tpu.memref_slice %arg6[%add3A, %dma_wait3A_179] : memref<32x8192xf32, #tpu.memory_space<hbm>> -> memref<1x8192xf32, #tpu.memory_space<hbm>>
      %dma_wait3A_181 = tpu.memref_squeeze %dma_wait3A_180 : memref<1x8192xf32, #tpu.memory_space<hbm>> -> memref<8192xf32, #tpu.memory_space<hbm>>
      tpu.wait_dma2 semaphore(%run_scoped3A : memref<!tpu.dma_semaphore, #tpu.memory_space<semaphore_mem>>) src(%arg15 : memref<8192xf32, #tpu.memory_space<vmem>>) dst(%dma_wait3A_181 : memref<8192xf32, #tpu.memory_space<hbm>>)
      tpu.yield
    }) : () -> ()
    "tpu.region"() ({
      %run_scoped3A = tpu.sem_alloc : memref<!tpu.dma_semaphore, #tpu.memory_space<semaphore_mem>>
      %dma_start3A_170 = arith.constant 0 : i32
      %dma_start3A_171 = tpu.memref_slice %arg7[%add3A, %dma_start3A_170] : memref<32x16xf32, #tpu.memory_space<hbm>> -> memref<1x16xf32, #tpu.memory_space<hbm>>
      %dma_start3A_172 = tpu.memref_squeeze %dma_start3A_171 : memref<1x16xf32, #tpu.memory_space<hbm>> -> memref<16xf32, #tpu.memory_space<hbm>>
      %dma_start3A_173 = arith.constant 0 : i32
      %dma_start3A_174 = tpu.memref_slice %arg7[%add3A, %dma_start3A_173] : memref<32x16xf32, #tpu.memory_space<hbm>> -> memref<1x16xf32, #tpu.memory_space<hbm>>
      %dma_start3A_175 = tpu.memref_squeeze %dma_start3A_174 : memref<1x16xf32, #tpu.memory_space<hbm>> -> memref<16xf32, #tpu.memory_space<hbm>>
      tpu.enqueue_dma source(%arg16 : memref<16xf32, #tpu.memory_space<vmem>>) target(%dma_start3A_175 : memref<16xf32, #tpu.memory_space<hbm>>) target_semaphore(%run_scoped3A : memref<!tpu.dma_semaphore, #tpu.memory_space<semaphore_mem>>)
      %dma_wait3A_176 = arith.constant 0 : i32
      %dma_wait3A_177 = tpu.memref_slice %arg7[%add3A, %dma_wait3A_176] : memref<32x16xf32, #tpu.memory_space<hbm>> -> memref<1x16xf32, #tpu.memory_space<hbm>>
      %dma_wait3A_178 = tpu.memref_squeeze %dma_wait3A_177 : memref<1x16xf32, #tpu.memory_space<hbm>> -> memref<16xf32, #tpu.memory_space<hbm>>
      %dma_wait3A_179 = arith.constant 0 : i32
      %dma_wait3A_180 = tpu.memref_slice %arg7[%add3A, %dma_wait3A_179] : memref<32x16xf32, #tpu.memory_space<hbm>> -> memref<1x16xf32, #tpu.memory_space<hbm>>
      %dma_wait3A_181 = tpu.memref_squeeze %dma_wait3A_180 : memref<1x16xf32, #tpu.memory_space<hbm>> -> memref<16xf32, #tpu.memory_space<hbm>>
      tpu.wait_dma2 semaphore(%run_scoped3A : memref<!tpu.dma_semaphore, #tpu.memory_space<semaphore_mem>>) src(%arg16 : memref<16xf32, #tpu.memory_space<vmem>>) dst(%dma_wait3A_181 : memref<16xf32, #tpu.memory_space<hbm>>)
      tpu.yield
    }) : () -> ()
    return
  }
}

module attributes {stable_mosaic.version = 14 : i64} {
  func.func @_tc_body(%arg0: memref<32x8192xf32, #tpu.memory_space<vmem>>, %arg1: memref<32x8192xf32, #tpu.memory_space<vmem>>, %arg2: memref<32x16xf32, #tpu.memory_space<vmem>>, %arg3: memref<1x1xf32, #tpu.memory_space<smem>>) attributes {dimension_semantics = [], scalar_prefetch = 0 : i64, scratch_operands = 0 : i64, tpu.core_type = #tpu.core_type<tc>} {
    %get3A = arith.constant 0 : index
    %get3A_0 = arith.constant 0 : index
    %get3A_1 = vector.load %arg0[%get3A, %get3A_0] : memref<32x8192xf32, #tpu.memory_space<vmem>>, vector<32x8192xf32>
    %reduce_sum3A = arith.constant dense<0.000000e+00> : vector<8192xf32>
    %reduce_sum3A_2 = vector.multi_reduction <add>, %get3A_1, %reduce_sum3A [0] : vector<32x8192xf32> to vector<8192xf32>
    %get3A_3 = arith.constant 0 : index
    %get3A_4 = arith.constant 0 : index
    %get3A_5 = vector.load %arg1[%get3A_3, %get3A_4] : memref<32x8192xf32, #tpu.memory_space<vmem>>, vector<32x8192xf32>
    %reduce_sum3A_6 = arith.constant dense<0.000000e+00> : vector<8192xf32>
    %reduce_sum3A_7 = vector.multi_reduction <add>, %get3A_5, %reduce_sum3A_6 [0] : vector<32x8192xf32> to vector<8192xf32>
    %gt3A = arith.constant 0.000000e+00 : f32
    %gt3A_8 = vector.broadcast %gt3A : f32 to vector<8192xf32>
    %gt3A_9 = arith.cmpf ogt, %reduce_sum3A_2, %gt3A_8 : vector<8192xf32>
    %jit3A = arith.constant 1.000000e+00 : f32
    %broadcast_in_dim3A = vector.broadcast %jit3A : f32 to vector<8192xf32>
    %select_n3A = arith.select %gt3A_9, %reduce_sum3A_2, %broadcast_in_dim3A : vector<8192xi1>, vector<8192xf32>
    %log3A = math.log %select_n3A : vector<8192xf32>
    %mul3A = arith.mulf %log3A, %reduce_sum3A_7 : vector<8192xf32>
    %jit3A_10 = arith.constant 0.000000e+00 : f32
    %broadcast_in_dim3A_11 = vector.broadcast %jit3A_10 : f32 to vector<8192xf32>
    %select_n3A_12 = arith.select %gt3A_9, %mul3A, %broadcast_in_dim3A_11 : vector<8192xi1>, vector<8192xf32>
    %reduce_sum3A_13 = vector.shape_cast %select_n3A_12 : vector<8192xf32> to vector<1x8192xf32>
    %reduce_sum3A_14 = arith.constant dense<0.000000e+00> : vector<1xf32>
    %reduce_sum3A_15 = vector.multi_reduction <add>, %reduce_sum3A_13, %reduce_sum3A_14 [1] : vector<1x8192xf32> to vector<1xf32>
    %reduce_sum3A_16 = vector.shape_cast %reduce_sum3A_15 : vector<1xf32> to vector<1x1xf32>
    %reduce_sum3A_17 = vector.extract %reduce_sum3A_16[0, 0] : f32 from vector<1x1xf32>
    %get3A_18 = arith.constant 0 : index
    %get3A_19 = arith.constant 0 : index
    %get3A_20 = vector.load %arg2[%get3A_18, %get3A_19] : memref<32x16xf32, #tpu.memory_space<vmem>>, vector<32x16xf32>
    %reduce_sum3A_21 = vector.shape_cast %get3A_20 : vector<32x16xf32> to vector<1x32x16xf32>
    %reduce_sum3A_22 = arith.constant dense<0.000000e+00> : vector<1xf32>
    %reduce_sum3A_23 = vector.multi_reduction <add>, %reduce_sum3A_21, %reduce_sum3A_22 [1, 2] : vector<1x32x16xf32> to vector<1xf32>
    %reduce_sum3A_24 = vector.shape_cast %reduce_sum3A_23 : vector<1xf32> to vector<1x1x1xf32>
    %reduce_sum3A_25 = vector.extract %reduce_sum3A_24[0, 0, 0] : f32 from vector<1x1x1xf32>
    %sub3A = arith.subf %reduce_sum3A_17, %reduce_sum3A_25 : f32
    %mul3A_26 = arith.constant 4.76837158E-7 : f32
    %mul3A_27 = arith.mulf %sub3A, %mul3A_26 : f32
    %swap3A = arith.constant 0 : index
    %swap3A_28 = arith.constant 0 : index
    %swap3A_29 = memref.load %arg3[%swap3A, %swap3A_28] : memref<1x1xf32, #tpu.memory_space<smem>>
    memref.store %mul3A_27, %arg3[%swap3A, %swap3A_28] : memref<1x1xf32, #tpu.memory_space<smem>>
    return
  }
}

</mosaic_0001>

<sc_bundles>
// kernel: kernel.4.cloned.1.call-start
scs
__scs_entry_jumppad:
0x0: {  	(pc) =	sbr.rel $0x88, $3  }
0x1: {  	(tag) =	ssettag $0x0;
	lr =	simm.s32 $0x1  }
0x2: {  	[smem:$0x3F9E] =	sst lr;
	_ =	strace $0xD0000000  }
0x3: {  	_ = 	snop  }
0x4: {  	_ = 	snop  }
0x5: {  	_ = 	snop  }
0x6: {  	_ = 	snop  }
0x7: {  	_ = 	snop  }
__scs_overlays_trampoline_lowered:
0x8: {  	[smem:$0x3FAD] =	sst s0  }
0x9: {  	[smem:$0x3FAE] =	sst s1  }
0xa: {  	[smem:$0x3FAF] =	sst s2  }
0xb: {  	[smem:$0x3FB0] =	sst s3  }
0xc: {  	[smem:$0x3FB1] =	sst s4  }
0xd: {  	[smem:$0x3FB2] =	sst s5  }
0xe: {  	[smem:$0x3FB3] =	sst s6  }
0xf: {  	[smem:$0x3FB4] =	sst s7  }
0x10: {  	[smem:$0x3FB5] =	sst s8  }
0x11: {  	[smem:$0x3FB6] =	sst s9;
	s0 =	simm.s32 @!p0 $0x0  }
0x12: {  	s1 =	sld [smem:$0x3F9C];
	s0 =	simm.s32 @p0 $0x1  }
0x13: {  	[smem:$0x3FB7] =	sst s0;
	s0 =	simm.s32 @!p1 $0x0  }
0x14: {  	s2 =	sld [smem:$0x3F9B];
	s0 =	simm.s32 @p1 $0x1  }
0x15: {  	[smem:$0x3FB8] =	sst s0;
	s0 =	simm.s32 @!p2 $0x0  }
0x16: {  	s3 =	sld [smem:$0x3FDB];
	s0 =	simm.s32 @p2 $0x1  }
0x17: {  	s4 =	simm.s32 $0x1BF5;
	[smem:$0x3FBA] =	sst s0  }
0x18: {  	s0 =	sld [smem:$0x3F9D];
	_ =	swait.ge [sflag:s4], $0x0  }
0x19: {  	s7 =	sld [smem:$0x3F9E]  }
0x1a: {  	s8 =	sadd.s32 $0xFFFFE003, lr  }
0x1b: {  	s9 =	sadd.s32 $0xFFFFFEF7, lr;
	s5 =	simm.s32 $0xFFFFFFFF;
	p2 =	slt.u32 s8, $0xFFFFF086  }
0x1c: {  	p1 =	slt.u32 s9, $0xF7A;
	s5 =	simm.s32 @!p2 $0x0  }
0x1d: {  	s5 =	simm.s32 @p1 $0x1;
	p0 =	seq.s32 s7, s2  }
0x1e: {  	s7 =	smul.u32 @!p0 $0xF7A, s2;
	p2 =	seq.s32 @!p0 s5, $0x0  }
0x1f: {  	s9 =	smul.u32 $0xF7A, s1;
	s8 =	simm.s32 @!p0 $0x1BF5;
	p2 =	por !p2, p0  }
0x20: {  	[sflag:s8] =	ssyncset.s32 @!p0 $0xFFFFF086;
	s6 =	sadd.s32 @!p0 s3, s7;
	s7 =	simm.s32 @!p0 $0x108  }
0x21: {  	s3 =	sadd.s32 s3, s9;
	s6 =	sadd.s32 @!p0 $0x88, s6;
	s7 =	simm.s32 @p2 $0x1082  }
0x22: {  	[simem:s7], [sflag:s8] =	dma.local @!p0 [hbm:s6], $0xF7A  }
0x23: {  	s9 =	sor.u32 $0xD0000000, s2;
	s6 =	simm.s32 $0x108;
	_ =	swait.ge @!p0 [sflag:s8], $0x0  }
0x24: {  	s3 =	sadd.s32 $0x88, s3;
	s6 =	simm.s32 @!p1 $0x1082;
	[sflag:s4] =	ssyncset.s32 $0xFFFFF086  }
0x25: {  	[simem:s6], [sflag:s4] =	dma.local [hbm:s3], $0xF7A  }
0x26: {  	[smem:$0x3F9E] =	sst s1;
	(tag) =	ssettag s2;
	_ =	strace s9  }
0x27: {  	s1 =	sld [smem:$0x3FAE]  }
0x28: {  	s2 =	sld [smem:$0x3FAF]  }
0x29: {  	s4 =	sld [smem:$0x3FB1]  }
0x2a: {  	p0 =	seq.s32 s5, $0x0;
	s5 =	sld [smem:$0x3FB2]  }
0x2b: {  	s6 =	sld [smem:$0x3FB3]  }
0x2c: {  	s7 =	sld [smem:$0x3FB4]  }
0x2d: {  	s3 =	simm.s32 $0x108;
	s8 =	sld [smem:$0x3FB5]  }
0x2e: {  	s3 =	simm.s32 @!p0 $0x1082;
	s9 =	sld [smem:$0x3FB6]  }
0x2f: {  	lr =	sadd.s32 s0, s3;
	s0 =	sld [smem:$0x3FAD]  }
0x30: {  	s3 =	sld [smem:$0x3FB0]  }
0x31: {  	[smem:$0x3FB9] =	sst s10  }
0x32: {  	s10 =	sld [smem:$0x3FB7];
	_ =	sdelay $0x3  }
0x33: {  	p0 =	seq.s32 s10, $0x1;
	s10 =	sld [smem:$0x3FB9];
	_ =	sdelay $0x3  }
0x34: {  	[smem:$0x3FB9] =	sst s10  }
0x35: {  	s10 =	sld [smem:$0x3FB8];
	_ =	sdelay $0x3  }
0x36: {  	p1 =	seq.s32 s10, $0x1;
	s10 =	sld [smem:$0x3FB9];
	_ =	sdelay $0x3  }
0x37: {  	[smem:$0x3FB9] =	sst s10  }
0x38: {  	s10 =	sld [smem:$0x3FBA]  }
0x39: {  	_ = 	snop;
	(pc) =	sbr.ind lr, $3  }
0x3a: {  	_ = 	snop  }
0x3b: {  	_ = 	snop  }
0x3c: {  	p2 =	seq.s32 s10, $0x1;
	s10 =	sld [smem:$0x3FB9]  }
0x3d: {  	_ =	shalt  }
0x3e: {  	_ =	shalt  }
0x3f: {  	_ =	shalt  }
0x40: {  	_ =	shalt  }
0x41: {  	_ =	shalt  }
0x42: {  	_ =	shalt  }
0x43: {  	_ =	shalt  }
0x44: {  	_ =	shalt  }
0x45: {  	_ =	shalt  }
0x46: {  	_ =	shalt  }
0x47: {  	_ =	shalt  }
0x48: {  	_ =	shalt  }
0x49: {  	_ =	shalt  }
0x4a: {  	_ =	shalt  }
0x4b: {  	_ =	shalt  }
0x4c: {  	_ =	shalt  }
0x4d: {  	_ =	shalt  }
0x4e: {  	_ =	shalt  }
0x4f: {  	_ =	shalt  }
0x50: {  	_ =	shalt  }
0x51: {  	_ =	shalt  }
0x52: {  	_ =	shalt  }
0x53: {  	_ =	shalt  }
0x54: {  	_ =	shalt  }
0x55: {  	_ =	shalt  }
0x56: {  	_ =	shalt  }
0x57: {  	_ =	shalt  }
0x58: {  	_ =	shalt  }
0x59: {  	_ =	shalt  }
0x5a: {  	_ =	shalt  }
0x5b: {  	_ =	shalt  }
0x5c: {  	_ =	shalt  }
0x5d: {  	_ =	shalt  }
0x5e: {  	_ =	shalt  }
0x5f: {  	_ =	shalt  }
0x60: {  	_ =	shalt  }
0x61: {  	_ =	shalt  }
0x62: {  	_ =	shalt  }
0x63: {  	_ =	shalt  }
0x64: {  	_ =	shalt  }
0x65: {  	_ =	shalt  }
0x66: {  	_ =	shalt  }
0x67: {  	_ =	shalt  }
0x68: {  	_ =	shalt  }
0x69: {  	_ =	shalt  }
0x6a: {  	_ =	shalt  }
0x6b: {  	_ =	shalt  }
0x6c: {  	_ =	shalt  }
0x6d: {  	_ =	shalt  }
0x6e: {  	_ =	shalt  }
0x6f: {  	_ =	shalt  }
0x70: {  	_ =	shalt  }
0x71: {  	_ =	shalt  }
0x72: {  	_ =	shalt  }
0x73: {  	_ =	shalt  }
0x74: {  	_ =	shalt  }
0x75: {  	_ =	shalt  }
0x76: {  	_ =	shalt  }
0x77: {  	_ =	shalt  }
0x78: {  	_ =	shalt  }
0x79: {  	_ =	shalt  }
0x7a: {  	_ =	shalt  }
0x7b: {  	_ =	shalt  }
0x7c: {  	_ =	shalt  }
0x7d: {  	_ =	shalt  }
0x7e: {  	_ =	shalt  }
0x7f: {  	_ =	shalt  }
0x80: {  	_ =	shalt  }
0x81: {  	_ =	shalt  }
0x82: {  	_ =	shalt  }
0x83: {  	_ =	shalt  }
0x84: {  	_ =	shalt  }
0x85: {  	_ =	shalt  }
0x86: {  	_ =	shalt  }
0x87: {  	_ =	shalt  }
.Lfunc_end0:
.L_simem_size_0:
called_computation_lowered:
.L_overlay_start_0:
0x88: {  	s2 =	sld [smem:$0x3FD9]  }
0x89: {  	s3 =	sld [smem:$0x3FFE];
	_ =	sdelay $0x1  }
0x8a: {  	s1 =	srdreg.scid  }
0x8b: {  	s0 =	sand.u32 $0x1, s1  }
0x8c: {  	s17 =	sshll.u32 s0, $0xA;
	s2 =	sadd.s32 s3, s2  }
0x8d: {  	s2 =	sadd.s32 s2, s17  }
0x8e: {  	[smem:$0x3FC5] =	sst s2  }
0x8f: {  	_ = 	snop  }
0x90: {  	s2 =	sld [smem:$0x3FC9]  }
0x91: {  	s18 =	sld [smem:$0x3FC8]  }
0x92: {  	s4 =	sld [smem:$0x3FC7];
	(tm) =	ssettm $0x1  }
0x93: {  	s5 =	sld [smem:$0x3FFB];
	_ =	sdelay $0x3  }
0x94: {  	_ =	strace s5  }
0x95: {  	s5 =	sld [smem:$0x3FFC];
	_ =	sdelay $0x3  }
0x96: {  	_ =	strace s5  }
0x97: {  	s5 =	sld [smem:$0x3FFD];
	_ =	sdelay $0x3  }
0x98: {  	_ =	strace s5  }
0x99: {  	_ =	strace $0x8FFFFFFF  }
0x9a: {  	s19 =	sld [smem:$0x3FDB];
	_ =	sdelay $0x1  }
0x9b: {  	s6 =	simm.s32 $_scs_section_size  }
0x9c: {  	s7 =	simm.s32 $_size__tile_overlayer_lowered;
	s8 =	simm.s32 $_tile_overlayer_lowered  }
0x9d: {  	s22 =	simm.s32 $0x1BFF;
	s21 =	sshll.u32 s8, $0x1;
	s5 =	sadd.s32 s6, s19  }
0x9e: {  	s9 =	simm.s32 $0x0;
	s20 =	sshll.u32 s7, $0x1;
	s7 =	sadd.s32 s21, s5  }
0x9f: {  	[timem:s9], [sflag:s22] =	dma.local [hbm:s7], s20  }
0xa0: {  	_ =	swait.ge [sflag:s22], s20  }
0xa1: {  	s6 =	ssub.s32 $0x0, s20;
	[sflag:s22] =	ssyncset.done $0x0  }
0xa2: {  	[sflag:s22] =	ssyncadd.s32 s6;
	_ =	sdelay $0x1  }
0xa3: {  	s23 =	simm.s32 $0x1B8B  }
0xa4: {  	_ =	swait.ge [sflag:s23], $0x1  }
0xa5: {  	[sflag:s23] =	ssyncset.done $0x0  }
0xa6: {  	s25 =	simm.s32 $0x1B8E;
	s24 =	sld [smem:$0x3FFE];
	[sflag:s23] =	ssyncadd.s32 $0xFFFFFFFF  }
0xa7: {  	s26 =	simm.s32 $execute0_lowered;
	[smem:$0x3FD2] =	sst s25  }
0xa8: {  	s7 =	sshll.u32 s26, $0x1;
	_ =	strace $0x80000046;
	[dreg:$0x1] =	wrdreg $0xFFFFFFFF  }
0xa9: {  	s28 =	simm.s32 $_size_execute0_lowered;
	s5 =	sadd.s32 s5, s7;
	[dreg:$0x0] =	wrdreg $0x0  }
0xaa: {  	s7 =	sshll.u32 s28, $0x1;
	[dreg:$0x2] =	wrdreg s5  }
0xab: {  	[dreg:$0x3] =	wrdreg s7  }
0xac: {  	[dreg:$0x4] =	wrdreg $0xC0  }
0xad: {  	_ =	task [dreg:s9], $0x5FFFF  }
0xae: {  	[dreg:$0x1] =	wrdreg $0xFFFFFFFF  }
0xaf: {  	[dreg:$0x0] =	wrdreg $0x60  }
0xb0: {  	[dreg:$0x2] =	wrdreg s2  }
0xb1: {  	[dreg:$0x3] =	wrdreg s18  }
0xb2: {  	[dreg:$0x4] =	wrdreg s4  }
0xb3: {  	[dreg:$0x5] =	wrdreg s24  }
0xb4: {  	[dreg:$0x6] =	wrdreg $0x9  }
0xb5: {  	_ =	task.clear_ibuf [dreg:s9], $0x7FFFF;
	_ =	strace $0x90000046  }
0xb6: {  	s29 =	simm.s32 $0x9;
	_ =	strace $0x80000048  }
0xb7: {  	_ =	swait.ge [sflag:s29], $0x1  }
0xb8: {  	[sflag:s29] =	ssyncadd.s32 $0xFFFFFFFF  }
0xb9: {  	_ =	strace $0x90000048  }
0xba: {  	_ =	sfence  }
0xbb: {  	s30 =	sld [smem:$0x0];
	_ =	sdelay $0x2  }
0xbc: {  	s31 =	sshll.u32 s1, $0xD;
	s1 =	sshrl.u32 s1, $0x2  }
0xbd: {  	s3 =	sand.u32 $0x4000, s31;
	s1 =	sadd.s32 s1, s30  }
0xbe: {  	s0 =	sor.u32 s3, s0;
	s1 =	sshll.u32 s1, $0x11  }
0xbf: {  	s0 =	sor.u32 s1, s0  }
0xc0: {  	s0 =	sadd.s32 $0x8F2B, s0  }
0xc1: {  	[sflag:s0] =	ssyncadd.remote.s32 $0x1  }
0xc2: {  	_ =	sfence.sel $0xFFFF  }
0xc3: {  	[dreg:$0x0] =	wrdreg $0xFFFFFFFF;
	(pc) =	sbr.abs _section_cstart, $3  }
0xc4: {  	[dreg:$0x1] =	wrdreg $0xFFFFFFFF  }
0xc5: {  	_ =	task.clear_ibuf [dreg:s9], $0x2FFFF;
	_ =	strace $0x9FFFFFFF  }
0xc6: {  	(tm) =	ssettm $0x7FFFFFFF  }
0xc7: {  	_ =	shalt  }
tec
execute0_lowered:
.L_overlay_start_1:
0x0: {  	(tag) =	ssettag $0x1  }
0x1: {  	s2 =	rddreg [dreg:$0x0]  }
0x2: {  	s0 =	srdreg.scid;
	s3 =	rddreg [dreg:$0x1]  }
0x3: {  	s4 =	rddreg [dreg:$0x2];
	s0 =	sand.u32 $0x1, s0  }
0x4: {  	s8 =	stileid.u32;
	s6 =	rddreg [dreg:$0x3];
	s1 =	sshll.u32 s0, $0x4  }
0x5: {  	s0 =	ssub.s32 $0x2, s0;
	s5 =	sor.u32 s8, s1;
	s8 =	sshll.u32 s8, $0x7  }
0x6: {  	s1 =	simm.s32 $0x0;
	s11 =	sshrl.u32 s0, $0x1;
	s7 =	sshrl.u32 s5, $0x3  }
0x7: {  	s8 =	sand.u32 $0x380, s8;
	[smem:$0x7FF] =	sst s1;
	s0 =	ssub.s32 s0, s11  }
0x8: {  	s5 =	sshll.u32 s5, $0xD;
	s11 =	simm.s32 $0x3;
	s9 =	sshll.u32 s7, $0x10  }
0x9: {  	s7 =	sshll.u32 s7, $0xA;
	s12 =	sadd.s32 s2, s5;
	s13 =	sadd.s32 s3, s5  }
0xa: {  	s14 =	sor.u32 $0x400, s5;
	s17 =	sor.u32 $0x800, s5;
	[dreg:$0x5] =	wrdreg s12  }
0xb: {  	s19 =	sor.u32 $0xC00, s5;
	[dreg:$0x6] =	wrdreg s13;
	s15 =	sadd.s32 s2, s14  }
0xc: {  	s22 =	sor.u32 $0x1000, s5;
	s16 =	sadd.s32 s3, s14;
	[dreg:$0x7] =	wrdreg s15  }
0xd: {  	s25 =	sor.u32 $0x1400, s5;
	s18 =	sadd.s32 s2, s17;
	[dreg:$0x8] =	wrdreg s16  }
0xe: {  	s26 =	sor.u32 $0x1800, s5;
	s10 =	sadd.s32 s3, s17;
	[dreg:$0xa] =	wrdreg s18  }
0xf: {  	s31 =	smax.u32 s0, $0x1;
	s20 =	sadd.s32 s2, s19;
	[dreg:$0xb] =	wrdreg s10  }
0x10: {  	s0 =	simm.s32 $0x8000;
	s21 =	sadd.s32 s3, s19;
	[dreg:$0xd] =	wrdreg s20  }
0x11: {  	s9 =	sor.u32 s8, s9;
	s23 =	sadd.s32 s2, s22;
	[dreg:$0xe] =	wrdreg s21  }
0x12: {  	s7 =	sor.u32 s8, s7;
	s24 =	sadd.s32 s3, s22;
	[dreg:$0x10] =	wrdreg s23  }
0x13: {  	s9 =	sshrl.u32 s9, $0x3;
	s7 =	sshrl.u32 s7, $0x3;
	[dreg:$0x11] =	wrdreg s24  }
0x14: {  	s15 =	sadd.s32 s4, s22;
	s16 =	sadd.s32 s2, s25;
	s18 =	sadd.s32 s4, s25  }
0x15: {  	s21 =	sadd.s32 s2, s26;
	s22 =	sadd.s32 s3, s26;
	s23 =	sadd.s32 s4, s26  }
0x16: {  	s8 =	sadd.s32 s9, s6;
	s6 =	sadd.s32 s7, s6;
	s7 =	sadd.s32 s4, s14  }
0x17: {  	v0 =	vimm.s32 $0xFFEDCBA9;
	v1 =	vimm.s32 $0x87654321;
	s20 =	simm.s32 $0x4000;
	s9 =	sadd.s32 s4, s17;
	[dreg:$0x9] =	wrdreg s7  }
0x18: {  	v0 =	vunpack.c.l.s4.s8 v0;
	v1 =	vunpack.c.l.s4.s8 v1;
	s17 =	sadd.s32 s3, s25;
	[dreg:$0xc] =	wrdreg s9;
	s7 =	sadd.s32 s4, s19  }
0x19: {  	s19 =	sadd.s32 s4, s5;
	s5 =	sor.u32 $0x1C00, s5;
	s28 =	sadd.s32 $0xE00, s8  }
0x1a: {  	v0 =	vunpack.c.0.s8.s32 v0;
	v1 =	vunpack.c.0.s8.s32 v1;
	s29 =	sadd.s32 $0x8E00, s8;
	s30 =	sadd.s32 $0x10E00, s6;
	s6 =	simm.s32 $0xC000  }
0x1b: {  	s8 =	simm.s32 $0x2;
	s9 =	simm.s32 $0x0;
	[dreg:$0xf] =	wrdreg s7  }
0x1c: {  	v1 =	vcombine.low v1, v0;
	s24 =	sadd.s32 s2, s5;
	s25 =	sadd.s32 s3, s5;
	s26 =	sadd.s32 s4, s5  }
0x1d: {  	vm0 =	vcmask $0x3F3C;
	s2 =	simm.s32 $0x2000;
	s3 =	simm.s32 $0x6000;
	s4 =	simm.s32 $0xA000  }
0x1e: {  	vm1 =	vmmov $0x7fff;
	v0 =	vimm.f32 $0.0e+00;
	v1 =	vand.u32 $0xF, v1;
	s5 =	simm.s32 $0x1;
	s7 =	simm.s32 $0xE000;
	_ =	strace $0x80000047  }
.LBB2_1:
0x1f: {  	s10 =	simm.s32 $0xC040  }
0x20: {  	[tilespmem:s10+$0x30] =	vst v0  }
0x21: {  	[tilespmem:s10+$0xFFFFFFF0] =	vst v0  }
0x22: {  	[tilespmem:s10+$0xFFFFFFC0] =	vst v0  }
0x23: {  	[tilespmem:s10+$0xFFFFFFE0] =	vst v0  }
0x24: {  	[tilespmem:s10+$0x10] =	vst v0  }
0x25: {  	[tilespmem:s10+$0x20] =	vst v0  }
0x26: {  	[tilespmem:s10+$0x0] =	vst v0  }
0x27: {  	s12 =	simm.s32 $0xE040;
	[tilespmem:s10+$0xFFFFFFD0] =	vst v0  }
0x28: {  	[tilespmem:s12+$0xFFFFFFC0] =	vst v0  }
0x29: {  	[tilespmem:s12+$0x30] =	vst v0  }
0x2a: {  	[tilespmem:s12+$0x20] =	vst v0  }
0x2b: {  	[tilespmem:s12+$0x10] =	vst v0  }
0x2c: {  	[tilespmem:s12+$0xFFFFFFE0] =	vst v0  }
0x2d: {  	[tilespmem:s12+$0x0] =	vst v0  }
0x2e: {  	s13 =	simm.s32 $0x0;
	[tilespmem:s12+$0xFFFFFFF0] =	vst v0  }
.LBB2_2:
0x2f: {  	s13 =	sadd.s32 $0x8, s13;
	[tilespmem:s12+$0xFFFFFFD0] =	vst v0;
	s10 =	sadd.s32 $0x80, s10;
	s12 =	sadd.s32 $0x80, s12  }
0x30: {  	[tilespmem:s10+$0x30] =	vst v0;
	p0 =	slt.u32 s13, $0x1F8  }
0x31: {  	[tilespmem:s10+$0xFFFFFFF0] =	vst v0  }
0x32: {  	[tilespmem:s10+$0xFFFFFFC0] =	vst v0  }
0x33: {  	[tilespmem:s12+$0xFFFFFFC0] =	vst v0  }
0x34: {  	[tilespmem:s12+$0x30] =	vst v0  }
0x35: {  	[tilespmem:s10+$0xFFFFFFE0] =	vst v0  }
0x36: {  	[tilespmem:s10+$0x10] =	vst v0  }
0x37: {  	[tilespmem:s10+$0x20] =	vst v0  }
0x38: {  	[tilespmem:s12+$0x20] =	vst v0  }
0x39: {  	[tilespmem:s12+$0x10] =	vst v0  }
.Ltmp0:
0x3a: {  	[tilespmem:s12+$0xFFFFFFE0] =	vst v0;
	(pc) =	sbr.rel @p0 .LBB2_2-.Ltmp0, $4  }
0x3b: {  	[tilespmem:s10+$0x0] =	vst v0  }
0x3c: {  	[tilespmem:s12+$0x0] =	vst v0  }
0x3d: {  	[tilespmem:s12+$0xFFFFFFF0] =	vst v0  }
0x3e: {  	[tilespmem:s10+$0xFFFFFFD0] =	vst v0  }
0x3f: {  	[tilespmem:s12+$0xFFFFFFD0] =	vst v0  }
0x40: {  	s10 =	rddreg [dreg:$0x5]  }
0x41: {  	[tilespmem:s1], [sflag:$0x1] =	stream.linear.gather [hbm4b:s10+s1], $0x2000, $0x38;
	[tilespmem:$0x10080] =	vst v63  }
0x42: {  	s14 =	rddreg [dreg:$0x6]  }
0x43: {  	[tilespmem:s20], [sflag:$0x1] =	stream.linear.gather [hbm4b:s14+s1], $0x2000, $0x38;
	[tilespmem:$0x10080] =	vst v63  }
0x44: {  	_ = 	snop  }
0x45: {  	[tilespmem:s0], [sflag:$0x1] =	stream.linear.gather [hbm4b:s19+s1], $0x2000, $0x38;
	[tilespmem:$0x10080] =	vst v63  }
0x46: {  	s12 =	rddreg [dreg:$0x7]  }
0x47: {  	[tilespmem:s2], [sflag:$0x2] =	stream.linear.gather [hbm4b:s12+s1], $0x2000, $0x38;
	[tilespmem:$0x10080] =	vst v63  }
0x48: {  	s13 =	rddreg [dreg:$0x8]  }
0x49: {  	[tilespmem:s3], [sflag:$0x2] =	stream.linear.gather [hbm4b:s13+s1], $0x2000, $0x38;
	[tilespmem:$0x10080] =	vst v63  }
0x4a: {  	s14 =	rddreg [dreg:$0x9]  }
0x4b: {  	[tilespmem:s4], [sflag:$0x2] =	stream.linear.gather [hbm4b:s14+s1], $0x2000, $0x38;
	[tilespmem:$0x10080] =	vst v63  }
0x4c: {  	_ =	swait.ge [sflag:s5], $0x2000  }
0x4d: {  	[sflag:s5] =	ssyncset.done $0x0  }
0x4e: {  	[sflag:s5] =	ssyncadd.s32 $0xFFFFE000  }
0x4f: {  	_ =	swait.ge [sflag:s5], $0x2000  }
0x50: {  	[sflag:s5] =	ssyncset.done $0x0  }
0x51: {  	[sflag:s5] =	ssyncadd.s32 $0xFFFFE000  }
0x52: {  	_ =	swait.ge [sflag:s5], $0x2000  }
0x53: {  	[sflag:s5] =	ssyncset.done $0x0  }
0x54: {  	s12 =	simm.s32 $0x20;
	[sflag:s5] =	ssyncadd.s32 $0xFFFFE000  }
0x55: {  	v2 =	vld [tilespmem:s12+$0xFFFFFFF0];
	_ =	sdelay $0x3  }
0x56: {  	v4 =	vld [tilespmem:s12+$0x10]  }
0x57: {  	v3 =	vld [tilespmem:s12+$0x0];
	v5 =	vmul.f32 $1.442695020e+00, v2;
	_ =	sdelay $0x1  }
0x58: {  	v8 =	vld [tilespmem:s12+$0xFFFFFFE0];
	(erf) = vpow2.f32 v5  }
0x59: {  	s13 =	simm.s32 $0x4020  }
0x5a: {  	v6 =	vld [tilespmem:s13+$0xFFFFFFE0];
	v5 =	vmul.f32 $1.442695020e+00, v4  }
0x5b: {  	v7 =	vmul.f32 $1.442695020e+00, v3  }
0x5c: {  	v10 =	vld [tilespmem:s13+$0xFFFFFFF0];
	(erf) = vpow2.f32 v5  }
0x5d: {  	v5 =	vmul.f32 $1.442695020e+00, v8;
	(erf) = vpow2.f32 v7  }
0x5e: {  	s14 =	simm.s32 $0x8020  }
0x5f: {  	v13 =	vld [tilespmem:s14+$0xFFFFFFF0];
	(xrf2) =	vadd.scan.msk.f32 $0xffff, v6;
	_ =	sdelay $0x1  }
0x60: {  	(xrf2) =	vadd.scan.msk.f32 $0xffff, v10;
	(erf) = vpow2.f32 v5;
	v5 =	vpop (erf)  }
0x61: {  	v19 =	vld [tilespmem:s13+$0x0];
	(xrf2) =	vadd.scan.msk.f32 $0xffff, v5  }
0x62: {  	v11 =	vld [tilespmem:s14+$0x10]  }
0x63: {  	v17 =	vperm.xlane v13, v1;
	v7 =	vld [tilespmem:s14+$0x0]  }
0x64: {  	v18 =	vld [tilespmem:s13+$0x10];
	s12 =	simm.s32 $0x4060;
	v12 =	vpop (erf)  }
0x65: {  	v20 =	vld [tilespmem:s12+$0xFFFFFFE0];
	vm2 =	vne.s32 v13, v17;
	v9 =	vpop (erf)  }
0x66: {  	s13 =	simm.s32 $0x60;
	v15 =	vld [tilespmem:s12+$0xFFFFFFF0];
	v14 =	vmul.f32 v6, v8;
	vm5 =	vmor vm2, vm0;
	(xrf2) =	vadd.scan.msk.f32 $0xffff, v9  }
0x67: {  	v16 =	vimm.f32 $0.0e+00;
	s10 =	simm.s32 $0x8060;
	v23 =	vld [tilespmem:s13+$0xFFFFFFF0];
	v2 =	vmul.f32 v10, v2  }
0x68: {  	v6 =	vld [tilespmem:s10+$0xFFFFFFF0];
	v10 =	vadd.f32 v14, v16;
	vm6 =	vmand vm2, vm1;
	v8, _, _ =	vpop (xrf2);
	v9 =	vperm.xlane v7, v1  }
0x69: {  	v16 =	vld [tilespmem:s13+$0xFFFFFFE0];
	v21 =	vpop (erf);
	(xrf2) =	vadd.scan.msk.f32 $0xffff, v12  }
0x6a: {  	v2 =	vadd.f32 v2, v10;
	v22, _, _ =	vpop (xrf2);
	v5 =	vld [tilespmem:s14+$0xFFFFFFE0];
	vm3 =	vne.s32 v7, v9;
	(xrf2) =	vadd.scan.msk.f32 $0xffff, v21  }
0x6b: {  	v10 =	vmul.f32 v19, v3;
	v3 =	vld [tilespmem:s13+$0x0];
	v12 =	vperm.xlane v11, v1;
	vm2 =	vmor vm3, vm0;
	v14, _, _ =	vpop (xrf2)  }
0x6c: {  	v4 =	vmul.f32 v18, v4;
	[tilespmem:v13+s6+$0x0] =	vst.idx.add.f32.msk vm5, v14;
	v14 =	vsub.f32 $0.0e+00, v14  }
0x6d: {  	v10 =	vadd.f32 v10, v2;
	v2 =	vld [tilespmem:s13+$0x10];
	vm7 =	vne.s32 v11, v12;
	vm3 =	vmand vm3, vm1;
	(xrf2) =	vadd.scan.msk.f32 $0xffff, v20  }
0x6e: {  	v24 =	vsub.f32 $0.0e+00, v22;
	vm4 =	vmor vm7, vm0;
	[tilespmem:v17+s6+$0x0] =	vst.idx.add.f32.msk vm6, v14  }
0x6f: {  	v10 =	vadd.f32 v4, v10;
	v14 =	vperm.xlane v5, v1;
	[tilespmem:v13+s7+$0x0] =	vst.idx.add.f32.msk vm5, v22  }
0x70: {  	(xrf2) =	vadd.scan.msk.f32 $0xffff, v18;
	v21, _, _ =	vpop (xrf2);
	v22 =	vmul.f32 $1.442695020e+00, v23;
	[tilespmem:v17+s7+$0x0] =	vst.idx.add.f32.msk vm6, v24;
	vm6 =	vmand vm7, vm1  }
0x71: {  	v20 =	vmul.f32 v20, v16;
	[tilespmem:v7+s6+$0x0] =	vst.idx.add.f32.msk vm2, v21;
	v21 =	vsub.f32 $0.0e+00, v21;
	vm7 =	vne.s32 v5, v14  }
0x72: {  	v13 =	vld [tilespmem:s10+$0xFFFFFFE0];
	(erf) = vpow2.f32 v22;
	vm5 =	vmor vm7, vm0  }
0x73: {  	v10 =	vadd.f32 v20, v10;
	v20 =	vmul.f32 $1.442695020e+00, v2;
	(xrf2) =	vadd.scan.msk.f32 $0xffff, v19;
	v17, _, _ =	vpop (xrf2);
	[tilespmem:v9+s6+$0x0] =	vst.idx.add.f32.msk vm3, v21  }
0x74: {  	v4 =	vmul.f32 v15, v23;
	s14 =	simm.s32 $0x4;
	v18 =	vmul.f32 $1.442695020e+00, v3;
	[tilespmem:v11+s6+$0x0] =	vst.idx.add.f32.msk vm4, v17;
	v19 =	vsub.f32 $0.0e+00, v17;
	v17, _, _ =	vpop (xrf2)  }
.LBB2_4:
0x75: {  	s14 =	sadd.s32 $0x4, s14;
	v21 =	vld [tilespmem:s12+$0x0];
	(erf) = vpow2.f32 v20  }
0x76: {  	v16 =	vmul.f32 $1.442695020e+00, v16;
	p0 =	slt.u32 s14, $0x1FC;
	(erf) = vpow2.f32 v18;
	[tilespmem:v12+s6+$0x0] =	vst.idx.add.f32.msk vm6, v19  }
0x77: {  	vm8 =	vmand vm7, vm1;
	v18 =	vld [tilespmem:s10+$0x10];
	v19, _, _ =	vpop (xrf2)  }
0x78: {  	(erf) = vpow2.f32 v16;
	(xrf2) =	vadd.scan.msk.f32 $0xffff, v15;
	[tilespmem:v5+s6+$0x0] =	vst.idx.add.f32.msk vm5, v17;
	v15 =	vsub.f32 $0.0e+00, v17  }
0x79: {  	v16 =	vld [tilespmem:s10+$0x0]  }
0x7a: {  	v17 =	vld [tilespmem:s12+$0x10];
	v20, _, _ =	vpop (xrf2)  }
0x7b: {  	s12 =	sadd.s32 $0x40, s12;
	v22 =	vpop (erf);
	[tilespmem:v11+s7+$0x0] =	vst.idx.add.f32.msk vm4, v20;
	v20 =	vsub.f32 $0.0e+00, v20  }
0x7c: {  	v23 =	vld [tilespmem:s12+$0xFFFFFFE0];
	(xrf2) =	vadd.scan.msk.f32 $0xffff, v22;
	v11 =	vmov v18  }
0x7d: {  	v22 =	vperm.xlane v6, v1;
	[tilespmem:v12+s7+$0x0] =	vst.idx.add.f32.msk vm6, v20;
	v12, _, _ =	vpop (xrf2)  }
0x7e: {  	v18 =	vpop (erf);
	[tilespmem:v14+s6+$0x0] =	vst.idx.add.f32.msk vm8, v15;
	v15 =	vsub.f32 $0.0e+00, v8;
	v25 =	vsub.f32 $0.0e+00, v12  }
0x7f: {  	vm4 =	vne.s32 v6, v22;
	v24 =	vpop (erf);
	[tilespmem:v7+s7+$0x0] =	vst.idx.add.f32.msk vm2, v12;
	v7 =	vmov v16  }
0x80: {  	vm7 =	vmor vm4, vm0;
	(xrf2) =	vadd.scan.msk.f32 $0xffff, v24;
	[tilespmem:v9+s7+$0x0] =	vst.idx.add.f32.msk vm3, v25  }
0x81: {  	v20 =	vpop (erf);
	[tilespmem:v5+s7+$0x0] =	vst.idx.add.f32.msk vm5, v8;
	v8 =	vmov v19;
	v5 =	vmov v13  }
0x82: {  	v9 =	vperm.xlane v7, v1;
	v13, _, _ =	vpop (xrf2);
	[tilespmem:v14+s7+$0x0] =	vst.idx.add.f32.msk vm8, v15  }
0x83: {  	s10 =	sadd.s32 $0x40, s10;
	v15 =	vld [tilespmem:s12+$0xFFFFFFF0];
	(xrf2) =	vadd.scan.msk.f32 $0xffff, v18  }
0x84: {  	s13 =	sadd.s32 $0x40, s13;
	v12 =	vperm.xlane v11, v1;
	vm5 =	vmand vm4, vm1;
	vm3 =	vne.s32 v7, v9;
	v18 =	vld [tilespmem:s10+$0xFFFFFFF0]  }
0x85: {  	v4 =	vadd.f32 v4, v10;
	v3 =	vmul.f32 v21, v3;
	vm2 =	vmor vm3, vm0;
	v14 =	vld [tilespmem:s13+$0xFFFFFFF0]  }
0x86: {  	vm6 =	vne.s32 v11, v12;
	v16 =	vld [tilespmem:s13+$0xFFFFFFE0];
	(xrf2) =	vadd.scan.msk.f32 $0xffff, v20;
	v10, _, _ =	vpop (xrf2)  }
0x87: {  	v4 =	vadd.f32 v3, v4;
	v19 =	vmul.f32 v17, v2;
	[tilespmem:v6+s6+$0x0] =	vst.idx.add.f32.msk vm7, v10  }
0x88: {  	vm4 =	vmor vm6, vm0;
	v20 =	vsub.f32 $0.0e+00, v10;
	v3 =	vld [tilespmem:s13+$0x0]  }
0x89: {  	vm3 =	vmand vm3, vm1;
	v19 =	vadd.f32 v19, v4;
	v2 =	vld [tilespmem:s13+$0x10];
	(xrf2) =	vadd.scan.msk.f32 $0xffff, v23  }
0x8a: {  	vm6 =	vmand vm6, vm1;
	v4 =	vmul.f32 v15, v14;
	[tilespmem:v22+s6+$0x0] =	vst.idx.add.f32.msk vm5, v20;
	v10, _, _ =	vpop (xrf2)  }
0x8b: {  	v24 =	vsub.f32 $0.0e+00, v13;
	v20 =	vmul.f32 $1.442695020e+00, v14;
	v14 =	vperm.xlane v5, v1;
	[tilespmem:v7+s6+$0x0] =	vst.idx.add.f32.msk vm2, v10  }
.Ltmp1:
0x8c: {  	v23 =	vmul.f32 v23, v16;
	v25 =	vsub.f32 $0.0e+00, v10;
	[tilespmem:v6+s7+$0x0] =	vst.idx.add.f32.msk vm7, v13;
	(xrf2) =	vadd.scan.msk.f32 $0xffff, v17;
	v6 =	vmovc v18;
	(pc) =	sbr.rel @p0 .LBB2_4-.Ltmp1, $4  }
0x8d: {  	vm7 =	vne.s32 v5, v14;
	v18 =	vmul.f32 $1.442695020e+00, v3;
	[tilespmem:v22+s7+$0x0] =	vst.idx.add.f32.msk vm5, v24;
	v17, _, _ =	vpop (xrf2)  }
0x8e: {  	v10 =	vadd.f32 v23, v19;
	vm5 =	vmor vm7, vm0;
	v13 =	vld [tilespmem:s10+$0xFFFFFFE0];
	(erf) = vpow2.f32 v20  }
0x8f: {  	v20 =	vmul.f32 $1.442695020e+00, v2;
	[tilespmem:v9+s6+$0x0] =	vst.idx.add.f32.msk vm3, v25;
	(xrf2) =	vadd.scan.msk.f32 $0xffff, v21  }
0x90: {  	v19 =	vsub.f32 $0.0e+00, v17;
	[tilespmem:v11+s6+$0x0] =	vst.idx.add.f32.msk vm4, v17;
	v17, _, _ =	vpop (xrf2)  }
0x91: {  	(erf) = vpow2.f32 v20  }
0x92: {  	(erf) = vpow2.f32 v18;
	_ =	sdelay $0x2  }
0x93: {  	v16 =	vmul.f32 $1.442695020e+00, v16;
	_ =	sdelay $0x1  }
0x94: {  	(xrf2) =	vadd.scan.msk.f32 $0xffff, v15;
	v20 =	vld [tilespmem:s10+$0x0];
	(erf) = vpow2.f32 v16;
	v15 =	vpop (erf)  }
0x95: {  	[tilespmem:v5+s6+$0x0] =	vst.idx.add.f32.msk vm5, v17;
	v18, _, _ =	vpop (xrf2);
	(xrf2) =	vadd.scan.msk.f32 $0xffff, v15  }
0x96: {  	vm7 =	vmand vm7, vm1;
	[tilespmem:v12+s6+$0x0] =	vst.idx.add.f32.msk vm6, v19;
	v19, _, _ =	vpop (xrf2)  }
0x97: {  	v24 =	vld [tilespmem:s12+$0x10];
	v21 =	vpop (erf)  }
0x98: {  	v22 =	vperm.xlane v6, v1;
	v16 =	vld [tilespmem:s12+$0x0];
	v23 =	vpop (erf)  }
0x99: {  	v17 =	vsub.f32 $0.0e+00, v17;
	[tilespmem:v11+s7+$0x0] =	vst.idx.add.f32.msk vm4, v19;
	(xrf2) =	vadd.scan.msk.f32 $0xffff, v23;
	v23 =	vsub.f32 $0.0e+00, v19  }
0x9a: {  	vm4 =	vne.s32 v6, v22;
	v15 =	vld [tilespmem:s10+$0x10]  }
0x9b: {  	v11, _, _ =	vpop (xrf2);
	[tilespmem:v12+s7+$0x0] =	vst.idx.add.f32.msk vm6, v23;
	vm6 =	vmor vm4, vm0  }
0x9c: {  	[tilespmem:v14+s6+$0x0] =	vst.idx.add.f32.msk vm7, v17;
	(xrf2) =	vadd.scan.msk.f32 $0xffff, v21;
	v12 =	vsub.f32 $0.0e+00, v11;
	vm4 =	vmand vm4, vm1  }
0x9d: {  	[tilespmem:v7+s7+$0x0] =	vst.idx.add.f32.msk vm2, v11;
	v17 =	vpop (erf);
	v19 =	vperm.xlane v20, v1  }
0x9e: {  	(xrf2) =	vadd.scan.msk.f32 $0xffff, v17;
	v11 =	vsub.f32 $0.0e+00, v8;
	[tilespmem:v9+s7+$0x0] =	vst.idx.add.f32.msk vm3, v12;
	v9, _, _ =	vpop (xrf2)  }
0x9f: {  	[tilespmem:v5+s7+$0x0] =	vst.idx.add.f32.msk vm5, v8;
	v7 =	vperm.xlane v15, v1;
	vm3 =	vne.s32 v20, v19;
	v5, _, _ =	vpop (xrf2)  }
0xa0: {  	[tilespmem:v14+s7+$0x0] =	vst.idx.add.f32.msk vm7, v11;
	v11 =	vperm.xlane v13, v1;
	vm2 =	vmor vm3, vm0;
	v8 =	vsub.f32 $0.0e+00, v5  }
0xa1: {  	vm5 =	vne.s32 v15, v7;
	(xrf2) =	vadd.scan.msk.f32 $0xffff, v24;
	vm3 =	vmand vm3, vm1;
	[tilespmem:v6+s6+$0x0] =	vst.idx.add.f32.msk vm6, v5  }
0xa2: {  	vm7 =	vmor vm5, vm0;
	vm8 =	vne.s32 v13, v11;
	[tilespmem:v22+s6+$0x0] =	vst.idx.add.f32.msk vm4, v8  }
0xa3: {  	(xrf2) =	vadd.scan.msk.f32 $0xffff, v16;
	v5 =	vsub.f32 $0.0e+00, v9;
	[tilespmem:v6+s7+$0x0] =	vst.idx.add.f32.msk vm6, v9;
	vm6 =	vmor vm8, vm0  }
0xa4: {  	vm5 =	vmand vm5, vm1;
	v8, _, _ =	vpop (xrf2)  }
0xa5: {  	[tilespmem:v22+s7+$0x0] =	vst.idx.add.f32.msk vm4, v5;
	vm4 =	vmand vm8, vm1;
	v5 =	vsub.f32 $0.0e+00, v8  }
0xa6: {  	[tilespmem:v20+s6+$0x0] =	vst.idx.add.f32.msk vm2, v8;
	v6, _, _ =	vpop (xrf2)  }
0xa7: {  	[tilespmem:v19+s6+$0x0] =	vst.idx.add.f32.msk vm3, v5;
	v5 =	vsub.f32 $0.0e+00, v6  }
0xa8: {  	[tilespmem:v15+s6+$0x0] =	vst.idx.add.f32.msk vm7, v6;
	v6, _, _ =	vpop (xrf2)  }
0xa9: {  	[tilespmem:v13+s6+$0x0] =	vst.idx.add.f32.msk vm6, v6;
	v6 =	vsub.f32 $0.0e+00, v6  }
0xaa: {  	[tilespmem:v7+s6+$0x0] =	vst.idx.add.f32.msk vm5, v5  }
0xab: {  	v5, _, _ =	vpop (xrf2);
	[tilespmem:v11+s6+$0x0] =	vst.idx.add.f32.msk vm4, v6  }
0xac: {  	[tilespmem:v15+s7+$0x0] =	vst.idx.add.f32.msk vm7, v5  }
0xad: {  	v8 =	vsub.f32 $0.0e+00, v5;
	v5, _, _ =	vpop (xrf2);
	[tilespmem:v13+s7+$0x0] =	vst.idx.add.f32.msk vm6, v18  }
0xae: {  	v6 =	vsub.f32 $0.0e+00, v5;
	[tilespmem:v20+s7+$0x0] =	vst.idx.add.f32.msk vm2, v5  }
0xaf: {  	v5 =	vsub.f32 $0.0e+00, v18;
	[tilespmem:v7+s7+$0x0] =	vst.idx.add.f32.msk vm5, v8  }
0xb0: {  	[tilespmem:v19+s7+$0x0] =	vst.idx.add.f32.msk vm3, v6  }
0xb1: {  	[tilespmem:v11+s7+$0x0] =	vst.idx.add.f32.msk vm4, v5  }
0xb2: {  	s12 =	rddreg [dreg:$0xa]  }
0xb3: {  	[tilespmem:s1], [sflag:$0x1] =	stream.linear.gather [hbm4b:s12+s1], $0x2000, $0x38;
	[tilespmem:$0x10080] =	vst v63  }
0xb4: {  	s13 =	rddreg [dreg:$0xb]  }
0xb5: {  	[tilespmem:s20], [sflag:$0x1] =	stream.linear.gather [hbm4b:s13+s1], $0x2000, $0x38;
	[tilespmem:$0x10080] =	vst v63  }
0xb6: {  	s14 =	rddreg [dreg:$0xc]  }
0xb7: {  	[tilespmem:s0], [sflag:$0x1] =	stream.linear.gather [hbm4b:s14+s1], $0x2000, $0x38;
	[tilespmem:$0x10080] =	vst v63  }
0xb8: {  	_ =	swait.ge [sflag:s8], $0x2000  }
0xb9: {  	[sflag:s8] =	ssyncset.done $0x0  }
0xba: {  	[sflag:s8] =	ssyncadd.s32 $0xFFFFE000  }
0xbb: {  	_ =	swait.ge [sflag:s8], $0x2000  }
0xbc: {  	[sflag:s8] =	ssyncset.done $0x0  }
0xbd: {  	[sflag:s8] =	ssyncadd.s32 $0xFFFFE000  }
0xbe: {  	_ =	swait.ge [sflag:s8], $0x2000  }
0xbf: {  	[sflag:s8] =	ssyncset.done $0x0  }
0xc0: {  	s12 =	simm.s32 $0x2020;
	[sflag:s8] =	ssyncadd.s32 $0xFFFFE000  }
0xc1: {  	v11 =	vld [tilespmem:s12+$0xFFFFFFF0];
	_ =	sdelay $0x3  }
0xc2: {  	v13 =	vld [tilespmem:s12+$0x10]  }
0xc3: {  	v14 =	vld [tilespmem:s12+$0x0];
	v5 =	vmul.f32 $1.442695020e+00, v11;
	_ =	sdelay $0x1  }
0xc4: {  	v8 =	vld [tilespmem:s12+$0xFFFFFFE0];
	(erf) = vpow2.f32 v5  }
0xc5: {  	s13 =	simm.s32 $0x6020  }
0xc6: {  	v7 =	vld [tilespmem:s13+$0xFFFFFFE0];
	v5 =	vmul.f32 $1.442695020e+00, v13  }
0xc7: {  	v6 =	vmul.f32 $1.442695020e+00, v14  }
0xc8: {  	v12 =	vld [tilespmem:s13+$0xFFFFFFF0];
	(erf) = vpow2.f32 v5  }
0xc9: {  	v5 =	vmul.f32 $1.442695020e+00, v8;
	(erf) = vpow2.f32 v6  }
0xca: {  	s14 =	simm.s32 $0xA020  }
0xcb: {  	v17 =	vld [tilespmem:s14+$0xFFFFFFF0];
	(xrf2) =	vadd.scan.msk.f32 $0xffff, v7;
	_ =	sdelay $0x1  }
0xcc: {  	(xrf2) =	vadd.scan.msk.f32 $0xffff, v12;
	(erf) = vpow2.f32 v5;
	v5 =	vpop (erf)  }
0xcd: {  	v21 =	vld [tilespmem:s13+$0x0];
	(xrf2) =	vadd.scan.msk.f32 $0xffff, v5  }
0xce: {  	v4 =	vadd.f32 v4, v10;
	v3 =	vmul.f32 v16, v3;
	v10 =	vld [tilespmem:s14+$0x10]  }
0xcf: {  	v18 =	vperm.xlane v17, v1;
	v6 =	vld [tilespmem:s14+$0x0]  }
0xd0: {  	v2 =	vmul.f32 v24, v2;
	v3 =	vadd.f32 v3, v4;
	v20 =	vld [tilespmem:s13+$0x10];
	s12 =	simm.s32 $0x6060;
	v19 =	vpop (erf)  }
0xd1: {  	v22 =	vld [tilespmem:s12+$0xFFFFFFE0];
	vm2 =	vne.s32 v17, v18;
	v9 =	vpop (erf)  }
0xd2: {  	v2 =	vadd.f32 v2, v3;
	s13 =	simm.s32 $0x2060;
	v15 =	vld [tilespmem:s12+$0xFFFFFFF0];
	v3 =	vmul.f32 v7, v8;
	vm5 =	vmor vm2, vm0;
	(xrf2) =	vadd.scan.msk.f32 $0xffff, v9  }
0xd3: {  	s10 =	simm.s32 $0xA060;
	v16 =	vld [tilespmem:s13+$0xFFFFFFE0];
	v11 =	vmul.f32 v12, v11  }
0xd4: {  	v7 =	vld [tilespmem:s10+$0xFFFFFFF0];
	v2 =	vadd.f32 v3, v2;
	vm6 =	vmand vm2, vm1;
	v8, _, _ =	vpop (xrf2);
	v9 =	vperm.xlane v6, v1;
	(xrf2) =	vadd.scan.msk.f32 $0xffff, v19  }
0xd5: {  	v12 =	vperm.xlane v10, v1;
	v3 =	vld [tilespmem:s13+$0x0];
	v4 =	vpop (erf)  }
0xd6: {  	v2 =	vadd.f32 v11, v2;
	v11 =	vmul.f32 v21, v14;
	v23, _, _ =	vpop (xrf2);
	v5 =	vld [tilespmem:s14+$0xFFFFFFE0];
	vm3 =	vne.s32 v6, v9;
	(xrf2) =	vadd.scan.msk.f32 $0xffff, v4  }
0xd7: {  	v13 =	vmul.f32 v20, v13;
	v19 =	vld [tilespmem:s13+$0xFFFFFFF0];
	vm2 =	vmor vm3, vm0;
	v4, _, _ =	vpop (xrf2)  }
0xd8: {  	vm7 =	vne.s32 v10, v12;
	v11 =	vadd.f32 v11, v2;
	[tilespmem:v17+s6+$0x0] =	vst.idx.add.f32.msk vm5, v4;
	v4 =	vsub.f32 $0.0e+00, v4  }
0xd9: {  	vm4 =	vmor vm7, vm0;
	v2 =	vld [tilespmem:s13+$0x10];
	(xrf2) =	vadd.scan.msk.f32 $0xffff, v22  }
0xda: {  	v11 =	vadd.f32 v13, v11;
	v13 =	vsub.f32 $0.0e+00, v23;
	vm3 =	vmand vm3, vm1;
	[tilespmem:v18+s6+$0x0] =	vst.idx.add.f32.msk vm6, v4  }
0xdb: {  	v14 =	vperm.xlane v5, v1;
	(xrf2) =	vadd.scan.msk.f32 $0xffff, v20;
	[tilespmem:v17+s7+$0x0] =	vst.idx.add.f32.msk vm5, v23  }
0xdc: {  	v63, _, _ =	vpop (xrf2);
	v4 =	vmul.f32 v15, v19;
	v17 =	vmul.f32 $1.442695020e+00, v19;
	[tilespmem:v18+s7+$0x0] =	vst.idx.add.f32.msk vm6, v13;
	vm6 =	vmand vm7, vm1  }
0xdd: {  	[tilespmem:v6+s6+$0x0] =	vst.idx.add.f32.msk vm2, v63;
	v19 =	vmul.f32 v22, v16;
	vm7 =	vne.s32 v5, v14  }
0xde: {  	v22 =	vsub.f32 $0.0e+00, v63;
	v23, _, _ =	vpop (xrf2);
	v13 =	vld [tilespmem:s10+$0xFFFFFFE0];
	(erf) = vpow2.f32 v17;
	vm5 =	vmor vm7, vm0  }
0xdf: {  	v20 =	vmul.f32 $1.442695020e+00, v2;
	(xrf2) =	vadd.scan.msk.f32 $0xffff, v21;
	[tilespmem:v10+s6+$0x0] =	vst.idx.add.f32.msk vm4, v23  }
0xe0: {  	s14 =	simm.s32 $0x4;
	v18 =	vmul.f32 $1.442695020e+00, v3;
	v11 =	vadd.f32 v19, v11;
	[tilespmem:v9+s6+$0x0] =	vst.idx.add.f32.msk vm3, v22;
	v19 =	vsub.f32 $0.0e+00, v23;
	v17, _, _ =	vpop (xrf2)  }
.LBB2_6:
0xe1: {  	s14 =	sadd.s32 $0x4, s14;
	v21 =	vld [tilespmem:s12+$0x0];
	(erf) = vpow2.f32 v20  }
0xe2: {  	v16 =	vmul.f32 $1.442695020e+00, v16;
	p0 =	slt.u32 s14, $0x1FC;
	(erf) = vpow2.f32 v18;
	[tilespmem:v12+s6+$0x0] =	vst.idx.add.f32.msk vm6, v19  }
0xe3: {  	vm8 =	vmand vm7, vm1;
	v18 =	vld [tilespmem:s10+$0x10];
	v19, _, _ =	vpop (xrf2)  }
0xe4: {  	(erf) = vpow2.f32 v16;
	(xrf2) =	vadd.scan.msk.f32 $0xffff, v15;
	[tilespmem:v5+s6+$0x0] =	vst.idx.add.f32.msk vm5, v17;
	v15 =	vsub.f32 $0.0e+00, v17  }
0xe5: {  	v16 =	vld [tilespmem:s10+$0x0]  }
0xe6: {  	v17 =	vld [tilespmem:s12+$0x10];
	v20, _, _ =	vpop (xrf2)  }
0xe7: {  	s12 =	sadd.s32 $0x40, s12;
	v22 =	vpop (erf);
	[tilespmem:v10+s7+$0x0] =	vst.idx.add.f32.msk vm4, v20;
	v20 =	vsub.f32 $0.0e+00, v20  }
0xe8: {  	v23 =	vld [tilespmem:s12+$0xFFFFFFE0];
	(xrf2) =	vadd.scan.msk.f32 $0xffff, v22;
	v10 =	vmov v18  }
0xe9: {  	v22 =	vperm.xlane v7, v1;
	[tilespmem:v12+s7+$0x0] =	vst.idx.add.f32.msk vm6, v20;
	v12, _, _ =	vpop (xrf2)  }
0xea: {  	v18 =	vpop (erf);
	[tilespmem:v14+s6+$0x0] =	vst.idx.add.f32.msk vm8, v15;
	v15 =	vsub.f32 $0.0e+00, v8;
	v25 =	vsub.f32 $0.0e+00, v12  }
0xeb: {  	vm4 =	vne.s32 v7, v22;
	v24 =	vpop (erf);
	[tilespmem:v6+s7+$0x0] =	vst.idx.add.f32.msk vm2, v12;
	v6 =	vmov v16  }
0xec: {  	vm7 =	vmor vm4, vm0;
	(xrf2) =	vadd.scan.msk.f32 $0xffff, v24;
	[tilespmem:v9+s7+$0x0] =	vst.idx.add.f32.msk vm3, v25  }
0xed: {  	v20 =	vpop (erf);
	[tilespmem:v5+s7+$0x0] =	vst.idx.add.f32.msk vm5, v8;
	v8 =	vmov v19;
	v5 =	vmov v13  }
0xee: {  	v9 =	vperm.xlane v6, v1;
	v13, _, _ =	vpop (xrf2);
	[tilespmem:v14+s7+$0x0] =	vst.idx.add.f32.msk vm8, v15  }
0xef: {  	s10 =	sadd.s32 $0x40, s10;
	v15 =	vld [tilespmem:s12+$0xFFFFFFF0];
	(xrf2) =	vadd.scan.msk.f32 $0xffff, v18  }
0xf0: {  	s13 =	sadd.s32 $0x40, s13;
	v12 =	vperm.xlane v10, v1;
	vm5 =	vmand vm4, vm1;
	vm3 =	vne.s32 v6, v9;
	v18 =	vld [tilespmem:s10+$0xFFFFFFF0]  }
0xf1: {  	v4 =	vadd.f32 v4, v11;
	v3 =	vmul.f32 v21, v3;
	vm2 =	vmor vm3, vm0;
	v14 =	vld [tilespmem:s13+$0xFFFFFFF0]  }
0xf2: {  	vm6 =	vne.s32 v10, v12;
	v16 =	vld [tilespmem:s13+$0xFFFFFFE0];
	(xrf2) =	vadd.scan.msk.f32 $0xffff, v20;
	v11, _, _ =	vpop (xrf2)  }
0xf3: {  	v4 =	vadd.f32 v3, v4;
	v19 =	vmul.f32 v17, v2;
	[tilespmem:v7+s6+$0x0] =	vst.idx.add.f32.msk vm7, v11  }
0xf4: {  	vm4 =	vmor vm6, vm0;
	v20 =	vsub.f32 $0.0e+00, v11;
	v3 =	vld [tilespmem:s13+$0x0]  }
0xf5: {  	vm3 =	vmand vm3, vm1;
	v19 =	vadd.f32 v19, v4;
	v2 =	vld [tilespmem:s13+$0x10];
	(xrf2) =	vadd.scan.msk.f32 $0xffff, v23  }
0xf6: {  	vm6 =	vmand vm6, vm1;
	v4 =	vmul.f32 v15, v14;
	[tilespmem:v22+s6+$0x0] =	vst.idx.add.f32.msk vm5, v20;
	v11, _, _ =	vpop (xrf2)  }
0xf7: {  	v24 =	vsub.f32 $0.0e+00, v13;
	v20 =	vmul.f32 $1.442695020e+00, v14;
	v14 =	vperm.xlane v5, v1;
	[tilespmem:v6+s6+$0x0] =	vst.idx.add.f32.msk vm2, v11  }
.Ltmp2:
0xf8: {  	v23 =	vmul.f32 v23, v16;
	v25 =	vsub.f32 $0.0e+00, v11;
	[tilespmem:v7+s7+$0x0] =	vst.idx.add.f32.msk vm7, v13;
	(xrf2) =	vadd.scan.msk.f32 $0xffff, v17;
	v7 =	vmovc v18;
	(pc) =	sbr.rel @p0 .LBB2_6-.Ltmp2, $4  }
0xf9: {  	vm7 =	vne.s32 v5, v14;
	v18 =	vmul.f32 $1.442695020e+00, v3;
	[tilespmem:v22+s7+$0x0] =	vst.idx.add.f32.msk vm5, v24;
	v17, _, _ =	vpop (xrf2)  }
0xfa: {  	v11 =	vadd.f32 v23, v19;
	vm5 =	vmor vm7, vm0;
	v13 =	vld [tilespmem:s10+$0xFFFFFFE0];
	(erf) = vpow2.f32 v20  }
0xfb: {  	v20 =	vmul.f32 $1.442695020e+00, v2;
	[tilespmem:v9+s6+$0x0] =	vst.idx.add.f32.msk vm3, v25;
	(xrf2) =	vadd.scan.msk.f32 $0xffff, v21  }
0xfc: {  	v19 =	vsub.f32 $0.0e+00, v17;
	[tilespmem:v10+s6+$0x0] =	vst.idx.add.f32.msk vm4, v17;
	v17, _, _ =	vpop (xrf2)  }
0xfd: {  	(erf) = vpow2.f32 v20  }
0xfe: {  	(erf) = vpow2.f32 v18;
	_ =	sdelay $0x2  }
0xff: {  	v16 =	vmul.f32 $1.442695020e+00, v16;
	_ =	sdelay $0x1  }
0x100: {  	(xrf2) =	vadd.scan.msk.f32 $0xffff, v15;
	v20 =	vld [tilespmem:s10+$0x0];
	(erf) = vpow2.f32 v16;
	v15 =	vpop (erf)  }
0x101: {  	[tilespmem:v5+s6+$0x0] =	vst.idx.add.f32.msk vm5, v17;
	v18, _, _ =	vpop (xrf2);
	(xrf2) =	vadd.scan.msk.f32 $0xffff, v15  }
0x102: {  	vm7 =	vmand vm7, vm1;
	[tilespmem:v12+s6+$0x0] =	vst.idx.add.f32.msk vm6, v19;
	v19, _, _ =	vpop (xrf2)  }
0x103: {  	v24 =	vld [tilespmem:s12+$0x10];
	v21 =	vpop (erf)  }
0x104: {  	v22 =	vperm.xlane v7, v1;
	v16 =	vld [tilespmem:s12+$0x0];
	v23 =	vpop (erf)  }
0x105: {  	v17 =	vsub.f32 $0.0e+00, v17;
	[tilespmem:v10+s7+$0x0] =	vst.idx.add.f32.msk vm4, v19;
	(xrf2) =	vadd.scan.msk.f32 $0xffff, v23;
	v23 =	vsub.f32 $0.0e+00, v19  }
0x106: {  	vm4 =	vne.s32 v7, v22;
	v15 =	vld [tilespmem:s10+$0x10]  }
0x107: {  	v10, _, _ =	vpop (xrf2);
	[tilespmem:v12+s7+$0x0] =	vst.idx.add.f32.msk vm6, v23;
	vm6 =	vmor vm4, vm0  }
0x108: {  	[tilespmem:v14+s6+$0x0] =	vst.idx.add.f32.msk vm7, v17;
	(xrf2) =	vadd.scan.msk.f32 $0xffff, v21;
	v12 =	vsub.f32 $0.0e+00, v10;
	vm4 =	vmand vm4, vm1  }
0x109: {  	[tilespmem:v6+s7+$0x0] =	vst.idx.add.f32.msk vm2, v10;
	v17 =	vpop (erf);
	v19 =	vperm.xlane v20, v1  }
0x10a: {  	(xrf2) =	vadd.scan.msk.f32 $0xffff, v17;
	v10 =	vsub.f32 $0.0e+00, v8;
	[tilespmem:v9+s7+$0x0] =	vst.idx.add.f32.msk vm3, v12;
	v9, _, _ =	vpop (xrf2)  }
0x10b: {  	[tilespmem:v5+s7+$0x0] =	vst.idx.add.f32.msk vm5, v8;
	v6 =	vperm.xlane v15, v1;
	vm3 =	vne.s32 v20, v19;
	v5, _, _ =	vpop (xrf2)  }
0x10c: {  	[tilespmem:v14+s7+$0x0] =	vst.idx.add.f32.msk vm7, v10;
	v10 =	vperm.xlane v13, v1;
	vm2 =	vmor vm3, vm0;
	v8 =	vsub.f32 $0.0e+00, v5  }
0x10d: {  	vm5 =	vne.s32 v15, v6;
	(xrf2) =	vadd.scan.msk.f32 $0xffff, v24;
	vm3 =	vmand vm3, vm1;
	[tilespmem:v7+s6+$0x0] =	vst.idx.add.f32.msk vm6, v5  }
0x10e: {  	vm7 =	vmor vm5, vm0;
	vm8 =	vne.s32 v13, v10;
	[tilespmem:v22+s6+$0x0] =	vst.idx.add.f32.msk vm4, v8  }
0x10f: {  	(xrf2) =	vadd.scan.msk.f32 $0xffff, v16;
	v5 =	vsub.f32 $0.0e+00, v9;
	[tilespmem:v7+s7+$0x0] =	vst.idx.add.f32.msk vm6, v9;
	vm6 =	vmor vm8, vm0  }
0x110: {  	vm5 =	vmand vm5, vm1;
	v8, _, _ =	vpop (xrf2)  }
0x111: {  	[tilespmem:v22+s7+$0x0] =	vst.idx.add.f32.msk vm4, v5;
	vm4 =	vmand vm8, vm1;
	v5 =	vsub.f32 $0.0e+00, v8  }
0x112: {  	[tilespmem:v20+s6+$0x0] =	vst.idx.add.f32.msk vm2, v8;
	v7, _, _ =	vpop (xrf2)  }
0x113: {  	[tilespmem:v19+s6+$0x0] =	vst.idx.add.f32.msk vm3, v5;
	v5 =	vsub.f32 $0.0e+00, v7  }
0x114: {  	[tilespmem:v15+s6+$0x0] =	vst.idx.add.f32.msk vm7, v7;
	v7, _, _ =	vpop (xrf2)  }
0x115: {  	[tilespmem:v13+s6+$0x0] =	vst.idx.add.f32.msk vm6, v7;
	v7 =	vsub.f32 $0.0e+00, v7  }
0x116: {  	[tilespmem:v6+s6+$0x0] =	vst.idx.add.f32.msk vm5, v5  }
0x117: {  	v5, _, _ =	vpop (xrf2);
	[tilespmem:v10+s6+$0x0] =	vst.idx.add.f32.msk vm4, v7  }
0x118: {  	v8 =	vsub.f32 $0.0e+00, v5;
	[tilespmem:v15+s7+$0x0] =	vst.idx.add.f32.msk vm7, v5  }
0x119: {  	v5, _, _ =	vpop (xrf2);
	[tilespmem:v13+s7+$0x0] =	vst.idx.add.f32.msk vm6, v18  }
0x11a: {  	[tilespmem:v6+s7+$0x0] =	vst.idx.add.f32.msk vm5, v8;
	v6 =	vsub.f32 $0.0e+00, v5  }
0x11b: {  	[tilespmem:v20+s7+$0x0] =	vst.idx.add.f32.msk vm2, v5;
	v5 =	vsub.f32 $0.0e+00, v18  }
0x11c: {  	[tilespmem:v19+s7+$0x0] =	vst.idx.add.f32.msk vm3, v6  }
0x11d: {  	[tilespmem:v10+s7+$0x0] =	vst.idx.add.f32.msk vm4, v5  }
0x11e: {  	s12 =	rddreg [dreg:$0xd]  }
0x11f: {  	[tilespmem:s2], [sflag:$0x2] =	stream.linear.gather [hbm4b:s12+s1], $0x2000, $0x38;
	[tilespmem:$0x10080] =	vst v63  }
0x120: {  	s13 =	rddreg [dreg:$0xe]  }
0x121: {  	[tilespmem:s3], [sflag:$0x2] =	stream.linear.gather [hbm4b:s13+s1], $0x2000, $0x38;
	[tilespmem:$0x10080] =	vst v63  }
0x122: {  	s14 =	rddreg [dreg:$0xf]  }
0x123: {  	[tilespmem:s4], [sflag:$0x2] =	stream.linear.gather [hbm4b:s14+s1], $0x2000, $0x38;
	[tilespmem:$0x10080] =	vst v63  }
0x124: {  	_ =	swait.ge [sflag:s5], $0x2000  }
0x125: {  	[sflag:s5] =	ssyncset.done $0x0  }
0x126: {  	[sflag:s5] =	ssyncadd.s32 $0xFFFFE000  }
0x127: {  	_ =	swait.ge [sflag:s5], $0x2000  }
0x128: {  	[sflag:s5] =	ssyncset.done $0x0  }
0x129: {  	[sflag:s5] =	ssyncadd.s32 $0xFFFFE000  }
0x12a: {  	_ =	swait.ge [sflag:s5], $0x2000  }
0x12b: {  	[sflag:s5] =	ssyncset.done $0x0  }
0x12c: {  	s12 =	simm.s32 $0x20;
	[sflag:s5] =	ssyncadd.s32 $0xFFFFE000  }
0x12d: {  	v12 =	vld [tilespmem:s12+$0xFFFFFFF0];
	_ =	sdelay $0x1  }
0x12e: {  	v13 =	vld [tilespmem:s12+$0x10]  }
0x12f: {  	v14 =	vld [tilespmem:s12+$0x0];
	_ =	sdelay $0x1  }
0x130: {  	v5 =	vmul.f32 $1.442695020e+00, v12;
	_ =	sdelay $0x1  }
0x131: {  	v8 =	vld [tilespmem:s12+$0xFFFFFFE0];
	(erf) = vpow2.f32 v5;
	v5 =	vmul.f32 $1.442695020e+00, v13  }
0x132: {  	s13 =	simm.s32 $0x4020;
	v6 =	vmul.f32 $1.442695020e+00, v14  }
0x133: {  	v7 =	vld [tilespmem:s13+$0xFFFFFFE0];
	(erf) = vpow2.f32 v5  }
0x134: {  	v17 =	vld [tilespmem:s13+$0xFFFFFFF0];
	(erf) = vpow2.f32 v6;
	_ =	sdelay $0x1  }
0x135: {  	v5 =	vmul.f32 $1.442695020e+00, v8  }
0x136: {  	s14 =	simm.s32 $0x8020  }
0x137: {  	v18 =	vld [tilespmem:s14+$0xFFFFFFF0];
	(xrf2) =	vadd.scan.msk.f32 $0xffff, v7  }
0x138: {  	(xrf2) =	vadd.scan.msk.f32 $0xffff, v17  }
0x139: {  	(erf) = vpow2.f32 v5;
	v5 =	vpop (erf)  }
0x13a: {  	v6 =	vld [tilespmem:s14+$0x0];
	(xrf2) =	vadd.scan.msk.f32 $0xffff, v5  }
0x13b: {  	v20 =	vpop (erf)  }
0x13c: {  	v4 =	vadd.f32 v4, v11;
	v3 =	vmul.f32 v16, v3;
	v21 =	vld [tilespmem:s13+$0x0];
	v19 =	vperm.xlane v18, v1;
	v9 =	vpop (erf)  }
0x13d: {  	v10 =	vld [tilespmem:s14+$0x10];
	(xrf2) =	vadd.scan.msk.f32 $0xffff, v9  }
0x13e: {  	v2 =	vmul.f32 v24, v2;
	v3 =	vadd.f32 v3, v4;
	v11 =	vld [tilespmem:s13+$0x10];
	s12 =	simm.s32 $0x4060;
	vm2 =	vne.s32 v18, v19  }
0x13f: {  	v22 =	vld [tilespmem:s12+$0xFFFFFFE0];
	vm5 =	vmor vm2, vm0;
	v9 =	vperm.xlane v6, v1  }
0x140: {  	v2 =	vadd.f32 v2, v3;
	s13 =	simm.s32 $0x60;
	v15 =	vld [tilespmem:s12+$0xFFFFFFF0];
	v3 =	vmul.f32 v7, v8  }
0x141: {  	v16 =	vld [tilespmem:s13+$0xFFFFFFE0];
	vm6 =	vmand vm2, vm1;
	v8, _, _ =	vpop (xrf2);
	vm3 =	vne.s32 v6, v9  }
0x142: {  	v17 =	vmul.f32 v17, v12;
	v2 =	vadd.f32 v3, v2;
	v3 =	vld [tilespmem:s13+$0x0];
	v23, _, _ =	vpop (xrf2);
	vm2 =	vmor vm3, vm0  }
0x143: {  	v5 =	vld [tilespmem:s14+$0xFFFFFFE0];
	v4 =	vpop (erf);
	(xrf2) =	vadd.scan.msk.f32 $0xffff, v20  }
0x144: {  	v14 =	vmul.f32 v21, v14;
	v2 =	vadd.f32 v17, v2;
	v20 =	vld [tilespmem:s13+$0xFFFFFFF0];
	(xrf2) =	vadd.scan.msk.f32 $0xffff, v4;
	v4, _, _ =	vpop (xrf2)  }
0x145: {  	v12 =	vperm.xlane v10, v1;
	[tilespmem:v18+s6+$0x0] =	vst.idx.add.f32.msk vm5, v4;
	v4 =	vsub.f32 $0.0e+00, v4  }
0x146: {  	v13 =	vmul.f32 v11, v13;
	v14 =	vadd.f32 v14, v2;
	v2 =	vld [tilespmem:s13+$0x10]  }
0x147: {  	vm7 =	vne.s32 v10, v12;
	vm3 =	vmand vm3, vm1;
	(xrf2) =	vadd.scan.msk.f32 $0xffff, v22;
	[tilespmem:v19+s6+$0x0] =	vst.idx.add.f32.msk vm6, v4;
	v17, _, _ =	vpop (xrf2)  }
0x148: {  	vm4 =	vmor vm7, vm0;
	v63 =	vadd.f32 v13, v14;
	v13 =	vsub.f32 $0.0e+00, v23;
	[tilespmem:v6+s6+$0x0] =	vst.idx.add.f32.msk vm2, v17  }
0x149: {  	v14 =	vperm.xlane v5, v1;
	(xrf2) =	vadd.scan.msk.f32 $0xffff, v11;
	v4 =	vmul.f32 v15, v20;
	[tilespmem:v18+s7+$0x0] =	vst.idx.add.f32.msk vm5, v23  }
0x14a: {  	s10 =	simm.s32 $0x8060;
	v20 =	vmul.f32 $1.442695020e+00, v20;
	v17 =	vsub.f32 $0.0e+00, v17;
	[tilespmem:v19+s7+$0x0] =	vst.idx.add.f32.msk vm6, v13;
	vm6 =	vmand vm7, vm1  }
0x14b: {  	v7 =	vld [tilespmem:s10+$0xFFFFFFF0];
	vm7 =	vne.s32 v5, v14  }
0x14c: {  	v22 =	vmul.f32 v22, v16;
	v13 =	vld [tilespmem:s10+$0xFFFFFFE0];
	(erf) = vpow2.f32 v20;
	vm5 =	vmor vm7, vm0  }
0x14d: {  	(xrf2) =	vadd.scan.msk.f32 $0xffff, v21;
	v19, _, _ =	vpop (xrf2);
	v20 =	vmul.f32 $1.442695020e+00, v2;
	[tilespmem:v9+s6+$0x0] =	vst.idx.add.f32.msk vm3, v17  }
0x14e: {  	s14 =	simm.s32 $0x4;
	v11 =	vadd.f32 v22, v63;
	v18 =	vmul.f32 $1.442695020e+00, v3;
	[tilespmem:v10+s6+$0x0] =	vst.idx.add.f32.msk vm4, v19;
	v19 =	vsub.f32 $0.0e+00, v19;
	v17, _, _ =	vpop (xrf2)  }
.LBB2_8:
0x14f: {  	s14 =	sadd.s32 $0x4, s14;
	v21 =	vld [tilespmem:s12+$0x0];
	(erf) = vpow2.f32 v20  }
0x150: {  	v16 =	vmul.f32 $1.442695020e+00, v16;
	p0 =	slt.u32 s14, $0x1FC;
	(erf) = vpow2.f32 v18;
	[tilespmem:v12+s6+$0x0] =	vst.idx.add.f32.msk vm6, v19  }
0x151: {  	vm8 =	vmand vm7, vm1;
	v18 =	vld [tilespmem:s10+$0x10];
	v19, _, _ =	vpop (xrf2)  }
0x152: {  	(erf) = vpow2.f32 v16;
	(xrf2) =	vadd.scan.msk.f32 $0xffff, v15;
	[tilespmem:v5+s6+$0x0] =	vst.idx.add.f32.msk vm5, v17;
	v15 =	vsub.f32 $0.0e+00, v17  }
0x153: {  	v16 =	vld [tilespmem:s10+$0x0]  }
0x154: {  	v17 =	vld [tilespmem:s12+$0x10];
	v20, _, _ =	vpop (xrf2)  }
0x155: {  	s12 =	sadd.s32 $0x40, s12;
	v22 =	vpop (erf);
	[tilespmem:v10+s7+$0x0] =	vst.idx.add.f32.msk vm4, v20;
	v20 =	vsub.f32 $0.0e+00, v20  }
0x156: {  	v23 =	vld [tilespmem:s12+$0xFFFFFFE0];
	(xrf2) =	vadd.scan.msk.f32 $0xffff, v22;
	v10 =	vmov v18  }
0x157: {  	v22 =	vperm.xlane v7, v1;
	[tilespmem:v12+s7+$0x0] =	vst.idx.add.f32.msk vm6, v20;
	v12, _, _ =	vpop (xrf2)  }
0x158: {  	v18 =	vpop (erf);
	[tilespmem:v14+s6+$0x0] =	vst.idx.add.f32.msk vm8, v15;
	v15 =	vsub.f32 $0.0e+00, v8;
	v25 =	vsub.f32 $0.0e+00, v12  }
0x159: {  	vm4 =	vne.s32 v7, v22;
	v24 =	vpop (erf);
	[tilespmem:v6+s7+$0x0] =	vst.idx.add.f32.msk vm2, v12;
	v6 =	vmov v16  }
0x15a: {  	vm7 =	vmor vm4, vm0;
	(xrf2) =	vadd.scan.msk.f32 $0xffff, v24;
	[tilespmem:v9+s7+$0x0] =	vst.idx.add.f32.msk vm3, v25  }
0x15b: {  	v20 =	vpop (erf);
	[tilespmem:v5+s7+$0x0] =	vst.idx.add.f32.msk vm5, v8;
	v8 =	vmov v19;
	v5 =	vmov v13  }
0x15c: {  	v9 =	vperm.xlane v6, v1;
	v13, _, _ =	vpop (xrf2);
	[tilespmem:v14+s7+$0x0] =	vst.idx.add.f32.msk vm8, v15  }
0x15d: {  	s10 =	sadd.s32 $0x40, s10;
	v15 =	vld [tilespmem:s12+$0xFFFFFFF0];
	(xrf2) =	vadd.scan.msk.f32 $0xffff, v18  }
0x15e: {  	s13 =	sadd.s32 $0x40, s13;
	v12 =	vperm.xlane v10, v1;
	vm5 =	vmand vm4, vm1;
	vm3 =	vne.s32 v6, v9;
	v18 =	vld [tilespmem:s10+$0xFFFFFFF0]  }
0x15f: {  	v4 =	vadd.f32 v4, v11;
	v3 =	vmul.f32 v21, v3;
	vm2 =	vmor vm3, vm0;
	v14 =	vld [tilespmem:s13+$0xFFFFFFF0]  }
0x160: {  	vm6 =	vne.s32 v10, v12;
	v16 =	vld [tilespmem:s13+$0xFFFFFFE0];
	(xrf2) =	vadd.scan.msk.f32 $0xffff, v20;
	v11, _, _ =	vpop (xrf2)  }
0x161: {  	v4 =	vadd.f32 v3, v4;
	v19 =	vmul.f32 v17, v2;
	[tilespmem:v7+s6+$0x0] =	vst.idx.add.f32.msk vm7, v11  }
0x162: {  	vm4 =	vmor vm6, vm0;
	v20 =	vsub.f32 $0.0e+00, v11;
	v3 =	vld [tilespmem:s13+$0x0]  }
0x163: {  	vm3 =	vmand vm3, vm1;
	v19 =	vadd.f32 v19, v4;
	v2 =	vld [tilespmem:s13+$0x10];
	(xrf2) =	vadd.scan.msk.f32 $0xffff, v23  }
0x164: {  	vm6 =	vmand vm6, vm1;
	v4 =	vmul.f32 v15, v14;
	[tilespmem:v22+s6+$0x0] =	vst.idx.add.f32.msk vm5, v20;
	v11, _, _ =	vpop (xrf2)  }
0x165: {  	v24 =	vsub.f32 $0.0e+00, v13;
	v20 =	vmul.f32 $1.442695020e+00, v14;
	v14 =	vperm.xlane v5, v1;
	[tilespmem:v6+s6+$0x0] =	vst.idx.add.f32.msk vm2, v11  }
.Ltmp3:
0x166: {  	v23 =	vmul.f32 v23, v16;
	v25 =	vsub.f32 $0.0e+00, v11;
	[tilespmem:v7+s7+$0x0] =	vst.idx.add.f32.msk vm7, v13;
	(xrf2) =	vadd.scan.msk.f32 $0xffff, v17;
	v7 =	vmovc v18;
	(pc) =	sbr.rel @p0 .LBB2_8-.Ltmp3, $4  }
0x167: {  	vm7 =	vne.s32 v5, v14;
	v18 =	vmul.f32 $1.442695020e+00, v3;
	[tilespmem:v22+s7+$0x0] =	vst.idx.add.f32.msk vm5, v24;
	v17, _, _ =	vpop (xrf2)  }
0x168: {  	v11 =	vadd.f32 v23, v19;
	vm5 =	vmor vm7, vm0;
	v13 =	vld [tilespmem:s10+$0xFFFFFFE0];
	(erf) = vpow2.f32 v20  }
0x169: {  	v20 =	vmul.f32 $1.442695020e+00, v2;
	[tilespmem:v9+s6+$0x0] =	vst.idx.add.f32.msk vm3, v25;
	(xrf2) =	vadd.scan.msk.f32 $0xffff, v21  }
0x16a: {  	v19 =	vsub.f32 $0.0e+00, v17;
	[tilespmem:v10+s6+$0x0] =	vst.idx.add.f32.msk vm4, v17;
	v17, _, _ =	vpop (xrf2)  }
0x16b: {  	(erf) = vpow2.f32 v20  }
0x16c: {  	(erf) = vpow2.f32 v18;
	_ =	sdelay $0x2  }
0x16d: {  	v16 =	vmul.f32 $1.442695020e+00, v16;
	_ =	sdelay $0x1  }
0x16e: {  	(xrf2) =	vadd.scan.msk.f32 $0xffff, v15;
	v20 =	vld [tilespmem:s10+$0x0];
	(erf) = vpow2.f32 v16;
	v15 =	vpop (erf)  }
0x16f: {  	[tilespmem:v5+s6+$0x0] =	vst.idx.add.f32.msk vm5, v17;
	v18, _, _ =	vpop (xrf2);
	(xrf2) =	vadd.scan.msk.f32 $0xffff, v15  }
0x170: {  	vm7 =	vmand vm7, vm1;
	[tilespmem:v12+s6+$0x0] =	vst.idx.add.f32.msk vm6, v19;
	v19, _, _ =	vpop (xrf2)  }
0x171: {  	v24 =	vld [tilespmem:s12+$0x10];
	v21 =	vpop (erf)  }
0x172: {  	v22 =	vperm.xlane v7, v1;
	v16 =	vld [tilespmem:s12+$0x0];
	v23 =	vpop (erf)  }
0x173: {  	v17 =	vsub.f32 $0.0e+00, v17;
	[tilespmem:v10+s7+$0x0] =	vst.idx.add.f32.msk vm4, v19;
	(xrf2) =	vadd.scan.msk.f32 $0xffff, v23;
	v23 =	vsub.f32 $0.0e+00, v19  }
0x174: {  	vm4 =	vne.s32 v7, v22;
	v15 =	vld [tilespmem:s10+$0x10]  }
0x175: {  	v10, _, _ =	vpop (xrf2);
	[tilespmem:v12+s7+$0x0] =	vst.idx.add.f32.msk vm6, v23;
	vm6 =	vmor vm4, vm0  }
0x176: {  	[tilespmem:v14+s6+$0x0] =	vst.idx.add.f32.msk vm7, v17;
	(xrf2) =	vadd.scan.msk.f32 $0xffff, v21;
	v12 =	vsub.f32 $0.0e+00, v10;
	vm4 =	vmand vm4, vm1  }
0x177: {  	[tilespmem:v6+s7+$0x0] =	vst.idx.add.f32.msk vm2, v10;
	v17 =	vpop (erf);
	v19 =	vperm.xlane v20, v1  }
0x178: {  	(xrf2) =	vadd.scan.msk.f32 $0xffff, v17;
	v10 =	vsub.f32 $0.0e+00, v8;
	[tilespmem:v9+s7+$0x0] =	vst.idx.add.f32.msk vm3, v12;
	v9, _, _ =	vpop (xrf2)  }
0x179: {  	[tilespmem:v5+s7+$0x0] =	vst.idx.add.f32.msk vm5, v8;
	v6 =	vperm.xlane v15, v1;
	vm3 =	vne.s32 v20, v19;
	v5, _, _ =	vpop (xrf2)  }
0x17a: {  	[tilespmem:v14+s7+$0x0] =	vst.idx.add.f32.msk vm7, v10;
	v10 =	vperm.xlane v13, v1;
	vm2 =	vmor vm3, vm0;
	v8 =	vsub.f32 $0.0e+00, v5  }
0x17b: {  	vm5 =	vne.s32 v15, v6;
	(xrf2) =	vadd.scan.msk.f32 $0xffff, v24;
	vm3 =	vmand vm3, vm1;
	[tilespmem:v7+s6+$0x0] =	vst.idx.add.f32.msk vm6, v5  }
0x17c: {  	vm7 =	vmor vm5, vm0;
	vm8 =	vne.s32 v13, v10;
	[tilespmem:v22+s6+$0x0] =	vst.idx.add.f32.msk vm4, v8  }
0x17d: {  	(xrf2) =	vadd.scan.msk.f32 $0xffff, v16;
	v5 =	vsub.f32 $0.0e+00, v9;
	[tilespmem:v7+s7+$0x0] =	vst.idx.add.f32.msk vm6, v9;
	vm6 =	vmor vm8, vm0  }
0x17e: {  	vm5 =	vmand vm5, vm1;
	v8, _, _ =	vpop (xrf2)  }
0x17f: {  	[tilespmem:v22+s7+$0x0] =	vst.idx.add.f32.msk vm4, v5;
	vm4 =	vmand vm8, vm1;
	v5 =	vsub.f32 $0.0e+00, v8  }
0x180: {  	[tilespmem:v20+s6+$0x0] =	vst.idx.add.f32.msk vm2, v8;
	v7, _, _ =	vpop (xrf2)  }
0x181: {  	[tilespmem:v19+s6+$0x0] =	vst.idx.add.f32.msk vm3, v5;
	v5 =	vsub.f32 $0.0e+00, v7  }
0x182: {  	[tilespmem:v15+s6+$0x0] =	vst.idx.add.f32.msk vm7, v7;
	v7, _, _ =	vpop (xrf2)  }
0x183: {  	[tilespmem:v13+s6+$0x0] =	vst.idx.add.f32.msk vm6, v7;
	v7 =	vsub.f32 $0.0e+00, v7  }
0x184: {  	[tilespmem:v6+s6+$0x0] =	vst.idx.add.f32.msk vm5, v5  }
0x185: {  	v5, _, _ =	vpop (xrf2);
	[tilespmem:v10+s6+$0x0] =	vst.idx.add.f32.msk vm4, v7  }
0x186: {  	v8 =	vsub.f32 $0.0e+00, v5;
	[tilespmem:v15+s7+$0x0] =	vst.idx.add.f32.msk vm7, v5  }
0x187: {  	v5, _, _ =	vpop (xrf2);
	[tilespmem:v13+s7+$0x0] =	vst.idx.add.f32.msk vm6, v18  }
0x188: {  	[tilespmem:v6+s7+$0x0] =	vst.idx.add.f32.msk vm5, v8;
	v6 =	vsub.f32 $0.0e+00, v5  }
0x189: {  	[tilespmem:v20+s7+$0x0] =	vst.idx.add.f32.msk vm2, v5;
	v5 =	vsub.f32 $0.0e+00, v18  }
0x18a: {  	[tilespmem:v19+s7+$0x0] =	vst.idx.add.f32.msk vm3, v6  }
0x18b: {  	[tilespmem:v10+s7+$0x0] =	vst.idx.add.f32.msk vm4, v5  }
0x18c: {  	s13 =	rddreg [dreg:$0x10]  }
0x18d: {  	[tilespmem:s1], [sflag:$0x1] =	stream.linear.gather [hbm4b:s13+s1], $0x2000, $0x38;
	[tilespmem:$0x10080] =	vst v63  }
0x18e: {  	s14 =	rddreg [dreg:$0x11]  }
0x18f: {  	[tilespmem:s20], [sflag:$0x1] =	stream.linear.gather [hbm4b:s14+s1], $0x2000, $0x38;
	[tilespmem:$0x10080] =	vst v63  }
0x190: {  	_ = 	snop  }
0x191: {  	[tilespmem:s0], [sflag:$0x1] =	stream.linear.gather [hbm4b:s15+s1], $0x2000, $0x38;
	[tilespmem:$0x10080] =	vst v63  }
0x192: {  	_ =	swait.ge [sflag:s8], $0x2000  }
0x193: {  	[sflag:s8] =	ssyncset.done $0x0  }
0x194: {  	[sflag:s8] =	ssyncadd.s32 $0xFFFFE000  }
0x195: {  	_ =	swait.ge [sflag:s8], $0x2000  }
0x196: {  	[sflag:s8] =	ssyncset.done $0x0  }
0x197: {  	[sflag:s8] =	ssyncadd.s32 $0xFFFFE000  }
0x198: {  	_ =	swait.ge [sflag:s8], $0x2000  }
0x199: {  	[sflag:s8] =	ssyncset.done $0x0  }
0x19a: {  	s12 =	simm.s32 $0x2020;
	[sflag:s8] =	ssyncadd.s32 $0xFFFFE000  }
0x19b: {  	v12 =	vld [tilespmem:s12+$0xFFFFFFF0];
	_ =	sdelay $0x1  }
0x19c: {  	v13 =	vld [tilespmem:s12+$0x10]  }
0x19d: {  	v14 =	vld [tilespmem:s12+$0x0];
	_ =	sdelay $0x1  }
0x19e: {  	v5 =	vmul.f32 $1.442695020e+00, v12;
	_ =	sdelay $0x1  }
0x19f: {  	v8 =	vld [tilespmem:s12+$0xFFFFFFE0];
	(erf) = vpow2.f32 v5;
	v5 =	vmul.f32 $1.442695020e+00, v13  }
0x1a0: {  	s13 =	simm.s32 $0x6020;
	v6 =	vmul.f32 $1.442695020e+00, v14  }
0x1a1: {  	v7 =	vld [tilespmem:s13+$0xFFFFFFE0];
	(erf) = vpow2.f32 v5  }
0x1a2: {  	v17 =	vld [tilespmem:s13+$0xFFFFFFF0];
	(erf) = vpow2.f32 v6;
	_ =	sdelay $0x1  }
0x1a3: {  	v5 =	vmul.f32 $1.442695020e+00, v8  }
0x1a4: {  	s14 =	simm.s32 $0xA020  }
0x1a5: {  	v18 =	vld [tilespmem:s14+$0xFFFFFFF0];
	(xrf2) =	vadd.scan.msk.f32 $0xffff, v7  }
0x1a6: {  	(xrf2) =	vadd.scan.msk.f32 $0xffff, v17  }
0x1a7: {  	(erf) = vpow2.f32 v5;
	v5 =	vpop (erf)  }
0x1a8: {  	v6 =	vld [tilespmem:s14+$0x0];
	(xrf2) =	vadd.scan.msk.f32 $0xffff, v5  }
0x1a9: {  	v20 =	vpop (erf)  }
0x1aa: {  	v4 =	vadd.f32 v4, v11;
	v3 =	vmul.f32 v16, v3;
	v21 =	vld [tilespmem:s13+$0x0];
	v19 =	vperm.xlane v18, v1;
	v9 =	vpop (erf)  }
0x1ab: {  	v10 =	vld [tilespmem:s14+$0x10];
	(xrf2) =	vadd.scan.msk.f32 $0xffff, v9  }
0x1ac: {  	v2 =	vmul.f32 v24, v2;
	v3 =	vadd.f32 v3, v4;
	v11 =	vld [tilespmem:s13+$0x10];
	s12 =	simm.s32 $0x6060;
	vm2 =	vne.s32 v18, v19  }
0x1ad: {  	v22 =	vld [tilespmem:s12+$0xFFFFFFE0];
	vm5 =	vmor vm2, vm0;
	v9 =	vperm.xlane v6, v1  }
0x1ae: {  	v2 =	vadd.f32 v2, v3;
	s13 =	simm.s32 $0x2060;
	v15 =	vld [tilespmem:s12+$0xFFFFFFF0];
	v3 =	vmul.f32 v7, v8  }
0x1af: {  	v16 =	vld [tilespmem:s13+$0xFFFFFFE0];
	vm6 =	vmand vm2, vm1;
	v8, _, _ =	vpop (xrf2);
	vm3 =	vne.s32 v6, v9  }
0x1b0: {  	v17 =	vmul.f32 v17, v12;
	v2 =	vadd.f32 v3, v2;
	v3 =	vld [tilespmem:s13+$0x0];
	v23, _, _ =	vpop (xrf2);
	vm2 =	vmor vm3, vm0  }
0x1b1: {  	v5 =	vld [tilespmem:s14+$0xFFFFFFE0];
	v4 =	vpop (erf);
	(xrf2) =	vadd.scan.msk.f32 $0xffff, v20  }
0x1b2: {  	v14 =	vmul.f32 v21, v14;
	v2 =	vadd.f32 v17, v2;
	v20 =	vld [tilespmem:s13+$0xFFFFFFF0];
	(xrf2) =	vadd.scan.msk.f32 $0xffff, v4;
	v4, _, _ =	vpop (xrf2)  }
0x1b3: {  	v12 =	vperm.xlane v10, v1;
	[tilespmem:v18+s6+$0x0] =	vst.idx.add.f32.msk vm5, v4;
	v4 =	vsub.f32 $0.0e+00, v4  }
0x1b4: {  	v13 =	vmul.f32 v11, v13;
	v14 =	vadd.f32 v14, v2;
	v2 =	vld [tilespmem:s13+$0x10]  }
0x1b5: {  	vm7 =	vne.s32 v10, v12;
	vm3 =	vmand vm3, vm1;
	(xrf2) =	vadd.scan.msk.f32 $0xffff, v22;
	[tilespmem:v19+s6+$0x0] =	vst.idx.add.f32.msk vm6, v4;
	v17, _, _ =	vpop (xrf2)  }
0x1b6: {  	vm4 =	vmor vm7, vm0;
	v63 =	vadd.f32 v13, v14;
	v13 =	vsub.f32 $0.0e+00, v23;
	[tilespmem:v6+s6+$0x0] =	vst.idx.add.f32.msk vm2, v17  }
0x1b7: {  	v14 =	vperm.xlane v5, v1;
	(xrf2) =	vadd.scan.msk.f32 $0xffff, v11;
	v4 =	vmul.f32 v15, v20;
	[tilespmem:v18+s7+$0x0] =	vst.idx.add.f32.msk vm5, v23  }
0x1b8: {  	s10 =	simm.s32 $0xA060;
	v20 =	vmul.f32 $1.442695020e+00, v20;
	v17 =	vsub.f32 $0.0e+00, v17;
	[tilespmem:v19+s7+$0x0] =	vst.idx.add.f32.msk vm6, v13;
	vm6 =	vmand vm7, vm1  }
0x1b9: {  	v7 =	vld [tilespmem:s10+$0xFFFFFFF0];
	vm7 =	vne.s32 v5, v14  }
0x1ba: {  	v22 =	vmul.f32 v22, v16;
	v13 =	vld [tilespmem:s10+$0xFFFFFFE0];
	(erf) = vpow2.f32 v20;
	vm5 =	vmor vm7, vm0  }
0x1bb: {  	(xrf2) =	vadd.scan.msk.f32 $0xffff, v21;
	v19, _, _ =	vpop (xrf2);
	v20 =	vmul.f32 $1.442695020e+00, v2;
	[tilespmem:v9+s6+$0x0] =	vst.idx.add.f32.msk vm3, v17  }
0x1bc: {  	s14 =	simm.s32 $0x4;
	v11 =	vadd.f32 v22, v63;
	v18 =	vmul.f32 $1.442695020e+00, v3;
	[tilespmem:v10+s6+$0x0] =	vst.idx.add.f32.msk vm4, v19;
	v19 =	vsub.f32 $0.0e+00, v19;
	v17, _, _ =	vpop (xrf2)  }
.LBB2_10:
0x1bd: {  	s14 =	sadd.s32 $0x4, s14;
	v21 =	vld [tilespmem:s12+$0x0];
	(erf) = vpow2.f32 v20  }
0x1be: {  	v16 =	vmul.f32 $1.442695020e+00, v16;
	p0 =	slt.u32 s14, $0x1FC;
	(erf) = vpow2.f32 v18;
	[tilespmem:v12+s6+$0x0] =	vst.idx.add.f32.msk vm6, v19  }
0x1bf: {  	vm8 =	vmand vm7, vm1;
	v18 =	vld [tilespmem:s10+$0x10];
	v19, _, _ =	vpop (xrf2)  }
0x1c0: {  	(erf) = vpow2.f32 v16;
	(xrf2) =	vadd.scan.msk.f32 $0xffff, v15;
	[tilespmem:v5+s6+$0x0] =	vst.idx.add.f32.msk vm5, v17;
	v15 =	vsub.f32 $0.0e+00, v17  }
0x1c1: {  	v16 =	vld [tilespmem:s10+$0x0]  }
0x1c2: {  	v17 =	vld [tilespmem:s12+$0x10];
	v20, _, _ =	vpop (xrf2)  }
0x1c3: {  	s12 =	sadd.s32 $0x40, s12;
	v22 =	vpop (erf);
	[tilespmem:v10+s7+$0x0] =	vst.idx.add.f32.msk vm4, v20;
	v20 =	vsub.f32 $0.0e+00, v20  }
0x1c4: {  	v23 =	vld [tilespmem:s12+$0xFFFFFFE0];
	(xrf2) =	vadd.scan.msk.f32 $0xffff, v22;
	v10 =	vmov v18  }
0x1c5: {  	v22 =	vperm.xlane v7, v1;
	[tilespmem:v12+s7+$0x0] =	vst.idx.add.f32.msk vm6, v20;
	v12, _, _ =	vpop (xrf2)  }
0x1c6: {  	v18 =	vpop (erf);
	[tilespmem:v14+s6+$0x0] =	vst.idx.add.f32.msk vm8, v15;
	v15 =	vsub.f32 $0.0e+00, v8;
	v25 =	vsub.f32 $0.0e+00, v12  }
0x1c7: {  	vm4 =	vne.s32 v7, v22;
	v24 =	vpop (erf);
	[tilespmem:v6+s7+$0x0] =	vst.idx.add.f32.msk vm2, v12;
	v6 =	vmov v16  }
0x1c8: {  	vm7 =	vmor vm4, vm0;
	(xrf2) =	vadd.scan.msk.f32 $0xffff, v24;
	[tilespmem:v9+s7+$0x0] =	vst.idx.add.f32.msk vm3, v25  }
0x1c9: {  	v20 =	vpop (erf);
	[tilespmem:v5+s7+$0x0] =	vst.idx.add.f32.msk vm5, v8;
	v8 =	vmov v19;
	v5 =	vmov v13  }
0x1ca: {  	v9 =	vperm.xlane v6, v1;
	v13, _, _ =	vpop (xrf2);
	[tilespmem:v14+s7+$0x0] =	vst.idx.add.f32.msk vm8, v15  }
0x1cb: {  	s10 =	sadd.s32 $0x40, s10;
	v15 =	vld [tilespmem:s12+$0xFFFFFFF0];
	(xrf2) =	vadd.scan.msk.f32 $0xffff, v18  }
0x1cc: {  	s13 =	sadd.s32 $0x40, s13;
	v12 =	vperm.xlane v10, v1;
	vm5 =	vmand vm4, vm1;
	vm3 =	vne.s32 v6, v9;
	v18 =	vld [tilespmem:s10+$0xFFFFFFF0]  }
0x1cd: {  	v4 =	vadd.f32 v4, v11;
	v3 =	vmul.f32 v21, v3;
	vm2 =	vmor vm3, vm0;
	v14 =	vld [tilespmem:s13+$0xFFFFFFF0]  }
0x1ce: {  	vm6 =	vne.s32 v10, v12;
	v16 =	vld [tilespmem:s13+$0xFFFFFFE0];
	(xrf2) =	vadd.scan.msk.f32 $0xffff, v20;
	v11, _, _ =	vpop (xrf2)  }
0x1cf: {  	v4 =	vadd.f32 v3, v4;
	v19 =	vmul.f32 v17, v2;
	[tilespmem:v7+s6+$0x0] =	vst.idx.add.f32.msk vm7, v11  }
0x1d0: {  	vm4 =	vmor vm6, vm0;
	v20 =	vsub.f32 $0.0e+00, v11;
	v3 =	vld [tilespmem:s13+$0x0]  }
0x1d1: {  	vm3 =	vmand vm3, vm1;
	v19 =	vadd.f32 v19, v4;
	v2 =	vld [tilespmem:s13+$0x10];
	(xrf2) =	vadd.scan.msk.f32 $0xffff, v23  }
0x1d2: {  	vm6 =	vmand vm6, vm1;
	v4 =	vmul.f32 v15, v14;
	[tilespmem:v22+s6+$0x0] =	vst.idx.add.f32.msk vm5, v20;
	v11, _, _ =	vpop (xrf2)  }
0x1d3: {  	v24 =	vsub.f32 $0.0e+00, v13;
	v20 =	vmul.f32 $1.442695020e+00, v14;
	v14 =	vperm.xlane v5, v1;
	[tilespmem:v6+s6+$0x0] =	vst.idx.add.f32.msk vm2, v11  }
.Ltmp4:
0x1d4: {  	v23 =	vmul.f32 v23, v16;
	v25 =	vsub.f32 $0.0e+00, v11;
	[tilespmem:v7+s7+$0x0] =	vst.idx.add.f32.msk vm7, v13;
	(xrf2) =	vadd.scan.msk.f32 $0xffff, v17;
	v7 =	vmovc v18;
	(pc) =	sbr.rel @p0 .LBB2_10-.Ltmp4, $4  }
0x1d5: {  	vm7 =	vne.s32 v5, v14;
	v18 =	vmul.f32 $1.442695020e+00, v3;
	[tilespmem:v22+s7+$0x0] =	vst.idx.add.f32.msk vm5, v24;
	v17, _, _ =	vpop (xrf2)  }
0x1d6: {  	v11 =	vadd.f32 v23, v19;
	vm5 =	vmor vm7, vm0;
	v13 =	vld [tilespmem:s10+$0xFFFFFFE0];
	(erf) = vpow2.f32 v20  }
0x1d7: {  	v20 =	vmul.f32 $1.442695020e+00, v2;
	[tilespmem:v9+s6+$0x0] =	vst.idx.add.f32.msk vm3, v25;
	(xrf2) =	vadd.scan.msk.f32 $0xffff, v21  }
0x1d8: {  	v19 =	vsub.f32 $0.0e+00, v17;
	[tilespmem:v10+s6+$0x0] =	vst.idx.add.f32.msk vm4, v17;
	v17, _, _ =	vpop (xrf2)  }
0x1d9: {  	(erf) = vpow2.f32 v20  }
0x1da: {  	(erf) = vpow2.f32 v18;
	_ =	sdelay $0x2  }
0x1db: {  	v16 =	vmul.f32 $1.442695020e+00, v16;
	_ =	sdelay $0x1  }
0x1dc: {  	(xrf2) =	vadd.scan.msk.f32 $0xffff, v15;
	v20 =	vld [tilespmem:s10+$0x0];
	(erf) = vpow2.f32 v16;
	v15 =	vpop (erf)  }
0x1dd: {  	[tilespmem:v5+s6+$0x0] =	vst.idx.add.f32.msk vm5, v17;
	v18, _, _ =	vpop (xrf2);
	(xrf2) =	vadd.scan.msk.f32 $0xffff, v15  }
0x1de: {  	vm7 =	vmand vm7, vm1;
	[tilespmem:v12+s6+$0x0] =	vst.idx.add.f32.msk vm6, v19;
	v19, _, _ =	vpop (xrf2)  }
0x1df: {  	v24 =	vld [tilespmem:s12+$0x10];
	v21 =	vpop (erf)  }
0x1e0: {  	v22 =	vperm.xlane v7, v1;
	v16 =	vld [tilespmem:s12+$0x0];
	v23 =	vpop (erf)  }
0x1e1: {  	v17 =	vsub.f32 $0.0e+00, v17;
	[tilespmem:v10+s7+$0x0] =	vst.idx.add.f32.msk vm4, v19;
	(xrf2) =	vadd.scan.msk.f32 $0xffff, v23;
	v23 =	vsub.f32 $0.0e+00, v19  }
0x1e2: {  	vm4 =	vne.s32 v7, v22;
	v15 =	vld [tilespmem:s10+$0x10]  }
0x1e3: {  	v10, _, _ =	vpop (xrf2);
	[tilespmem:v12+s7+$0x0] =	vst.idx.add.f32.msk vm6, v23;
	vm6 =	vmor vm4, vm0  }
0x1e4: {  	[tilespmem:v14+s6+$0x0] =	vst.idx.add.f32.msk vm7, v17;
	(xrf2) =	vadd.scan.msk.f32 $0xffff, v21;
	v12 =	vsub.f32 $0.0e+00, v10;
	vm4 =	vmand vm4, vm1  }
0x1e5: {  	[tilespmem:v6+s7+$0x0] =	vst.idx.add.f32.msk vm2, v10;
	v17 =	vpop (erf);
	v19 =	vperm.xlane v20, v1  }
0x1e6: {  	(xrf2) =	vadd.scan.msk.f32 $0xffff, v17;
	v10 =	vsub.f32 $0.0e+00, v8;
	[tilespmem:v9+s7+$0x0] =	vst.idx.add.f32.msk vm3, v12;
	v9, _, _ =	vpop (xrf2)  }
0x1e7: {  	[tilespmem:v5+s7+$0x0] =	vst.idx.add.f32.msk vm5, v8;
	v6 =	vperm.xlane v15, v1;
	vm3 =	vne.s32 v20, v19;
	v5, _, _ =	vpop (xrf2)  }
0x1e8: {  	[tilespmem:v14+s7+$0x0] =	vst.idx.add.f32.msk vm7, v10;
	v10 =	vperm.xlane v13, v1;
	vm2 =	vmor vm3, vm0;
	v8 =	vsub.f32 $0.0e+00, v5  }
0x1e9: {  	vm5 =	vne.s32 v15, v6;
	(xrf2) =	vadd.scan.msk.f32 $0xffff, v24;
	vm3 =	vmand vm3, vm1;
	[tilespmem:v7+s6+$0x0] =	vst.idx.add.f32.msk vm6, v5  }
0x1ea: {  	vm7 =	vmor vm5, vm0;
	vm8 =	vne.s32 v13, v10;
	[tilespmem:v22+s6+$0x0] =	vst.idx.add.f32.msk vm4, v8  }
0x1eb: {  	(xrf2) =	vadd.scan.msk.f32 $0xffff, v16;
	v5 =	vsub.f32 $0.0e+00, v9;
	[tilespmem:v7+s7+$0x0] =	vst.idx.add.f32.msk vm6, v9;
	vm6 =	vmor vm8, vm0  }
0x1ec: {  	vm5 =	vmand vm5, vm1;
	v8, _, _ =	vpop (xrf2)  }
0x1ed: {  	[tilespmem:v22+s7+$0x0] =	vst.idx.add.f32.msk vm4, v5;
	vm4 =	vmand vm8, vm1;
	v5 =	vsub.f32 $0.0e+00, v8  }
0x1ee: {  	[tilespmem:v20+s6+$0x0] =	vst.idx.add.f32.msk vm2, v8;
	v7, _, _ =	vpop (xrf2)  }
0x1ef: {  	[tilespmem:v19+s6+$0x0] =	vst.idx.add.f32.msk vm3, v5;
	v5 =	vsub.f32 $0.0e+00, v7  }
0x1f0: {  	[tilespmem:v15+s6+$0x0] =	vst.idx.add.f32.msk vm7, v7;
	v7, _, _ =	vpop (xrf2)  }
0x1f1: {  	[tilespmem:v13+s6+$0x0] =	vst.idx.add.f32.msk vm6, v7;
	v7 =	vsub.f32 $0.0e+00, v7  }
0x1f2: {  	[tilespmem:v6+s6+$0x0] =	vst.idx.add.f32.msk vm5, v5  }
0x1f3: {  	v5, _, _ =	vpop (xrf2);
	[tilespmem:v10+s6+$0x0] =	vst.idx.add.f32.msk vm4, v7  }
0x1f4: {  	v8 =	vsub.f32 $0.0e+00, v5;
	[tilespmem:v15+s7+$0x0] =	vst.idx.add.f32.msk vm7, v5  }
0x1f5: {  	v5, _, _ =	vpop (xrf2);
	[tilespmem:v13+s7+$0x0] =	vst.idx.add.f32.msk vm6, v18  }
0x1f6: {  	[tilespmem:v6+s7+$0x0] =	vst.idx.add.f32.msk vm5, v8;
	v6 =	vsub.f32 $0.0e+00, v5  }
0x1f7: {  	[tilespmem:v20+s7+$0x0] =	vst.idx.add.f32.msk vm2, v5;
	v5 =	vsub.f32 $0.0e+00, v18  }
0x1f8: {  	[tilespmem:v19+s7+$0x0] =	vst.idx.add.f32.msk vm3, v6  }
0x1f9: {  	[tilespmem:v10+s7+$0x0] =	vst.idx.add.f32.msk vm4, v5  }
0x1fa: {  	[tilespmem:s2], [sflag:$0x2] =	stream.linear.gather [hbm4b:s16+s1], $0x2000, $0x38;
	[tilespmem:$0x10080] =	vst v63  }
0x1fb: {  	_ = 	snop  }
0x1fc: {  	[tilespmem:s3], [sflag:$0x2] =	stream.linear.gather [hbm4b:s17+s1], $0x2000, $0x38;
	[tilespmem:$0x10080] =	vst v63  }
0x1fd: {  	_ = 	snop  }
0x1fe: {  	[tilespmem:s4], [sflag:$0x2] =	stream.linear.gather [hbm4b:s18+s1], $0x2000, $0x38;
	[tilespmem:$0x10080] =	vst v63  }
0x1ff: {  	_ =	swait.ge [sflag:s5], $0x2000  }
0x200: {  	[sflag:s5] =	ssyncset.done $0x0  }
0x201: {  	[sflag:s5] =	ssyncadd.s32 $0xFFFFE000  }
0x202: {  	_ =	swait.ge [sflag:s5], $0x2000  }
0x203: {  	[sflag:s5] =	ssyncset.done $0x0  }
0x204: {  	[sflag:s5] =	ssyncadd.s32 $0xFFFFE000  }
0x205: {  	_ =	swait.ge [sflag:s5], $0x2000  }
0x206: {  	[sflag:s5] =	ssyncset.done $0x0  }
0x207: {  	s12 =	simm.s32 $0x20;
	[sflag:s5] =	ssyncadd.s32 $0xFFFFE000  }
0x208: {  	v12 =	vld [tilespmem:s12+$0xFFFFFFF0];
	_ =	sdelay $0x1  }
0x209: {  	v13 =	vld [tilespmem:s12+$0x10]  }
0x20a: {  	v14 =	vld [tilespmem:s12+$0x0];
	_ =	sdelay $0x1  }
0x20b: {  	v5 =	vmul.f32 $1.442695020e+00, v12;
	_ =	sdelay $0x1  }
0x20c: {  	v8 =	vld [tilespmem:s12+$0xFFFFFFE0];
	(erf) = vpow2.f32 v5;
	v5 =	vmul.f32 $1.442695020e+00, v13  }
0x20d: {  	s13 =	simm.s32 $0x4020;
	v6 =	vmul.f32 $1.442695020e+00, v14  }
0x20e: {  	v7 =	vld [tilespmem:s13+$0xFFFFFFE0];
	(erf) = vpow2.f32 v5  }
0x20f: {  	v17 =	vld [tilespmem:s13+$0xFFFFFFF0];
	(erf) = vpow2.f32 v6;
	_ =	sdelay $0x1  }
0x210: {  	v5 =	vmul.f32 $1.442695020e+00, v8  }
0x211: {  	s14 =	simm.s32 $0x8020  }
0x212: {  	v18 =	vld [tilespmem:s14+$0xFFFFFFF0];
	(xrf2) =	vadd.scan.msk.f32 $0xffff, v7  }
0x213: {  	(xrf2) =	vadd.scan.msk.f32 $0xffff, v17  }
0x214: {  	(erf) = vpow2.f32 v5;
	v5 =	vpop (erf)  }
0x215: {  	v6 =	vld [tilespmem:s14+$0x0];
	(xrf2) =	vadd.scan.msk.f32 $0xffff, v5  }
0x216: {  	v20 =	vpop (erf)  }
0x217: {  	v4 =	vadd.f32 v4, v11;
	v3 =	vmul.f32 v16, v3;
	v21 =	vld [tilespmem:s13+$0x0];
	v19 =	vperm.xlane v18, v1;
	v9 =	vpop (erf)  }
0x218: {  	v10 =	vld [tilespmem:s14+$0x10];
	(xrf2) =	vadd.scan.msk.f32 $0xffff, v9  }
0x219: {  	v2 =	vmul.f32 v24, v2;
	v3 =	vadd.f32 v3, v4;
	v11 =	vld [tilespmem:s13+$0x10];
	s12 =	simm.s32 $0x4060;
	vm2 =	vne.s32 v18, v19  }
0x21a: {  	v22 =	vld [tilespmem:s12+$0xFFFFFFE0];
	vm5 =	vmor vm2, vm0;
	v9 =	vperm.xlane v6, v1  }
0x21b: {  	v2 =	vadd.f32 v2, v3;
	s13 =	simm.s32 $0x60;
	v15 =	vld [tilespmem:s12+$0xFFFFFFF0];
	v3 =	vmul.f32 v7, v8  }
0x21c: {  	v16 =	vld [tilespmem:s13+$0xFFFFFFE0];
	vm6 =	vmand vm2, vm1;
	v8, _, _ =	vpop (xrf2);
	vm3 =	vne.s32 v6, v9  }
0x21d: {  	v17 =	vmul.f32 v17, v12;
	v2 =	vadd.f32 v3, v2;
	v3 =	vld [tilespmem:s13+$0x0];
	v23, _, _ =	vpop (xrf2);
	vm2 =	vmor vm3, vm0  }
0x21e: {  	v5 =	vld [tilespmem:s14+$0xFFFFFFE0];
	v4 =	vpop (erf);
	(xrf2) =	vadd.scan.msk.f32 $0xffff, v20  }
0x21f: {  	v14 =	vmul.f32 v21, v14;
	v2 =	vadd.f32 v17, v2;
	v20 =	vld [tilespmem:s13+$0xFFFFFFF0];
	(xrf2) =	vadd.scan.msk.f32 $0xffff, v4;
	v4, _, _ =	vpop (xrf2)  }
0x220: {  	v12 =	vperm.xlane v10, v1;
	[tilespmem:v18+s6+$0x0] =	vst.idx.add.f32.msk vm5, v4;
	v4 =	vsub.f32 $0.0e+00, v4  }
0x221: {  	v13 =	vmul.f32 v11, v13;
	v14 =	vadd.f32 v14, v2;
	v2 =	vld [tilespmem:s13+$0x10]  }
0x222: {  	vm7 =	vne.s32 v10, v12;
	vm3 =	vmand vm3, vm1;
	(xrf2) =	vadd.scan.msk.f32 $0xffff, v22;
	[tilespmem:v19+s6+$0x0] =	vst.idx.add.f32.msk vm6, v4;
	v17, _, _ =	vpop (xrf2)  }
0x223: {  	vm4 =	vmor vm7, vm0;
	v63 =	vadd.f32 v13, v14;
	v13 =	vsub.f32 $0.0e+00, v23;
	[tilespmem:v6+s6+$0x0] =	vst.idx.add.f32.msk vm2, v17  }
0x224: {  	v14 =	vperm.xlane v5, v1;
	(xrf2) =	vadd.scan.msk.f32 $0xffff, v11;
	v4 =	vmul.f32 v15, v20;
	[tilespmem:v18+s7+$0x0] =	vst.idx.add.f32.msk vm5, v23  }
0x225: {  	s10 =	simm.s32 $0x8060;
	v20 =	vmul.f32 $1.442695020e+00, v20;
	v17 =	vsub.f32 $0.0e+00, v17;
	[tilespmem:v19+s7+$0x0] =	vst.idx.add.f32.msk vm6, v13;
	vm6 =	vmand vm7, vm1  }
0x226: {  	v7 =	vld [tilespmem:s10+$0xFFFFFFF0];
	vm7 =	vne.s32 v5, v14  }
0x227: {  	v22 =	vmul.f32 v22, v16;
	v13 =	vld [tilespmem:s10+$0xFFFFFFE0];
	(erf) = vpow2.f32 v20;
	vm5 =	vmor vm7, vm0  }
0x228: {  	(xrf2) =	vadd.scan.msk.f32 $0xffff, v21;
	v19, _, _ =	vpop (xrf2);
	v20 =	vmul.f32 $1.442695020e+00, v2;
	[tilespmem:v9+s6+$0x0] =	vst.idx.add.f32.msk vm3, v17  }
0x229: {  	s14 =	simm.s32 $0x4;
	v11 =	vadd.f32 v22, v63;
	v18 =	vmul.f32 $1.442695020e+00, v3;
	[tilespmem:v10+s6+$0x0] =	vst.idx.add.f32.msk vm4, v19;
	v19 =	vsub.f32 $0.0e+00, v19;
	v17, _, _ =	vpop (xrf2)  }
.LBB2_12:
0x22a: {  	s14 =	sadd.s32 $0x4, s14;
	v21 =	vld [tilespmem:s12+$0x0];
	(erf) = vpow2.f32 v20  }
0x22b: {  	v16 =	vmul.f32 $1.442695020e+00, v16;
	p0 =	slt.u32 s14, $0x1FC;
	(erf) = vpow2.f32 v18;
	[tilespmem:v12+s6+$0x0] =	vst.idx.add.f32.msk vm6, v19  }
0x22c: {  	vm8 =	vmand vm7, vm1;
	v18 =	vld [tilespmem:s10+$0x10];
	v19, _, _ =	vpop (xrf2)  }
0x22d: {  	(erf) = vpow2.f32 v16;
	(xrf2) =	vadd.scan.msk.f32 $0xffff, v15;
	[tilespmem:v5+s6+$0x0] =	vst.idx.add.f32.msk vm5, v17;
	v15 =	vsub.f32 $0.0e+00, v17  }
0x22e: {  	v16 =	vld [tilespmem:s10+$0x0]  }
0x22f: {  	v17 =	vld [tilespmem:s12+$0x10];
	v20, _, _ =	vpop (xrf2)  }
0x230: {  	s12 =	sadd.s32 $0x40, s12;
	v22 =	vpop (erf);
	[tilespmem:v10+s7+$0x0] =	vst.idx.add.f32.msk vm4, v20;
	v20 =	vsub.f32 $0.0e+00, v20  }
0x231: {  	v23 =	vld [tilespmem:s12+$0xFFFFFFE0];
	(xrf2) =	vadd.scan.msk.f32 $0xffff, v22;
	v10 =	vmov v18  }
0x232: {  	v22 =	vperm.xlane v7, v1;
	[tilespmem:v12+s7+$0x0] =	vst.idx.add.f32.msk vm6, v20;
	v12, _, _ =	vpop (xrf2)  }
0x233: {  	v18 =	vpop (erf);
	[tilespmem:v14+s6+$0x0] =	vst.idx.add.f32.msk vm8, v15;
	v15 =	vsub.f32 $0.0e+00, v8;
	v25 =	vsub.f32 $0.0e+00, v12  }
0x234: {  	vm4 =	vne.s32 v7, v22;
	v24 =	vpop (erf);
	[tilespmem:v6+s7+$0x0] =	vst.idx.add.f32.msk vm2, v12;
	v6 =	vmov v16  }
0x235: {  	vm7 =	vmor vm4, vm0;
	(xrf2) =	vadd.scan.msk.f32 $0xffff, v24;
	[tilespmem:v9+s7+$0x0] =	vst.idx.add.f32.msk vm3, v25  }
0x236: {  	v20 =	vpop (erf);
	[tilespmem:v5+s7+$0x0] =	vst.idx.add.f32.msk vm5, v8;
	v8 =	vmov v19;
	v5 =	vmov v13  }
0x237: {  	v9 =	vperm.xlane v6, v1;
	v13, _, _ =	vpop (xrf2);
	[tilespmem:v14+s7+$0x0] =	vst.idx.add.f32.msk vm8, v15  }
0x238: {  	s10 =	sadd.s32 $0x40, s10;
	v15 =	vld [tilespmem:s12+$0xFFFFFFF0];
	(xrf2) =	vadd.scan.msk.f32 $0xffff, v18  }
0x239: {  	s13 =	sadd.s32 $0x40, s13;
	v12 =	vperm.xlane v10, v1;
	vm5 =	vmand vm4, vm1;
	vm3 =	vne.s32 v6, v9;
	v18 =	vld [tilespmem:s10+$0xFFFFFFF0]  }
0x23a: {  	v4 =	vadd.f32 v4, v11;
	v3 =	vmul.f32 v21, v3;
	vm2 =	vmor vm3, vm0;
	v14 =	vld [tilespmem:s13+$0xFFFFFFF0]  }
0x23b: {  	vm6 =	vne.s32 v10, v12;
	v16 =	vld [tilespmem:s13+$0xFFFFFFE0];
	(xrf2) =	vadd.scan.msk.f32 $0xffff, v20;
	v11, _, _ =	vpop (xrf2)  }
0x23c: {  	v4 =	vadd.f32 v3, v4;
	v19 =	vmul.f32 v17, v2;
	[tilespmem:v7+s6+$0x0] =	vst.idx.add.f32.msk vm7, v11  }
0x23d: {  	vm4 =	vmor vm6, vm0;
	v20 =	vsub.f32 $0.0e+00, v11;
	v3 =	vld [tilespmem:s13+$0x0]  }
0x23e: {  	vm3 =	vmand vm3, vm1;
	v19 =	vadd.f32 v19, v4;
	v2 =	vld [tilespmem:s13+$0x10];
	(xrf2) =	vadd.scan.msk.f32 $0xffff, v23  }
0x23f: {  	vm6 =	vmand vm6, vm1;
	v4 =	vmul.f32 v15, v14;
	[tilespmem:v22+s6+$0x0] =	vst.idx.add.f32.msk vm5, v20;
	v11, _, _ =	vpop (xrf2)  }
0x240: {  	v24 =	vsub.f32 $0.0e+00, v13;
	v20 =	vmul.f32 $1.442695020e+00, v14;
	v14 =	vperm.xlane v5, v1;
	[tilespmem:v6+s6+$0x0] =	vst.idx.add.f32.msk vm2, v11  }
.Ltmp5:
0x241: {  	v23 =	vmul.f32 v23, v16;
	v25 =	vsub.f32 $0.0e+00, v11;
	[tilespmem:v7+s7+$0x0] =	vst.idx.add.f32.msk vm7, v13;
	(xrf2) =	vadd.scan.msk.f32 $0xffff, v17;
	v7 =	vmovc v18;
	(pc) =	sbr.rel @p0 .LBB2_12-.Ltmp5, $4  }
0x242: {  	vm7 =	vne.s32 v5, v14;
	v18 =	vmul.f32 $1.442695020e+00, v3;
	[tilespmem:v22+s7+$0x0] =	vst.idx.add.f32.msk vm5, v24;
	v17, _, _ =	vpop (xrf2)  }
0x243: {  	v11 =	vadd.f32 v23, v19;
	vm5 =	vmor vm7, vm0;
	v13 =	vld [tilespmem:s10+$0xFFFFFFE0];
	(erf) = vpow2.f32 v20  }
0x244: {  	v20 =	vmul.f32 $1.442695020e+00, v2;
	[tilespmem:v9+s6+$0x0] =	vst.idx.add.f32.msk vm3, v25;
	(xrf2) =	vadd.scan.msk.f32 $0xffff, v21  }
0x245: {  	v19 =	vsub.f32 $0.0e+00, v17;
	[tilespmem:v10+s6+$0x0] =	vst.idx.add.f32.msk vm4, v17;
	v17, _, _ =	vpop (xrf2)  }
0x246: {  	(erf) = vpow2.f32 v20  }
0x247: {  	(erf) = vpow2.f32 v18;
	_ =	sdelay $0x2  }
0x248: {  	v16 =	vmul.f32 $1.442695020e+00, v16;
	_ =	sdelay $0x1  }
0x249: {  	(xrf2) =	vadd.scan.msk.f32 $0xffff, v15;
	v20 =	vld [tilespmem:s10+$0x0];
	(erf) = vpow2.f32 v16;
	v15 =	vpop (erf)  }
0x24a: {  	[tilespmem:v5+s6+$0x0] =	vst.idx.add.f32.msk vm5, v17;
	v18, _, _ =	vpop (xrf2);
	(xrf2) =	vadd.scan.msk.f32 $0xffff, v15  }
0x24b: {  	vm7 =	vmand vm7, vm1;
	[tilespmem:v12+s6+$0x0] =	vst.idx.add.f32.msk vm6, v19;
	v19, _, _ =	vpop (xrf2)  }
0x24c: {  	v24 =	vld [tilespmem:s12+$0x10];
	v21 =	vpop (erf)  }
0x24d: {  	v22 =	vperm.xlane v7, v1;
	v16 =	vld [tilespmem:s12+$0x0];
	v23 =	vpop (erf)  }
0x24e: {  	v17 =	vsub.f32 $0.0e+00, v17;
	[tilespmem:v10+s7+$0x0] =	vst.idx.add.f32.msk vm4, v19;
	(xrf2) =	vadd.scan.msk.f32 $0xffff, v23;
	v23 =	vsub.f32 $0.0e+00, v19  }
0x24f: {  	vm4 =	vne.s32 v7, v22;
	v15 =	vld [tilespmem:s10+$0x10]  }
0x250: {  	v10, _, _ =	vpop (xrf2);
	[tilespmem:v12+s7+$0x0] =	vst.idx.add.f32.msk vm6, v23;
	vm6 =	vmor vm4, vm0  }
0x251: {  	[tilespmem:v14+s6+$0x0] =	vst.idx.add.f32.msk vm7, v17;
	(xrf2) =	vadd.scan.msk.f32 $0xffff, v21;
	v12 =	vsub.f32 $0.0e+00, v10;
	vm4 =	vmand vm4, vm1  }
0x252: {  	[tilespmem:v6+s7+$0x0] =	vst.idx.add.f32.msk vm2, v10;
	v17 =	vpop (erf);
	v19 =	vperm.xlane v20, v1  }
0x253: {  	(xrf2) =	vadd.scan.msk.f32 $0xffff, v17;
	v10 =	vsub.f32 $0.0e+00, v8;
	[tilespmem:v9+s7+$0x0] =	vst.idx.add.f32.msk vm3, v12;
	v9, _, _ =	vpop (xrf2)  }
0x254: {  	[tilespmem:v5+s7+$0x0] =	vst.idx.add.f32.msk vm5, v8;
	v6 =	vperm.xlane v15, v1;
	vm3 =	vne.s32 v20, v19;
	v5, _, _ =	vpop (xrf2)  }
0x255: {  	[tilespmem:v14+s7+$0x0] =	vst.idx.add.f32.msk vm7, v10;
	v10 =	vperm.xlane v13, v1;
	vm2 =	vmor vm3, vm0;
	v8 =	vsub.f32 $0.0e+00, v5  }
0x256: {  	vm5 =	vne.s32 v15, v6;
	(xrf2) =	vadd.scan.msk.f32 $0xffff, v24;
	vm3 =	vmand vm3, vm1;
	[tilespmem:v7+s6+$0x0] =	vst.idx.add.f32.msk vm6, v5  }
0x257: {  	vm7 =	vmor vm5, vm0;
	vm8 =	vne.s32 v13, v10;
	[tilespmem:v22+s6+$0x0] =	vst.idx.add.f32.msk vm4, v8  }
0x258: {  	(xrf2) =	vadd.scan.msk.f32 $0xffff, v16;
	v5 =	vsub.f32 $0.0e+00, v9;
	[tilespmem:v7+s7+$0x0] =	vst.idx.add.f32.msk vm6, v9;
	vm6 =	vmor vm8, vm0  }
0x259: {  	vm5 =	vmand vm5, vm1;
	v8, _, _ =	vpop (xrf2)  }
0x25a: {  	[tilespmem:v22+s7+$0x0] =	vst.idx.add.f32.msk vm4, v5;
	vm4 =	vmand vm8, vm1;
	v5 =	vsub.f32 $0.0e+00, v8  }
0x25b: {  	[tilespmem:v20+s6+$0x0] =	vst.idx.add.f32.msk vm2, v8;
	v7, _, _ =	vpop (xrf2)  }
0x25c: {  	[tilespmem:v19+s6+$0x0] =	vst.idx.add.f32.msk vm3, v5;
	v5 =	vsub.f32 $0.0e+00, v7  }
0x25d: {  	[tilespmem:v15+s6+$0x0] =	vst.idx.add.f32.msk vm7, v7;
	v7, _, _ =	vpop (xrf2)  }
0x25e: {  	[tilespmem:v13+s6+$0x0] =	vst.idx.add.f32.msk vm6, v7;
	v7 =	vsub.f32 $0.0e+00, v7  }
0x25f: {  	[tilespmem:v6+s6+$0x0] =	vst.idx.add.f32.msk vm5, v5  }
0x260: {  	v5, _, _ =	vpop (xrf2);
	[tilespmem:v10+s6+$0x0] =	vst.idx.add.f32.msk vm4, v7  }
0x261: {  	v8 =	vsub.f32 $0.0e+00, v5;
	[tilespmem:v15+s7+$0x0] =	vst.idx.add.f32.msk vm7, v5  }
0x262: {  	v5, _, _ =	vpop (xrf2);
	[tilespmem:v13+s7+$0x0] =	vst.idx.add.f32.msk vm6, v18  }
0x263: {  	[tilespmem:v6+s7+$0x0] =	vst.idx.add.f32.msk vm5, v8;
	v6 =	vsub.f32 $0.0e+00, v5  }
0x264: {  	[tilespmem:v20+s7+$0x0] =	vst.idx.add.f32.msk vm2, v5;
	v5 =	vsub.f32 $0.0e+00, v18  }
0x265: {  	[tilespmem:v19+s7+$0x0] =	vst.idx.add.f32.msk vm3, v6  }
0x266: {  	[tilespmem:v10+s7+$0x0] =	vst.idx.add.f32.msk vm4, v5  }
0x267: {  	[tilespmem:s1], [sflag:$0x1] =	stream.linear.gather [hbm4b:s21+s1], $0x2000, $0x38;
	[tilespmem:$0x10080] =	vst v63  }
0x268: {  	_ = 	snop  }
0x269: {  	[tilespmem:s20], [sflag:$0x1] =	stream.linear.gather [hbm4b:s22+s1], $0x2000, $0x38;
	[tilespmem:$0x10080] =	vst v63  }
0x26a: {  	_ = 	snop  }
0x26b: {  	[tilespmem:s0], [sflag:$0x1] =	stream.linear.gather [hbm4b:s23+s1], $0x2000, $0x38;
	[tilespmem:$0x10080] =	vst v63  }
0x26c: {  	_ =	swait.ge [sflag:s8], $0x2000  }
0x26d: {  	[sflag:s8] =	ssyncset.done $0x0  }
0x26e: {  	[sflag:s8] =	ssyncadd.s32 $0xFFFFE000  }
0x26f: {  	_ =	swait.ge [sflag:s8], $0x2000  }
0x270: {  	[sflag:s8] =	ssyncset.done $0x0  }
0x271: {  	[sflag:s8] =	ssyncadd.s32 $0xFFFFE000  }
0x272: {  	_ =	swait.ge [sflag:s8], $0x2000  }
0x273: {  	[sflag:s8] =	ssyncset.done $0x0  }
0x274: {  	s12 =	simm.s32 $0x2020;
	[sflag:s8] =	ssyncadd.s32 $0xFFFFE000  }
0x275: {  	v12 =	vld [tilespmem:s12+$0xFFFFFFF0];
	_ =	sdelay $0x1  }
0x276: {  	v13 =	vld [tilespmem:s12+$0x10]  }
0x277: {  	v14 =	vld [tilespmem:s12+$0x0];
	_ =	sdelay $0x1  }
0x278: {  	v5 =	vmul.f32 $1.442695020e+00, v12;
	_ =	sdelay $0x1  }
0x279: {  	v8 =	vld [tilespmem:s12+$0xFFFFFFE0];
	(erf) = vpow2.f32 v5;
	v5 =	vmul.f32 $1.442695020e+00, v13  }
0x27a: {  	s13 =	simm.s32 $0x6020;
	v6 =	vmul.f32 $1.442695020e+00, v14  }
0x27b: {  	v7 =	vld [tilespmem:s13+$0xFFFFFFE0];
	(erf) = vpow2.f32 v5  }
0x27c: {  	v17 =	vld [tilespmem:s13+$0xFFFFFFF0];
	(erf) = vpow2.f32 v6;
	_ =	sdelay $0x1  }
0x27d: {  	v5 =	vmul.f32 $1.442695020e+00, v8  }
0x27e: {  	s14 =	simm.s32 $0xA020  }
0x27f: {  	v18 =	vld [tilespmem:s14+$0xFFFFFFF0];
	(xrf2) =	vadd.scan.msk.f32 $0xffff, v7  }
0x280: {  	(xrf2) =	vadd.scan.msk.f32 $0xffff, v17  }
0x281: {  	(erf) = vpow2.f32 v5;
	v5 =	vpop (erf)  }
0x282: {  	v6 =	vld [tilespmem:s14+$0x0];
	(xrf2) =	vadd.scan.msk.f32 $0xffff, v5  }
0x283: {  	v20 =	vpop (erf)  }
0x284: {  	v4 =	vadd.f32 v4, v11;
	v3 =	vmul.f32 v16, v3;
	v21 =	vld [tilespmem:s13+$0x0];
	v19 =	vperm.xlane v18, v1;
	v9 =	vpop (erf)  }
0x285: {  	v10 =	vld [tilespmem:s14+$0x10];
	(xrf2) =	vadd.scan.msk.f32 $0xffff, v9  }
0x286: {  	v2 =	vmul.f32 v24, v2;
	v3 =	vadd.f32 v3, v4;
	v11 =	vld [tilespmem:s13+$0x10];
	s12 =	simm.s32 $0x6060;
	vm2 =	vne.s32 v18, v19  }
0x287: {  	v22 =	vld [tilespmem:s12+$0xFFFFFFE0];
	vm5 =	vmor vm2, vm0;
	v9 =	vperm.xlane v6, v1  }
0x288: {  	v2 =	vadd.f32 v2, v3;
	s13 =	simm.s32 $0x2060;
	v15 =	vld [tilespmem:s12+$0xFFFFFFF0];
	v3 =	vmul.f32 v7, v8  }
0x289: {  	v16 =	vld [tilespmem:s13+$0xFFFFFFE0];
	vm6 =	vmand vm2, vm1;
	v8, _, _ =	vpop (xrf2);
	vm3 =	vne.s32 v6, v9  }
0x28a: {  	v17 =	vmul.f32 v17, v12;
	v2 =	vadd.f32 v3, v2;
	v3 =	vld [tilespmem:s13+$0x0];
	v23, _, _ =	vpop (xrf2);
	vm2 =	vmor vm3, vm0  }
0x28b: {  	v5 =	vld [tilespmem:s14+$0xFFFFFFE0];
	v4 =	vpop (erf);
	(xrf2) =	vadd.scan.msk.f32 $0xffff, v20  }
0x28c: {  	v14 =	vmul.f32 v21, v14;
	v2 =	vadd.f32 v17, v2;
	v20 =	vld [tilespmem:s13+$0xFFFFFFF0];
	(xrf2) =	vadd.scan.msk.f32 $0xffff, v4;
	v4, _, _ =	vpop (xrf2)  }
0x28d: {  	v12 =	vperm.xlane v10, v1;
	[tilespmem:v18+s6+$0x0] =	vst.idx.add.f32.msk vm5, v4;
	v4 =	vsub.f32 $0.0e+00, v4  }
0x28e: {  	v13 =	vmul.f32 v11, v13;
	v14 =	vadd.f32 v14, v2;
	v2 =	vld [tilespmem:s13+$0x10]  }
0x28f: {  	vm7 =	vne.s32 v10, v12;
	vm3 =	vmand vm3, vm1;
	(xrf2) =	vadd.scan.msk.f32 $0xffff, v22;
	[tilespmem:v19+s6+$0x0] =	vst.idx.add.f32.msk vm6, v4;
	v17, _, _ =	vpop (xrf2)  }
0x290: {  	vm4 =	vmor vm7, vm0;
	v63 =	vadd.f32 v13, v14;
	v13 =	vsub.f32 $0.0e+00, v23;
	[tilespmem:v6+s6+$0x0] =	vst.idx.add.f32.msk vm2, v17  }
0x291: {  	v14 =	vperm.xlane v5, v1;
	(xrf2) =	vadd.scan.msk.f32 $0xffff, v11;
	v4 =	vmul.f32 v15, v20;
	[tilespmem:v18+s7+$0x0] =	vst.idx.add.f32.msk vm5, v23  }
0x292: {  	s10 =	simm.s32 $0xA060;
	v20 =	vmul.f32 $1.442695020e+00, v20;
	v17 =	vsub.f32 $0.0e+00, v17;
	[tilespmem:v19+s7+$0x0] =	vst.idx.add.f32.msk vm6, v13;
	vm6 =	vmand vm7, vm1  }
0x293: {  	v7 =	vld [tilespmem:s10+$0xFFFFFFF0];
	vm7 =	vne.s32 v5, v14  }
0x294: {  	v22 =	vmul.f32 v22, v16;
	v13 =	vld [tilespmem:s10+$0xFFFFFFE0];
	(erf) = vpow2.f32 v20;
	vm5 =	vmor vm7, vm0  }
0x295: {  	(xrf2) =	vadd.scan.msk.f32 $0xffff, v21;
	v19, _, _ =	vpop (xrf2);
	v20 =	vmul.f32 $1.442695020e+00, v2;
	[tilespmem:v9+s6+$0x0] =	vst.idx.add.f32.msk vm3, v17  }
0x296: {  	s14 =	simm.s32 $0x4;
	v11 =	vadd.f32 v22, v63;
	v18 =	vmul.f32 $1.442695020e+00, v3;
	[tilespmem:v10+s6+$0x0] =	vst.idx.add.f32.msk vm4, v19;
	v19 =	vsub.f32 $0.0e+00, v19;
	v17, _, _ =	vpop (xrf2)  }
.LBB2_14:
0x297: {  	s14 =	sadd.s32 $0x4, s14;
	v21 =	vld [tilespmem:s12+$0x0];
	(erf) = vpow2.f32 v20  }
0x298: {  	v16 =	vmul.f32 $1.442695020e+00, v16;
	p0 =	slt.u32 s14, $0x1FC;
	(erf) = vpow2.f32 v18;
	[tilespmem:v12+s6+$0x0] =	vst.idx.add.f32.msk vm6, v19  }
0x299: {  	vm8 =	vmand vm7, vm1;
	v18 =	vld [tilespmem:s10+$0x10];
	v19, _, _ =	vpop (xrf2)  }
0x29a: {  	(erf) = vpow2.f32 v16;
	(xrf2) =	vadd.scan.msk.f32 $0xffff, v15;
	[tilespmem:v5+s6+$0x0] =	vst.idx.add.f32.msk vm5, v17;
	v15 =	vsub.f32 $0.0e+00, v17  }
0x29b: {  	v16 =	vld [tilespmem:s10+$0x0]  }
0x29c: {  	v17 =	vld [tilespmem:s12+$0x10];
	v20, _, _ =	vpop (xrf2)  }
0x29d: {  	s12 =	sadd.s32 $0x40, s12;
	v22 =	vpop (erf);
	[tilespmem:v10+s7+$0x0] =	vst.idx.add.f32.msk vm4, v20;
	v20 =	vsub.f32 $0.0e+00, v20  }
0x29e: {  	v23 =	vld [tilespmem:s12+$0xFFFFFFE0];
	(xrf2) =	vadd.scan.msk.f32 $0xffff, v22;
	v10 =	vmov v18  }
0x29f: {  	v22 =	vperm.xlane v7, v1;
	[tilespmem:v12+s7+$0x0] =	vst.idx.add.f32.msk vm6, v20;
	v12, _, _ =	vpop (xrf2)  }
0x2a0: {  	v18 =	vpop (erf);
	[tilespmem:v14+s6+$0x0] =	vst.idx.add.f32.msk vm8, v15;
	v15 =	vsub.f32 $0.0e+00, v8;
	v25 =	vsub.f32 $0.0e+00, v12  }
0x2a1: {  	vm4 =	vne.s32 v7, v22;
	v24 =	vpop (erf);
	[tilespmem:v6+s7+$0x0] =	vst.idx.add.f32.msk vm2, v12;
	v6 =	vmov v16  }
0x2a2: {  	vm7 =	vmor vm4, vm0;
	(xrf2) =	vadd.scan.msk.f32 $0xffff, v24;
	[tilespmem:v9+s7+$0x0] =	vst.idx.add.f32.msk vm3, v25  }
0x2a3: {  	v20 =	vpop (erf);
	[tilespmem:v5+s7+$0x0] =	vst.idx.add.f32.msk vm5, v8;
	v8 =	vmov v19;
	v5 =	vmov v13  }
0x2a4: {  	v9 =	vperm.xlane v6, v1;
	v13, _, _ =	vpop (xrf2);
	[tilespmem:v14+s7+$0x0] =	vst.idx.add.f32.msk vm8, v15  }
0x2a5: {  	s10 =	sadd.s32 $0x40, s10;
	v15 =	vld [tilespmem:s12+$0xFFFFFFF0];
	(xrf2) =	vadd.scan.msk.f32 $0xffff, v18  }
0x2a6: {  	s13 =	sadd.s32 $0x40, s13;
	v12 =	vperm.xlane v10, v1;
	vm5 =	vmand vm4, vm1;
	vm3 =	vne.s32 v6, v9;
	v18 =	vld [tilespmem:s10+$0xFFFFFFF0]  }
0x2a7: {  	v4 =	vadd.f32 v4, v11;
	v3 =	vmul.f32 v21, v3;
	vm2 =	vmor vm3, vm0;
	v14 =	vld [tilespmem:s13+$0xFFFFFFF0]  }
0x2a8: {  	vm6 =	vne.s32 v10, v12;
	v16 =	vld [tilespmem:s13+$0xFFFFFFE0];
	(xrf2) =	vadd.scan.msk.f32 $0xffff, v20;
	v11, _, _ =	vpop (xrf2)  }
0x2a9: {  	v4 =	vadd.f32 v3, v4;
	v19 =	vmul.f32 v17, v2;
	[tilespmem:v7+s6+$0x0] =	vst.idx.add.f32.msk vm7, v11  }
0x2aa: {  	vm4 =	vmor vm6, vm0;
	v20 =	vsub.f32 $0.0e+00, v11;
	v3 =	vld [tilespmem:s13+$0x0]  }
0x2ab: {  	vm3 =	vmand vm3, vm1;
	v19 =	vadd.f32 v19, v4;
	v2 =	vld [tilespmem:s13+$0x10];
	(xrf2) =	vadd.scan.msk.f32 $0xffff, v23  }
0x2ac: {  	vm6 =	vmand vm6, vm1;
	v4 =	vmul.f32 v15, v14;
	[tilespmem:v22+s6+$0x0] =	vst.idx.add.f32.msk vm5, v20;
	v11, _, _ =	vpop (xrf2)  }
0x2ad: {  	v24 =	vsub.f32 $0.0e+00, v13;
	v20 =	vmul.f32 $1.442695020e+00, v14;
	v14 =	vperm.xlane v5, v1;
	[tilespmem:v6+s6+$0x0] =	vst.idx.add.f32.msk vm2, v11  }
.Ltmp6:
0x2ae: {  	v23 =	vmul.f32 v23, v16;
	v25 =	vsub.f32 $0.0e+00, v11;
	[tilespmem:v7+s7+$0x0] =	vst.idx.add.f32.msk vm7, v13;
	(xrf2) =	vadd.scan.msk.f32 $0xffff, v17;
	v7 =	vmovc v18;
	(pc) =	sbr.rel @p0 .LBB2_14-.Ltmp6, $4  }
0x2af: {  	vm7 =	vne.s32 v5, v14;
	v18 =	vmul.f32 $1.442695020e+00, v3;
	[tilespmem:v22+s7+$0x0] =	vst.idx.add.f32.msk vm5, v24;
	v17, _, _ =	vpop (xrf2)  }
0x2b0: {  	v11 =	vadd.f32 v23, v19;
	vm5 =	vmor vm7, vm0;
	v13 =	vld [tilespmem:s10+$0xFFFFFFE0];
	(erf) = vpow2.f32 v20  }
0x2b1: {  	v20 =	vmul.f32 $1.442695020e+00, v2;
	[tilespmem:v9+s6+$0x0] =	vst.idx.add.f32.msk vm3, v25;
	(xrf2) =	vadd.scan.msk.f32 $0xffff, v21  }
0x2b2: {  	v19 =	vsub.f32 $0.0e+00, v17;
	[tilespmem:v10+s6+$0x0] =	vst.idx.add.f32.msk vm4, v17;
	v17, _, _ =	vpop (xrf2)  }
0x2b3: {  	(erf) = vpow2.f32 v20  }
0x2b4: {  	(erf) = vpow2.f32 v18;
	_ =	sdelay $0x2  }
0x2b5: {  	v16 =	vmul.f32 $1.442695020e+00, v16;
	_ =	sdelay $0x1  }
0x2b6: {  	(xrf2) =	vadd.scan.msk.f32 $0xffff, v15;
	v20 =	vld [tilespmem:s10+$0x0];
	(erf) = vpow2.f32 v16;
	v15 =	vpop (erf)  }
0x2b7: {  	[tilespmem:v5+s6+$0x0] =	vst.idx.add.f32.msk vm5, v17;
	v18, _, _ =	vpop (xrf2);
	(xrf2) =	vadd.scan.msk.f32 $0xffff, v15  }
0x2b8: {  	vm7 =	vmand vm7, vm1;
	[tilespmem:v12+s6+$0x0] =	vst.idx.add.f32.msk vm6, v19;
	v19, _, _ =	vpop (xrf2)  }
0x2b9: {  	v24 =	vld [tilespmem:s12+$0x10];
	v21 =	vpop (erf)  }
0x2ba: {  	v22 =	vperm.xlane v7, v1;
	v16 =	vld [tilespmem:s12+$0x0];
	v23 =	vpop (erf)  }
0x2bb: {  	v17 =	vsub.f32 $0.0e+00, v17;
	[tilespmem:v10+s7+$0x0] =	vst.idx.add.f32.msk vm4, v19;
	(xrf2) =	vadd.scan.msk.f32 $0xffff, v23;
	v23 =	vsub.f32 $0.0e+00, v19  }
0x2bc: {  	vm4 =	vne.s32 v7, v22;
	v15 =	vld [tilespmem:s10+$0x10]  }
0x2bd: {  	v10, _, _ =	vpop (xrf2);
	[tilespmem:v12+s7+$0x0] =	vst.idx.add.f32.msk vm6, v23;
	vm6 =	vmor vm4, vm0  }
0x2be: {  	[tilespmem:v14+s6+$0x0] =	vst.idx.add.f32.msk vm7, v17;
	(xrf2) =	vadd.scan.msk.f32 $0xffff, v21;
	v12 =	vsub.f32 $0.0e+00, v10;
	vm4 =	vmand vm4, vm1  }
0x2bf: {  	[tilespmem:v6+s7+$0x0] =	vst.idx.add.f32.msk vm2, v10;
	v17 =	vpop (erf);
	v19 =	vperm.xlane v20, v1  }
0x2c0: {  	(xrf2) =	vadd.scan.msk.f32 $0xffff, v17;
	v10 =	vsub.f32 $0.0e+00, v8;
	[tilespmem:v9+s7+$0x0] =	vst.idx.add.f32.msk vm3, v12;
	v9, _, _ =	vpop (xrf2)  }
0x2c1: {  	[tilespmem:v5+s7+$0x0] =	vst.idx.add.f32.msk vm5, v8;
	v6 =	vperm.xlane v15, v1;
	vm3 =	vne.s32 v20, v19;
	v5, _, _ =	vpop (xrf2)  }
0x2c2: {  	[tilespmem:v14+s7+$0x0] =	vst.idx.add.f32.msk vm7, v10;
	v10 =	vperm.xlane v13, v1;
	vm2 =	vmor vm3, vm0;
	v8 =	vsub.f32 $0.0e+00, v5  }
0x2c3: {  	vm5 =	vne.s32 v15, v6;
	(xrf2) =	vadd.scan.msk.f32 $0xffff, v24;
	vm3 =	vmand vm3, vm1;
	[tilespmem:v7+s6+$0x0] =	vst.idx.add.f32.msk vm6, v5  }
0x2c4: {  	vm7 =	vmor vm5, vm0;
	vm8 =	vne.s32 v13, v10;
	[tilespmem:v22+s6+$0x0] =	vst.idx.add.f32.msk vm4, v8  }
0x2c5: {  	(xrf2) =	vadd.scan.msk.f32 $0xffff, v16;
	v5 =	vsub.f32 $0.0e+00, v9;
	[tilespmem:v7+s7+$0x0] =	vst.idx.add.f32.msk vm6, v9;
	vm6 =	vmor vm8, vm0  }
0x2c6: {  	vm5 =	vmand vm5, vm1;
	v8, _, _ =	vpop (xrf2)  }
0x2c7: {  	[tilespmem:v22+s7+$0x0] =	vst.idx.add.f32.msk vm4, v5;
	vm4 =	vmand vm8, vm1;
	v5 =	vsub.f32 $0.0e+00, v8  }
0x2c8: {  	[tilespmem:v20+s6+$0x0] =	vst.idx.add.f32.msk vm2, v8;
	v7, _, _ =	vpop (xrf2)  }
0x2c9: {  	[tilespmem:v19+s6+$0x0] =	vst.idx.add.f32.msk vm3, v5;
	v5 =	vsub.f32 $0.0e+00, v7  }
0x2ca: {  	[tilespmem:v15+s6+$0x0] =	vst.idx.add.f32.msk vm7, v7;
	v7, _, _ =	vpop (xrf2)  }
0x2cb: {  	[tilespmem:v13+s6+$0x0] =	vst.idx.add.f32.msk vm6, v7;
	v7 =	vsub.f32 $0.0e+00, v7  }
0x2cc: {  	[tilespmem:v6+s6+$0x0] =	vst.idx.add.f32.msk vm5, v5  }
0x2cd: {  	v5, _, _ =	vpop (xrf2);
	[tilespmem:v10+s6+$0x0] =	vst.idx.add.f32.msk vm4, v7  }
0x2ce: {  	v8 =	vsub.f32 $0.0e+00, v5;
	[tilespmem:v15+s7+$0x0] =	vst.idx.add.f32.msk vm7, v5  }
0x2cf: {  	v5, _, _ =	vpop (xrf2);
	[tilespmem:v13+s7+$0x0] =	vst.idx.add.f32.msk vm6, v18  }
0x2d0: {  	[tilespmem:v6+s7+$0x0] =	vst.idx.add.f32.msk vm5, v8;
	v6 =	vsub.f32 $0.0e+00, v5  }
0x2d1: {  	[tilespmem:v20+s7+$0x0] =	vst.idx.add.f32.msk vm2, v5;
	v5 =	vsub.f32 $0.0e+00, v18  }
0x2d2: {  	[tilespmem:v19+s7+$0x0] =	vst.idx.add.f32.msk vm3, v6  }
0x2d3: {  	[tilespmem:v10+s7+$0x0] =	vst.idx.add.f32.msk vm4, v5  }
0x2d4: {  	[tilespmem:s2], [sflag:$0x2] =	stream.linear.gather [hbm4b:s24+s1], $0x2000, $0x38;
	[tilespmem:$0x10080] =	vst v63  }
0x2d5: {  	_ = 	snop  }
0x2d6: {  	[tilespmem:s3], [sflag:$0x2] =	stream.linear.gather [hbm4b:s25+s1], $0x2000, $0x38;
	[tilespmem:$0x10080] =	vst v63  }
0x2d7: {  	_ = 	snop  }
0x2d8: {  	[tilespmem:s4], [sflag:$0x2] =	stream.linear.gather [hbm4b:s26+s1], $0x2000, $0x38;
	[tilespmem:$0x10080] =	vst v63  }
0x2d9: {  	_ =	swait.ge [sflag:s5], $0x2000  }
0x2da: {  	[sflag:s5] =	ssyncset.done $0x0  }
0x2db: {  	[sflag:s5] =	ssyncadd.s32 $0xFFFFE000  }
0x2dc: {  	_ =	swait.ge [sflag:s5], $0x2000  }
0x2dd: {  	[sflag:s5] =	ssyncset.done $0x0  }
0x2de: {  	[sflag:s5] =	ssyncadd.s32 $0xFFFFE000  }
0x2df: {  	_ =	swait.ge [sflag:s5], $0x2000  }
0x2e0: {  	[sflag:s5] =	ssyncset.done $0x0  }
0x2e1: {  	s12 =	simm.s32 $0x20;
	[sflag:s5] =	ssyncadd.s32 $0xFFFFE000  }
0x2e2: {  	v12 =	vld [tilespmem:s12+$0xFFFFFFF0];
	_ =	sdelay $0x1  }
0x2e3: {  	v13 =	vld [tilespmem:s12+$0x10]  }
0x2e4: {  	v14 =	vld [tilespmem:s12+$0x0];
	_ =	sdelay $0x1  }
0x2e5: {  	v5 =	vmul.f32 $1.442695020e+00, v12;
	_ =	sdelay $0x1  }
0x2e6: {  	v8 =	vld [tilespmem:s12+$0xFFFFFFE0];
	(erf) = vpow2.f32 v5;
	v5 =	vmul.f32 $1.442695020e+00, v13  }
0x2e7: {  	s13 =	simm.s32 $0x4020;
	v6 =	vmul.f32 $1.442695020e+00, v14  }
0x2e8: {  	v7 =	vld [tilespmem:s13+$0xFFFFFFE0];
	(erf) = vpow2.f32 v5  }
0x2e9: {  	v17 =	vld [tilespmem:s13+$0xFFFFFFF0];
	(erf) = vpow2.f32 v6;
	_ =	sdelay $0x1  }
0x2ea: {  	v5 =	vmul.f32 $1.442695020e+00, v8  }
0x2eb: {  	s14 =	simm.s32 $0x8020  }
0x2ec: {  	v18 =	vld [tilespmem:s14+$0xFFFFFFF0];
	(xrf2) =	vadd.scan.msk.f32 $0xffff, v7  }
0x2ed: {  	(xrf2) =	vadd.scan.msk.f32 $0xffff, v17  }
0x2ee: {  	(erf) = vpow2.f32 v5;
	v5 =	vpop (erf)  }
0x2ef: {  	v6 =	vld [tilespmem:s14+$0x0];
	(xrf2) =	vadd.scan.msk.f32 $0xffff, v5  }
0x2f0: {  	v20 =	vpop (erf)  }
0x2f1: {  	v4 =	vadd.f32 v4, v11;
	v3 =	vmul.f32 v16, v3;
	v21 =	vld [tilespmem:s13+$0x0];
	v19 =	vperm.xlane v18, v1;
	v9 =	vpop (erf)  }
0x2f2: {  	v10 =	vld [tilespmem:s14+$0x10];
	(xrf2) =	vadd.scan.msk.f32 $0xffff, v9  }
0x2f3: {  	v2 =	vmul.f32 v24, v2;
	v3 =	vadd.f32 v3, v4;
	v11 =	vld [tilespmem:s13+$0x10];
	s12 =	simm.s32 $0x4060;
	vm2 =	vne.s32 v18, v19  }
0x2f4: {  	v22 =	vld [tilespmem:s12+$0xFFFFFFE0];
	vm5 =	vmor vm2, vm0;
	v9 =	vperm.xlane v6, v1  }
0x2f5: {  	v2 =	vadd.f32 v2, v3;
	s13 =	simm.s32 $0x60;
	v15 =	vld [tilespmem:s12+$0xFFFFFFF0];
	v3 =	vmul.f32 v7, v8  }
0x2f6: {  	v16 =	vld [tilespmem:s13+$0xFFFFFFE0];
	vm6 =	vmand vm2, vm1;
	v8, _, _ =	vpop (xrf2);
	vm3 =	vne.s32 v6, v9  }
0x2f7: {  	v17 =	vmul.f32 v17, v12;
	v2 =	vadd.f32 v3, v2;
	v3 =	vld [tilespmem:s13+$0x0];
	v23, _, _ =	vpop (xrf2);
	vm2 =	vmor vm3, vm0  }
0x2f8: {  	v5 =	vld [tilespmem:s14+$0xFFFFFFE0];
	v4 =	vpop (erf);
	(xrf2) =	vadd.scan.msk.f32 $0xffff, v20  }
0x2f9: {  	v14 =	vmul.f32 v21, v14;
	v2 =	vadd.f32 v17, v2;
	v20 =	vld [tilespmem:s13+$0xFFFFFFF0];
	(xrf2) =	vadd.scan.msk.f32 $0xffff, v4;
	v4, _, _ =	vpop (xrf2)  }
0x2fa: {  	v12 =	vperm.xlane v10, v1;
	[tilespmem:v18+s6+$0x0] =	vst.idx.add.f32.msk vm5, v4;
	v4 =	vsub.f32 $0.0e+00, v4  }
0x2fb: {  	v13 =	vmul.f32 v11, v13;
	v14 =	vadd.f32 v14, v2;
	v2 =	vld [tilespmem:s13+$0x10]  }
0x2fc: {  	vm7 =	vne.s32 v10, v12;
	vm3 =	vmand vm3, vm1;
	(xrf2) =	vadd.scan.msk.f32 $0xffff, v22;
	[tilespmem:v19+s6+$0x0] =	vst.idx.add.f32.msk vm6, v4;
	v17, _, _ =	vpop (xrf2)  }
0x2fd: {  	vm4 =	vmor vm7, vm0;
	v63 =	vadd.f32 v13, v14;
	v13 =	vsub.f32 $0.0e+00, v23;
	[tilespmem:v6+s6+$0x0] =	vst.idx.add.f32.msk vm2, v17  }
0x2fe: {  	v14 =	vperm.xlane v5, v1;
	(xrf2) =	vadd.scan.msk.f32 $0xffff, v11;
	v4 =	vmul.f32 v15, v20;
	[tilespmem:v18+s7+$0x0] =	vst.idx.add.f32.msk vm5, v23  }
0x2ff: {  	s10 =	simm.s32 $0x8060;
	v20 =	vmul.f32 $1.442695020e+00, v20;
	v17 =	vsub.f32 $0.0e+00, v17;
	[tilespmem:v19+s7+$0x0] =	vst.idx.add.f32.msk vm6, v13;
	vm6 =	vmand vm7, vm1  }
0x300: {  	v7 =	vld [tilespmem:s10+$0xFFFFFFF0];
	vm7 =	vne.s32 v5, v14  }
0x301: {  	v22 =	vmul.f32 v22, v16;
	v13 =	vld [tilespmem:s10+$0xFFFFFFE0];
	(erf) = vpow2.f32 v20;
	vm5 =	vmor vm7, vm0  }
0x302: {  	(xrf2) =	vadd.scan.msk.f32 $0xffff, v21;
	v19, _, _ =	vpop (xrf2);
	v20 =	vmul.f32 $1.442695020e+00, v2;
	[tilespmem:v9+s6+$0x0] =	vst.idx.add.f32.msk vm3, v17  }
0x303: {  	s14 =	simm.s32 $0x4;
	v11 =	vadd.f32 v22, v63;
	v18 =	vmul.f32 $1.442695020e+00, v3;
	[tilespmem:v10+s6+$0x0] =	vst.idx.add.f32.msk vm4, v19;
	v19 =	vsub.f32 $0.0e+00, v19;
	v17, _, _ =	vpop (xrf2)  }
.LBB2_16:
0x304: {  	s14 =	sadd.s32 $0x4, s14;
	v21 =	vld [tilespmem:s12+$0x0];
	(erf) = vpow2.f32 v20  }
0x305: {  	v16 =	vmul.f32 $1.442695020e+00, v16;
	p0 =	slt.u32 s14, $0x1FC;
	(erf) = vpow2.f32 v18;
	[tilespmem:v12+s6+$0x0] =	vst.idx.add.f32.msk vm6, v19  }
0x306: {  	vm8 =	vmand vm7, vm1;
	v18 =	vld [tilespmem:s10+$0x10];
	v19, _, _ =	vpop (xrf2)  }
0x307: {  	(erf) = vpow2.f32 v16;
	(xrf2) =	vadd.scan.msk.f32 $0xffff, v15;
	[tilespmem:v5+s6+$0x0] =	vst.idx.add.f32.msk vm5, v17;
	v15 =	vsub.f32 $0.0e+00, v17  }
0x308: {  	v16 =	vld [tilespmem:s10+$0x0]  }
0x309: {  	v17 =	vld [tilespmem:s12+$0x10];
	v20, _, _ =	vpop (xrf2)  }
0x30a: {  	s12 =	sadd.s32 $0x40, s12;
	v22 =	vpop (erf);
	[tilespmem:v10+s7+$0x0] =	vst.idx.add.f32.msk vm4, v20;
	v20 =	vsub.f32 $0.0e+00, v20  }
0x30b: {  	v23 =	vld [tilespmem:s12+$0xFFFFFFE0];
	(xrf2) =	vadd.scan.msk.f32 $0xffff, v22;
	v10 =	vmov v18  }
0x30c: {  	v22 =	vperm.xlane v7, v1;
	[tilespmem:v12+s7+$0x0] =	vst.idx.add.f32.msk vm6, v20;
	v12, _, _ =	vpop (xrf2)  }
0x30d: {  	v18 =	vpop (erf);
	[tilespmem:v14+s6+$0x0] =	vst.idx.add.f32.msk vm8, v15;
	v15 =	vsub.f32 $0.0e+00, v8;
	v25 =	vsub.f32 $0.0e+00, v12  }
0x30e: {  	vm4 =	vne.s32 v7, v22;
	v24 =	vpop (erf);
	[tilespmem:v6+s7+$0x0] =	vst.idx.add.f32.msk vm2, v12;
	v6 =	vmov v16  }
0x30f: {  	vm7 =	vmor vm4, vm0;
	(xrf2) =	vadd.scan.msk.f32 $0xffff, v24;
	[tilespmem:v9+s7+$0x0] =	vst.idx.add.f32.msk vm3, v25  }
0x310: {  	v20 =	vpop (erf);
	[tilespmem:v5+s7+$0x0] =	vst.idx.add.f32.msk vm5, v8;
	v8 =	vmov v19;
	v5 =	vmov v13  }
0x311: {  	v9 =	vperm.xlane v6, v1;
	v13, _, _ =	vpop (xrf2);
	[tilespmem:v14+s7+$0x0] =	vst.idx.add.f32.msk vm8, v15  }
0x312: {  	s10 =	sadd.s32 $0x40, s10;
	v15 =	vld [tilespmem:s12+$0xFFFFFFF0];
	(xrf2) =	vadd.scan.msk.f32 $0xffff, v18  }
0x313: {  	s13 =	sadd.s32 $0x40, s13;
	v12 =	vperm.xlane v10, v1;
	vm5 =	vmand vm4, vm1;
	vm3 =	vne.s32 v6, v9;
	v18 =	vld [tilespmem:s10+$0xFFFFFFF0]  }
0x314: {  	v4 =	vadd.f32 v4, v11;
	v3 =	vmul.f32 v21, v3;
	vm2 =	vmor vm3, vm0;
	v14 =	vld [tilespmem:s13+$0xFFFFFFF0]  }
0x315: {  	vm6 =	vne.s32 v10, v12;
	v16 =	vld [tilespmem:s13+$0xFFFFFFE0];
	(xrf2) =	vadd.scan.msk.f32 $0xffff, v20;
	v11, _, _ =	vpop (xrf2)  }
0x316: {  	v4 =	vadd.f32 v3, v4;
	v19 =	vmul.f32 v17, v2;
	[tilespmem:v7+s6+$0x0] =	vst.idx.add.f32.msk vm7, v11  }
0x317: {  	vm4 =	vmor vm6, vm0;
	v20 =	vsub.f32 $0.0e+00, v11;
	v3 =	vld [tilespmem:s13+$0x0]  }
0x318: {  	vm3 =	vmand vm3, vm1;
	v19 =	vadd.f32 v19, v4;
	v2 =	vld [tilespmem:s13+$0x10];
	(xrf2) =	vadd.scan.msk.f32 $0xffff, v23  }
0x319: {  	vm6 =	vmand vm6, vm1;
	v4 =	vmul.f32 v15, v14;
	[tilespmem:v22+s6+$0x0] =	vst.idx.add.f32.msk vm5, v20;
	v11, _, _ =	vpop (xrf2)  }
0x31a: {  	v24 =	vsub.f32 $0.0e+00, v13;
	v20 =	vmul.f32 $1.442695020e+00, v14;
	v14 =	vperm.xlane v5, v1;
	[tilespmem:v6+s6+$0x0] =	vst.idx.add.f32.msk vm2, v11  }
.Ltmp7:
0x31b: {  	v23 =	vmul.f32 v23, v16;
	v25 =	vsub.f32 $0.0e+00, v11;
	[tilespmem:v7+s7+$0x0] =	vst.idx.add.f32.msk vm7, v13;
	(xrf2) =	vadd.scan.msk.f32 $0xffff, v17;
	v7 =	vmovc v18;
	(pc) =	sbr.rel @p0 .LBB2_16-.Ltmp7, $4  }
0x31c: {  	vm7 =	vne.s32 v5, v14;
	v18 =	vmul.f32 $1.442695020e+00, v3;
	[tilespmem:v22+s7+$0x0] =	vst.idx.add.f32.msk vm5, v24;
	v17, _, _ =	vpop (xrf2)  }
0x31d: {  	v11 =	vadd.f32 v23, v19;
	vm5 =	vmor vm7, vm0;
	v13 =	vld [tilespmem:s10+$0xFFFFFFE0];
	(erf) = vpow2.f32 v20  }
0x31e: {  	v20 =	vmul.f32 $1.442695020e+00, v2;
	[tilespmem:v9+s6+$0x0] =	vst.idx.add.f32.msk vm3, v25;
	(xrf2) =	vadd.scan.msk.f32 $0xffff, v21  }
0x31f: {  	v19 =	vsub.f32 $0.0e+00, v17;
	[tilespmem:v10+s6+$0x0] =	vst.idx.add.f32.msk vm4, v17;
	v17, _, _ =	vpop (xrf2)  }
0x320: {  	(erf) = vpow2.f32 v20  }
0x321: {  	(erf) = vpow2.f32 v18;
	_ =	sdelay $0x2  }
0x322: {  	v16 =	vmul.f32 $1.442695020e+00, v16;
	_ =	sdelay $0x1  }
0x323: {  	(xrf2) =	vadd.scan.msk.f32 $0xffff, v15;
	v20 =	vld [tilespmem:s10+$0x0];
	(erf) = vpow2.f32 v16;
	v15 =	vpop (erf)  }
0x324: {  	[tilespmem:v5+s6+$0x0] =	vst.idx.add.f32.msk vm5, v17;
	v18, _, _ =	vpop (xrf2);
	(xrf2) =	vadd.scan.msk.f32 $0xffff, v15  }
0x325: {  	vm7 =	vmand vm7, vm1;
	[tilespmem:v12+s6+$0x0] =	vst.idx.add.f32.msk vm6, v19;
	v19, _, _ =	vpop (xrf2)  }
0x326: {  	v24 =	vld [tilespmem:s12+$0x10];
	v21 =	vpop (erf)  }
0x327: {  	v22 =	vperm.xlane v7, v1;
	v16 =	vld [tilespmem:s12+$0x0];
	v23 =	vpop (erf)  }
0x328: {  	v17 =	vsub.f32 $0.0e+00, v17;
	[tilespmem:v10+s7+$0x0] =	vst.idx.add.f32.msk vm4, v19;
	(xrf2) =	vadd.scan.msk.f32 $0xffff, v23;
	v23 =	vsub.f32 $0.0e+00, v19  }
0x329: {  	vm4 =	vne.s32 v7, v22;
	v15 =	vld [tilespmem:s10+$0x10]  }
0x32a: {  	v10, _, _ =	vpop (xrf2);
	[tilespmem:v12+s7+$0x0] =	vst.idx.add.f32.msk vm6, v23;
	vm6 =	vmor vm4, vm0  }
0x32b: {  	[tilespmem:v14+s6+$0x0] =	vst.idx.add.f32.msk vm7, v17;
	(xrf2) =	vadd.scan.msk.f32 $0xffff, v21;
	v12 =	vsub.f32 $0.0e+00, v10;
	vm4 =	vmand vm4, vm1  }
0x32c: {  	[tilespmem:v6+s7+$0x0] =	vst.idx.add.f32.msk vm2, v10;
	v17 =	vpop (erf);
	v19 =	vperm.xlane v20, v1  }
0x32d: {  	(xrf2) =	vadd.scan.msk.f32 $0xffff, v17;
	v10 =	vsub.f32 $0.0e+00, v8;
	[tilespmem:v9+s7+$0x0] =	vst.idx.add.f32.msk vm3, v12;
	v9, _, _ =	vpop (xrf2)  }
0x32e: {  	[tilespmem:v5+s7+$0x0] =	vst.idx.add.f32.msk vm5, v8;
	v6 =	vperm.xlane v15, v1;
	vm3 =	vne.s32 v20, v19;
	v5, _, _ =	vpop (xrf2)  }
0x32f: {  	[tilespmem:v14+s7+$0x0] =	vst.idx.add.f32.msk vm7, v10;
	v10 =	vperm.xlane v13, v1;
	vm2 =	vmor vm3, vm0;
	v8 =	vsub.f32 $0.0e+00, v5  }
0x330: {  	vm5 =	vne.s32 v15, v6;
	(xrf2) =	vadd.scan.msk.f32 $0xffff, v24;
	vm3 =	vmand vm3, vm1;
	[tilespmem:v7+s6+$0x0] =	vst.idx.add.f32.msk vm6, v5  }
0x331: {  	vm7 =	vmor vm5, vm0;
	vm8 =	vne.s32 v13, v10;
	[tilespmem:v22+s6+$0x0] =	vst.idx.add.f32.msk vm4, v8  }
0x332: {  	(xrf2) =	vadd.scan.msk.f32 $0xffff, v16;
	v5 =	vsub.f32 $0.0e+00, v9;
	[tilespmem:v7+s7+$0x0] =	vst.idx.add.f32.msk vm6, v9;
	vm6 =	vmor vm8, vm0  }
0x333: {  	vm5 =	vmand vm5, vm1;
	v8, _, _ =	vpop (xrf2)  }
0x334: {  	[tilespmem:v22+s7+$0x0] =	vst.idx.add.f32.msk vm4, v5;
	vm4 =	vmand vm8, vm1;
	v5 =	vsub.f32 $0.0e+00, v8  }
0x335: {  	[tilespmem:v20+s6+$0x0] =	vst.idx.add.f32.msk vm2, v8;
	v7, _, _ =	vpop (xrf2)  }
0x336: {  	[tilespmem:v19+s6+$0x0] =	vst.idx.add.f32.msk vm3, v5;
	v5 =	vsub.f32 $0.0e+00, v7  }
0x337: {  	[tilespmem:v15+s6+$0x0] =	vst.idx.add.f32.msk vm7, v7;
	v7, _, _ =	vpop (xrf2)  }
0x338: {  	[tilespmem:v13+s6+$0x0] =	vst.idx.add.f32.msk vm6, v7;
	v7 =	vsub.f32 $0.0e+00, v7  }
0x339: {  	[tilespmem:v6+s6+$0x0] =	vst.idx.add.f32.msk vm5, v5  }
0x33a: {  	v5, _, _ =	vpop (xrf2);
	[tilespmem:v10+s6+$0x0] =	vst.idx.add.f32.msk vm4, v7  }
0x33b: {  	v8 =	vsub.f32 $0.0e+00, v5;
	[tilespmem:v15+s7+$0x0] =	vst.idx.add.f32.msk vm7, v5  }
0x33c: {  	v5, _, _ =	vpop (xrf2);
	[tilespmem:v13+s7+$0x0] =	vst.idx.add.f32.msk vm6, v18  }
0x33d: {  	[tilespmem:v6+s7+$0x0] =	vst.idx.add.f32.msk vm5, v8;
	v6 =	vsub.f32 $0.0e+00, v5  }
0x33e: {  	[tilespmem:v20+s7+$0x0] =	vst.idx.add.f32.msk vm2, v5;
	v5 =	vsub.f32 $0.0e+00, v18  }
0x33f: {  	[tilespmem:v19+s7+$0x0] =	vst.idx.add.f32.msk vm3, v6  }
0x340: {  	[tilespmem:v10+s7+$0x0] =	vst.idx.add.f32.msk vm4, v5  }
0x341: {  	_ =	swait.ge [sflag:s8], $0x2000  }
0x342: {  	[sflag:s8] =	ssyncset.done $0x0  }
0x343: {  	[sflag:s8] =	ssyncadd.s32 $0xFFFFE000  }
0x344: {  	_ =	swait.ge [sflag:s8], $0x2000  }
0x345: {  	[sflag:s8] =	ssyncset.done $0x0  }
0x346: {  	[sflag:s8] =	ssyncadd.s32 $0xFFFFE000  }
0x347: {  	_ =	swait.ge [sflag:s8], $0x2000  }
0x348: {  	[sflag:s8] =	ssyncset.done $0x0  }
0x349: {  	s12 =	simm.s32 $0x2020;
	[sflag:s8] =	ssyncadd.s32 $0xFFFFE000  }
0x34a: {  	v10 =	vld [tilespmem:s12+$0xFFFFFFF0];
	_ =	sdelay $0x3  }
0x34b: {  	v12 =	vld [tilespmem:s12+$0x10]  }
0x34c: {  	v14 =	vld [tilespmem:s12+$0x0];
	v5 =	vmul.f32 $1.442695020e+00, v10;
	_ =	sdelay $0x1  }
0x34d: {  	v13 =	vld [tilespmem:s12+$0xFFFFFFE0];
	(erf) = vpow2.f32 v5  }
0x34e: {  	s13 =	simm.s32 $0x6020  }
0x34f: {  	v7 =	vld [tilespmem:s13+$0xFFFFFFE0];
	v5 =	vmul.f32 $1.442695020e+00, v12  }
0x350: {  	v6 =	vmul.f32 $1.442695020e+00, v14  }
0x351: {  	v17 =	vld [tilespmem:s13+$0xFFFFFFF0];
	(erf) = vpow2.f32 v5  }
0x352: {  	v5 =	vmul.f32 $1.442695020e+00, v13;
	(erf) = vpow2.f32 v6;
	_ =	sdelay $0x1  }
0x353: {  	s14 =	simm.s32 $0xA020;
	(xrf2) =	vadd.scan.msk.f32 $0xffff, v7  }
0x354: {  	v18 =	vld [tilespmem:s14+$0xFFFFFFF0]  }
0x355: {  	(xrf2) =	vadd.scan.msk.f32 $0xffff, v17;
	(erf) = vpow2.f32 v5;
	v5 =	vpop (erf)  }
0x356: {  	v4 =	vadd.f32 v4, v11;
	v3 =	vmul.f32 v16, v3;
	v21 =	vld [tilespmem:s13+$0x0];
	(xrf2) =	vadd.scan.msk.f32 $0xffff, v5  }
0x357: {  	v9 =	vld [tilespmem:s14+$0x10]  }
0x358: {  	v2 =	vmul.f32 v24, v2;
	v3 =	vadd.f32 v3, v4;
	v6 =	vld [tilespmem:s14+$0x0]  }
0x359: {  	s10 =	simm.s32 $0xA060;
	v11 =	vld [tilespmem:s13+$0x10];
	v19 =	vperm.xlane v18, v1;
	v20 =	vpop (erf)  }
0x35a: {  	v3 =	vadd.f32 v2, v3;
	s12 =	simm.s32 $0x6060;
	v2 =	vld [tilespmem:s10+$0xFFFFFFF0];
	v8 =	vpop (erf)  }
0x35b: {  	v22 =	vld [tilespmem:s12+$0xFFFFFFE0];
	v4 =	vmul.f32 v7, v13;
	vm2 =	vne.s32 v18, v19;
	(xrf2) =	vadd.scan.msk.f32 $0xffff, v8  }
0x35c: {  	s13 =	simm.s32 $0x2060;
	v15 =	vld [tilespmem:s12+$0xFFFFFFF0];
	v10 =	vmul.f32 v17, v10;
	vm5 =	vmor vm2, vm0  }
0x35d: {  	v16 =	vld [tilespmem:s13+$0xFFFFFFE0];
	v3 =	vadd.f32 v4, v3;
	vm6 =	vmand vm2, vm1;
	v7, _, _ =	vpop (xrf2);
	v8 =	vperm.xlane v6, v1  }
0x35e: {  	v4 =	vld [tilespmem:s13+$0x0];
	v23 =	vpop (erf);
	(xrf2) =	vadd.scan.msk.f32 $0xffff, v20  }
0x35f: {  	v3 =	vadd.f32 v10, v3;
	v10 =	vmul.f32 v21, v14;
	v17, _, _ =	vpop (xrf2);
	v5 =	vld [tilespmem:s14+$0xFFFFFFE0];
	vm3 =	vne.s32 v6, v8;
	(xrf2) =	vadd.scan.msk.f32 $0xffff, v23  }
0x360: {  	v13 =	vperm.xlane v9, v1;
	v20 =	vld [tilespmem:s13+$0xFFFFFFF0];
	vm2 =	vmor vm3, vm0;
	v23, _, _ =	vpop (xrf2)  }
0x361: {  	v12 =	vmul.f32 v11, v12;
	v10 =	vadd.f32 v10, v3;
	v3 =	vld [tilespmem:s13+$0x10];
	v14 =	vsub.f32 $0.0e+00, v23  }
0x362: {  	vm7 =	vne.s32 v9, v13;
	vm3 =	vmand vm3, vm1;
	(xrf2) =	vadd.scan.msk.f32 $0xffff, v22;
	[tilespmem:v18+s6+$0x0] =	vst.idx.add.f32.msk vm5, v23  }
0x363: {  	vm4 =	vmor vm7, vm0;
	v63 =	vadd.f32 v12, v10;
	v12 =	vsub.f32 $0.0e+00, v17;
	[tilespmem:v19+s6+$0x0] =	vst.idx.add.f32.msk vm6, v14  }
0x364: {  	(xrf2) =	vadd.scan.msk.f32 $0xffff, v11;
	v14 =	vperm.xlane v5, v1;
	[tilespmem:v18+s7+$0x0] =	vst.idx.add.f32.msk vm5, v17  }
0x365: {  	v10 =	vmul.f32 v15, v20;
	v23, _, _ =	vpop (xrf2);
	v17 =	vmul.f32 $1.442695020e+00, v20;
	[tilespmem:v19+s7+$0x0] =	vst.idx.add.f32.msk vm6, v12;
	vm6 =	vmand vm7, vm1  }
0x366: {  	[tilespmem:v6+s6+$0x0] =	vst.idx.add.f32.msk vm2, v23;
	v20 =	vmul.f32 v22, v16;
	v22 =	vsub.f32 $0.0e+00, v23;
	vm7 =	vne.s32 v5, v14  }
0x367: {  	v12 =	vld [tilespmem:s10+$0xFFFFFFE0];
	(erf) = vpow2.f32 v17;
	vm5 =	vmor vm7, vm0  }
0x368: {  	(xrf2) =	vadd.scan.msk.f32 $0xffff, v21;
	v19, _, _ =	vpop (xrf2);
	v11 =	vadd.f32 v20, v63;
	[tilespmem:v8+s6+$0x0] =	vst.idx.add.f32.msk vm3, v22;
	v20 =	vmul.f32 $1.442695020e+00, v3  }
0x369: {  	s14 =	simm.s32 $0x4;
	v18 =	vmul.f32 $1.442695020e+00, v4;
	[tilespmem:v9+s6+$0x0] =	vst.idx.add.f32.msk vm4, v19;
	v19 =	vsub.f32 $0.0e+00, v19;
	v17, _, _ =	vpop (xrf2)  }
.LBB2_18:
0x36a: {  	s14 =	sadd.s32 $0x4, s14;
	v21 =	vld [tilespmem:s12+$0x0];
	(erf) = vpow2.f32 v20  }
0x36b: {  	v16 =	vmul.f32 $1.442695020e+00, v16;
	p0 =	slt.u32 s14, $0x1FC;
	(erf) = vpow2.f32 v18;
	[tilespmem:v13+s6+$0x0] =	vst.idx.add.f32.msk vm6, v19  }
0x36c: {  	vm8 =	vmand vm7, vm1;
	v18 =	vld [tilespmem:s10+$0x10];
	v19, _, _ =	vpop (xrf2)  }
0x36d: {  	(erf) = vpow2.f32 v16;
	(xrf2) =	vadd.scan.msk.f32 $0xffff, v15;
	[tilespmem:v5+s6+$0x0] =	vst.idx.add.f32.msk vm5, v17;
	v15 =	vsub.f32 $0.0e+00, v17  }
0x36e: {  	v16 =	vld [tilespmem:s10+$0x0]  }
0x36f: {  	v17 =	vld [tilespmem:s12+$0x10];
	v20, _, _ =	vpop (xrf2)  }
0x370: {  	s12 =	sadd.s32 $0x40, s12;
	v22 =	vpop (erf);
	[tilespmem:v9+s7+$0x0] =	vst.idx.add.f32.msk vm4, v20;
	v20 =	vsub.f32 $0.0e+00, v20  }
0x371: {  	v23 =	vld [tilespmem:s12+$0xFFFFFFE0];
	(xrf2) =	vadd.scan.msk.f32 $0xffff, v22;
	v9 =	vmov v18  }
0x372: {  	v22 =	vperm.xlane v2, v1;
	[tilespmem:v13+s7+$0x0] =	vst.idx.add.f32.msk vm6, v20;
	v13, _, _ =	vpop (xrf2)  }
0x373: {  	v18 =	vpop (erf);
	[tilespmem:v14+s6+$0x0] =	vst.idx.add.f32.msk vm8, v15;
	v15 =	vsub.f32 $0.0e+00, v7;
	v25 =	vsub.f32 $0.0e+00, v13  }
0x374: {  	vm4 =	vne.s32 v2, v22;
	v24 =	vpop (erf);
	[tilespmem:v6+s7+$0x0] =	vst.idx.add.f32.msk vm2, v13;
	v6 =	vmov v16  }
0x375: {  	vm7 =	vmor vm4, vm0;
	(xrf2) =	vadd.scan.msk.f32 $0xffff, v24;
	[tilespmem:v8+s7+$0x0] =	vst.idx.add.f32.msk vm3, v25  }
0x376: {  	v20 =	vpop (erf);
	[tilespmem:v5+s7+$0x0] =	vst.idx.add.f32.msk vm5, v7;
	v7 =	vmov v19;
	v5 =	vmov v12  }
0x377: {  	v8 =	vperm.xlane v6, v1;
	v12, _, _ =	vpop (xrf2);
	[tilespmem:v14+s7+$0x0] =	vst.idx.add.f32.msk vm8, v15  }
0x378: {  	s10 =	sadd.s32 $0x40, s10;
	v15 =	vld [tilespmem:s12+$0xFFFFFFF0];
	(xrf2) =	vadd.scan.msk.f32 $0xffff, v18  }
0x379: {  	s13 =	sadd.s32 $0x40, s13;
	v13 =	vperm.xlane v9, v1;
	vm5 =	vmand vm4, vm1;
	vm3 =	vne.s32 v6, v8;
	v18 =	vld [tilespmem:s10+$0xFFFFFFF0]  }
0x37a: {  	v10 =	vadd.f32 v10, v11;
	v4 =	vmul.f32 v21, v4;
	vm2 =	vmor vm3, vm0;
	v14 =	vld [tilespmem:s13+$0xFFFFFFF0]  }
0x37b: {  	vm6 =	vne.s32 v9, v13;
	v16 =	vld [tilespmem:s13+$0xFFFFFFE0];
	(xrf2) =	vadd.scan.msk.f32 $0xffff, v20;
	v11, _, _ =	vpop (xrf2)  }
0x37c: {  	v10 =	vadd.f32 v4, v10;
	v19 =	vmul.f32 v17, v3;
	[tilespmem:v2+s6+$0x0] =	vst.idx.add.f32.msk vm7, v11  }
0x37d: {  	vm4 =	vmor vm6, vm0;
	v20 =	vsub.f32 $0.0e+00, v11;
	v4 =	vld [tilespmem:s13+$0x0]  }
0x37e: {  	vm3 =	vmand vm3, vm1;
	v19 =	vadd.f32 v19, v10;
	v3 =	vld [tilespmem:s13+$0x10];
	(xrf2) =	vadd.scan.msk.f32 $0xffff, v23  }
0x37f: {  	vm6 =	vmand vm6, vm1;
	v10 =	vmul.f32 v15, v14;
	[tilespmem:v22+s6+$0x0] =	vst.idx.add.f32.msk vm5, v20;
	v11, _, _ =	vpop (xrf2)  }
0x380: {  	v24 =	vsub.f32 $0.0e+00, v12;
	v20 =	vmul.f32 $1.442695020e+00, v14;
	v14 =	vperm.xlane v5, v1;
	[tilespmem:v6+s6+$0x0] =	vst.idx.add.f32.msk vm2, v11  }
.Ltmp8:
0x381: {  	v23 =	vmul.f32 v23, v16;
	v25 =	vsub.f32 $0.0e+00, v11;
	[tilespmem:v2+s7+$0x0] =	vst.idx.add.f32.msk vm7, v12;
	(xrf2) =	vadd.scan.msk.f32 $0xffff, v17;
	v2 =	vmovc v18;
	(pc) =	sbr.rel @p0 .LBB2_18-.Ltmp8, $4  }
0x382: {  	vm7 =	vne.s32 v5, v14;
	v18 =	vmul.f32 $1.442695020e+00, v4;
	[tilespmem:v22+s7+$0x0] =	vst.idx.add.f32.msk vm5, v24;
	v17, _, _ =	vpop (xrf2)  }
0x383: {  	v11 =	vadd.f32 v23, v19;
	vm5 =	vmor vm7, vm0;
	v12 =	vld [tilespmem:s10+$0xFFFFFFE0];
	(erf) = vpow2.f32 v20  }
0x384: {  	v20 =	vmul.f32 $1.442695020e+00, v3;
	[tilespmem:v8+s6+$0x0] =	vst.idx.add.f32.msk vm3, v25;
	(xrf2) =	vadd.scan.msk.f32 $0xffff, v21  }
0x385: {  	v19 =	vsub.f32 $0.0e+00, v17;
	[tilespmem:v9+s6+$0x0] =	vst.idx.add.f32.msk vm4, v17;
	v17, _, _ =	vpop (xrf2)  }
0x386: {  	(erf) = vpow2.f32 v20  }
0x387: {  	(erf) = vpow2.f32 v18;
	_ =	sdelay $0x1  }
0x388: {  	v16 =	vmul.f32 $1.442695020e+00, v16;
	_ =	sdelay $0x1  }
0x389: {  	(erf) = vpow2.f32 v16  }
0x38a: {  	v38 =	vld [tilespmem:s12+$0x0];
	(xrf2) =	vadd.scan.msk.f32 $0xffff, v15;
	v39 =	vpop (erf)  }
0x38b: {  	v41 =	vld [tilespmem:s10+$0x10];
	vm7 =	vmand vm7, vm1;
	v40, _, _ =	vpop (xrf2);
	(xrf2) =	vadd.scan.msk.f32 $0xffff, v39  }
0x38c: {  	v43 =	vld [tilespmem:s10+$0x0]  }
0x38d: {  	v23 =	vld [tilespmem:s12+$0x10];
	v21 =	vpop (erf)  }
0x38e: {  	v44 =	vperm.xlane v2, v1;
	[tilespmem:v5+s6+$0x0] =	vst.idx.add.f32.msk vm5, v17;
	v22 =	vpop (erf)  }
0x38f: {  	v45 =	vsub.f32 $0.0e+00, v17;
	[tilespmem:v13+s6+$0x0] =	vst.idx.add.f32.msk vm6, v19;
	v42, _, _ =	vpop (xrf2);
	(xrf2) =	vadd.scan.msk.f32 $0xffff, v22  }
0x390: {  	vm14 =	vne.s32 v2, v44;
	[tilespmem:v9+s7+$0x0] =	vst.idx.add.f32.msk vm4, v42  }
0x391: {  	vm15 =	vmor vm14, vm0;
	[tilespmem:v14+s6+$0x0] =	vst.idx.add.f32.msk vm7, v45;
	v46, _, _ =	vpop (xrf2);
	(xrf2) =	vadd.scan.msk.f32 $0xffff, v21  }
0x392: {  	v49 =	vperm.xlane v43, v1;
	vm4 =	vmand vm14, vm1;
	[tilespmem:v5+s7+$0x0] =	vst.idx.add.f32.msk vm5, v7;
	v47 =	vsub.f32 $0.0e+00, v46;
	v48 =	vpop (erf)  }
0x393: {  	v50 =	vperm.xlane v41, v1;
	v19 =	vsub.f32 $0.0e+00, v42;
	[tilespmem:v6+s7+$0x0] =	vst.idx.add.f32.msk vm2, v46;
	(xrf2) =	vadd.scan.msk.f32 $0xffff, v48  }
0x394: {  	v51 =	vsub.f32 $0.0e+00, v7;
	v52, _, _ =	vpop (xrf2);
	[tilespmem:v8+s7+$0x0] =	vst.idx.add.f32.msk vm3, v47;
	vm3 =	vne.s32 v43, v49  }
0x395: {  	v55 =	vperm.xlane v12, v1;
	vm12 =	vne.s32 v41, v50;
	[tilespmem:v13+s7+$0x0] =	vst.idx.add.f32.msk vm6, v19;
	vm2 =	vmor vm3, vm0;
	v53, _, _ =	vpop (xrf2)  }
0x396: {  	[tilespmem:v14+s7+$0x0] =	vst.idx.add.f32.msk vm7, v51;
	vm3 =	vmand vm3, vm1;
	(xrf2) =	vadd.scan.msk.f32 $0xffff, v23;
	v54 =	vsub.f32 $0.0e+00, v53  }
0x397: {  	vm8 =	vne.s32 v12, v55;
	vm13 =	vmor vm12, vm0;
	[tilespmem:v2+s6+$0x0] =	vst.idx.add.f32.msk vm15, v53  }
0x398: {  	vm14 =	vmor vm8, vm0;
	v56 =	vsub.f32 $0.0e+00, v52;
	[tilespmem:v44+s6+$0x0] =	vst.idx.add.f32.msk vm4, v54  }
0x399: {  	vm5 =	vmand vm12, vm1;
	(xrf2) =	vadd.scan.msk.f32 $0xffff, v38;
	v57, _, _ =	vpop (xrf2);
	[tilespmem:v2+s7+$0x0] =	vst.idx.add.f32.msk vm15, v52  }
0x39a: {  	vm15 =	vmand vm8, vm1;
	[tilespmem:v44+s7+$0x0] =	vst.idx.add.f32.msk vm4, v56;
	v2 =	vsub.f32 $0.0e+00, v57  }
0x39b: {  	[tilespmem:v43+s6+$0x0] =	vst.idx.add.f32.msk vm2, v57;
	v58, _, _ =	vpop (xrf2)  }
0x39c: {  	[tilespmem:v49+s6+$0x0] =	vst.idx.add.f32.msk vm3, v2;
	v2 =	vsub.f32 $0.0e+00, v58  }
0x39d: {  	[tilespmem:v41+s6+$0x0] =	vst.idx.add.f32.msk vm13, v58;
	v59, _, _ =	vpop (xrf2)  }
0x39e: {  	[tilespmem:v12+s6+$0x0] =	vst.idx.add.f32.msk vm14, v59;
	v5 =	vsub.f32 $0.0e+00, v59  }
0x39f: {  	[tilespmem:v50+s6+$0x0] =	vst.idx.add.f32.msk vm5, v2  }
0x3a0: {  	v63 =	vsub.f32 $0.0e+00, v40;
	[tilespmem:v55+s6+$0x0] =	vst.idx.add.f32.msk vm15, v5;
	v2, _, _ =	vpop (xrf2)  }
0x3a1: {  	v4 =	vmul.f32 v38, v4;
	v60 =	vsub.f32 $0.0e+00, v2;
	[tilespmem:v41+s7+$0x0] =	vst.idx.add.f32.msk vm13, v2;
	v2 =	vadd.f32 v10, v11  }
0x3a2: {  	[tilespmem:v12+s7+$0x0] =	vst.idx.add.f32.msk vm14, v40  }
0x3a3: {  	v3 =	vmul.f32 v23, v3;
	v61, _, _ =	vpop (xrf2);
	[tilespmem:v55+s7+$0x0] =	vst.idx.add.f32.msk vm15, v63;
	v2 =	vadd.f32 v4, v2  }
0x3a4: {  	v62 =	vsub.f32 $0.0e+00, v61;
	[tilespmem:v43+s7+$0x0] =	vst.idx.add.f32.msk vm2, v61  }
0x3a5: {  	[tilespmem:v50+s7+$0x0] =	vst.idx.add.f32.msk vm5, v60;
	v2 =	vadd.f32 v3, v2  }
0x3a6: {  	[tilespmem:v49+s7+$0x0] =	vst.idx.add.f32.msk vm3, v62  }
0x3a7: {  	s12 =	simm.s32 $0x80;
	s13 =	simm.s32 $0x400;
	[tilespmem:$0x10000] =	vst v2  }
0x3a8: {  	[hbm4b:s28+s12] =	stream.strided.scatter [tilespmem:s6], [sflag:$0x3], $0x2000, s13, s12, $0x38;
	[tilespmem:$0x10080] =	vst v63  }
0x3a9: {  	_ =	swait.ge [sflag:s11], $0x2000  }
0x3aa: {  	[sflag:s11] =	ssyncset.done $0x0  }
0x3ab: {  	[sflag:s11] =	ssyncadd.s32 $0xFFFFE000  }
0x3ac: {  	[hbm4b:s29+s12] =	stream.strided.scatter [tilespmem:s7], [sflag:$0x3], $0x2000, s13, s12, $0x38;
	[tilespmem:$0x10080] =	vst v63  }
0x3ad: {  	s9 =	sadd.s32 $0x1, s9;
	_ =	swait.ge [sflag:s11], $0x2000  }
0x3ae: {  	p0 =	sne.s32 s9, s31;
	[sflag:s11] =	ssyncset.done $0x0  }
.Ltmp9:
0x3af: {  	s14 =	simm.s32 $0x10000;
	[sflag:s11] =	ssyncadd.s32 $0xFFFFE000;
	(pc) =	sbr.rel @p0 .LBB2_1-.Ltmp9, $4  }
0x3b0: {  	[hbm4b:s30+s1] =	stream.linear.scatter [tilespmem:s14], [sflag:$0x3], $0x80, $0x38;
	[tilespmem:$0x10080] =	vst v63  }
0x3b1: {  	_ =	swait.ge [sflag:s11], $0x80  }
0x3b2: {  	[sflag:s11] =	ssyncset.done $0x0  }
0x3b3: {  	[sflag:s11] =	ssyncadd.s32 $0xFFFFFF80  }
0x3b4: {  	_ =	sfence.sel $0x180000  }
0x3b5: {  	[bflag:$0x0] =	sbarrier.arrive $0xFFFF  }
0x3b6: {  	_ =	strace $0x90000047  }
0x3b7: {  	s0 =	stileid.u32;
	[bflag:$0x2] =	sbarrier.arrive $0xFFFF  }
0x3b8: {  	p0 =	sne.s32 s0, $0x0;
	s0 =	rddreg [dreg:$0x4]  }
0x3b9: {  	s0 =	sadd.s32 @!p0 $0x100000, s0  }
0x3ba: {  	[sflag:s0] =	ssyncadd.tile.s32 @!p0 $0x1;
	_ =	shalt  }
.Lfunc_end2:
_tile_overlayer_lowered:
.L_overlay_start_2:
0x3bb: {  	(tag) =	ssettag $0x2  }
0x3bc: {  	s0 =	rddreg [dreg:$0x0];
	s2 =	stileid.u32  }
0x3bd: {  	s1 =	rddreg [dreg:$0x1];
	p0 =	sne.s32 s2, $0x0  }
0x3be: {  	s3 =	rddreg [dreg:$0x2];
	[bflag:$0x3] =	sbarrier.arrive $0xFFFF;
	s2 =	simm.s32 @!p0 $0x1C03  }
0x3bf: {  	[timem:s3], [sflag:s2] =	dma.local @!p0 [hbm:s0], s1  }
0x3c0: {  	s0 =	simm.s32 @!p0 $0x3  }
0x3c1: {  	_ =	swait.ge @!p0 [sflag:s0], s1  }
0x3c2: {  	s1 =	ssub.s32 @!p0 $0x0, s1;
	[sflag:s0] =	ssyncset.done @!p0 $0x0  }
0x3c3: {  	[sflag:s0] =	ssyncadd.s32 @!p0 s1  }
0x3c4: {  	[bflag:$0x3] =	sbarrier.arrive $0xFFFF  }
0x3c5: {  	_ =	shalt  }

</sc_bundles>
